<compile_context>
chip_gen: v7x
topology: tpu7x:2x2x1
jax: 0.10.2.dev20260603
libtpu: 0.0.44.dev20260713+nightly
codegen_flags: <defaults>
</compile_context>

<pallas_src>
import functools

import jax
import jax.numpy as jnp
from jax import lax
from jax.experimental import pallas as pl
from jax.experimental.pallas import tpu as pltpu
from jax.experimental.pallas import tpu_sc as plsc

TOPK = 100
CHUNK = 128
CB = 2048
CAP = 256
NCID = 128
NC, NS = 2, 16
NW = NC * NS
NEG = float("-inf")


def _v16(x):
    return jnp.full((16,), x, jnp.int32)





def _score_body(k_items, u_ref, w_ref, c_ref, s_ref, cm_ref, emb_ref):
    i = pl.program_id(0)

    @pl.when(i == 0)
    def _():
        emb_ref[...] = jnp.dot(u_ref[...], w_ref[...],
                               preferred_element_type=jnp.float32)

    s = lax.dot_general(emb_ref[...], c_ref[...],
                        (((1,), (1,)), ((), ())),
                        preferred_element_type=jnp.float32)
    col = i * CB + lax.broadcasted_iota(jnp.int32, (1, s.shape[1]), 1)
    s = jnp.where(col >= k_items, NEG, s)
    s_ref[...] = s
    cm_ref[...] = jnp.max(s.reshape(s.shape[0], CB // CHUNK, CHUNK),
                          axis=2)[None]


def _scores_and_chunkmax(users, W, candidates):
    q, d_in = users.shape
    k_items, d = candidates.shape
    ncb = (k_items + CB - 1) // CB
    kp = ncb * CB
    cand_p = jnp.pad(candidates, ((0, kp - k_items), (0, 0)))
    return pl.pallas_call(
        functools.partial(_score_body, k_items),
        grid=(ncb,),
        in_specs=[
            pl.BlockSpec((q, d_in), lambda i: (0, 0)),
            pl.BlockSpec((d_in, d), lambda i: (0, 0)),
            pl.BlockSpec((CB, d), lambda i: (i, 0)),
        ],
        out_specs=[
            pl.BlockSpec((q, CB), lambda i: (0, i)),
            pl.BlockSpec((1, q, CB // CHUNK), lambda i: (i, 0, 0)),
        ],
        out_shape=[
            jax.ShapeDtypeStruct((q, kp), jnp.float32),
            jax.ShapeDtypeStruct((ncb, q, CB // CHUNK), jnp.float32),
        ],
        scratch_shapes=[pltpu.VMEM((q, d), jnp.float32)],
    )(users, W, cand_p)



def _thresh_body(cm_ref, thr_ref):
    def step(_, c):
        m = jnp.max(c, axis=1, keepdims=True)
        return jnp.where(c >= m, NEG, c)

    cm = lax.fori_loop(0, TOPK - 1, step, cm_ref[...])
    m = jnp.max(cm, axis=1, keepdims=True)
    thr_ref[...] = jnp.broadcast_to(m, (m.shape[0], 16))


def _thresholds(cm):
    q = cm.shape[0]
    return pl.pallas_call(
        _thresh_body,
        out_shape=jax.ShapeDtypeStruct((q, 16), jnp.float32),
    )(cm)



def _sc_body(nq, nchunk, s3, cmf, ids, vals_o, gidx_o, idn_o,
             cm_v, cid_v, ridx_v, rows_v, val_v, gix_v, idn_v, cnt_v,
             sem):
    c = lax.axis_index("c")
    s = lax.axis_index("s")
    wid = s * NC + c
    qbase = wid * nq

    def per_query(qi, carry):
        q = qbase + qi
        pltpu.sync_copy(cmf.at[pl.ds(q * (nchunk + 16), nchunk + 16)], cm_v)
        t = cm_v[pl.ds(nchunk, 16)]

        for j in range(NCID // 16 + 1):
            cid_v[pl.ds(j * 16, 16)] = jnp.full((16,), nchunk - 1, jnp.int32)
        base = jnp.zeros((16,), jnp.int32)
        for j in range(nchunk // 16):
            cm16 = cm_v[pl.ds(j * 16, 16)]
            mask = cm16 >= t
            pos = base + plsc.cumsum(_v16(1), mask=mask) - _v16(1)
            pos = jnp.minimum(jnp.maximum(pos, _v16(0)), _v16(NCID - 1))
            cids = _v16(j * 16) + lax.iota(jnp.int32, 16)
            plsc.store_scatter(cid_v, [pos], cids, mask=mask)
            base = base + plsc.all_reduce_population_count(mask)

        cnt_v[pl.ds(0, 16)] = base
        n = jnp.minimum(cnt_v[pl.ds(0, 16)][0], NCID)

        for j in range(NCID // 16):
            ridx_v[pl.ds(j * 16, 16)] = (cid_v[pl.ds(j * 16, 16)]
                                         + _v16(q * nchunk))
        pltpu.async_copy(s3.at[ridx_v], rows_v, sem).wait()

        for j in range(CAP // 16):
            val_v[pl.ds(j * 16, 16)] = jnp.full((16,), NEG, jnp.float32)
            gix_v[pl.ds(j * 16, 16)] = jnp.zeros((16,), jnp.int32)

        def per_row(r, b):
            gb = _v16(cid_v[pl.ds(r, 16)][0] * CHUNK)
            for j in range(CHUNK // 16):
                rv = rows_v[r, pl.ds(j * 16, 16)]
                mask = rv >= t
                pos = b + plsc.cumsum(_v16(1), mask=mask) - _v16(1)
                pos = jnp.minimum(jnp.maximum(pos, _v16(0)), _v16(CAP - 1))
                g = gb + _v16(j * 16) + lax.iota(jnp.int32, 16)
                plsc.store_scatter(val_v, [pos], rv, mask=mask)
                plsc.store_scatter(gix_v, [pos], g, mask=mask)
                b = b + plsc.all_reduce_population_count(mask)
            return b

        lax.fori_loop(0, n, per_row, jnp.zeros((16,), jnp.int32))

        g1 = pltpu.async_copy(ids.at[gix_v.at[pl.ds(0, 128)]],
                              idn_v.at[pl.ds(0, 128)], sem)
        g2 = pltpu.async_copy(ids.at[gix_v.at[pl.ds(128, 128)]],
                              idn_v.at[pl.ds(128, 128)], sem)
        o1 = pltpu.async_copy(val_v, vals_o.at[pl.ds(q * CAP, CAP)], sem)
        o2 = pltpu.async_copy(gix_v, gidx_o.at[pl.ds(q * CAP, CAP)], sem)
        g1.wait()
        g2.wait()
        o3 = pltpu.async_copy(idn_v, idn_o.at[pl.ds(q * CAP, CAP)], sem)
        o1.wait()
        o2.wait()
        o3.wait()
        return carry

    lax.fori_loop(0, nq, per_query, 0)


def _sc_compact(scores, cm, thr, identifiers):
    q, kp = scores.shape
    nchunk = kp // CHUNK
    assert (nchunk + 16) % 8 == 0
    nq = q // NW
    s3 = scores.reshape(q * nchunk, CHUNK)
    mesh = plsc.VectorSubcoreMesh(core_axis_name="c", subcore_axis_name="s")
    f = pl.kernel(
        functools.partial(_sc_body, nq, nchunk),
        mesh=mesh,
        compiler_params=pltpu.CompilerParams(needs_layout_passes=False),
        out_type=[
            jax.ShapeDtypeStruct((q * CAP,), jnp.float32),
            jax.ShapeDtypeStruct((q * CAP,), jnp.int32),
            jax.ShapeDtypeStruct((q * CAP,), jnp.int32),
        ],
        scratch_types=[
            pltpu.VMEM((nchunk + 16,), jnp.float32),
            pltpu.VMEM((NCID + 16,), jnp.int32),
            pltpu.VMEM((NCID,), jnp.int32),
            pltpu.VMEM((NCID, CHUNK), jnp.float32),
            pltpu.VMEM((CAP,), jnp.float32),
            pltpu.VMEM((CAP,), jnp.int32),
            pltpu.VMEM((CAP,), jnp.int32),
            pltpu.VMEM((16,), jnp.int32),
            pltpu.SemaphoreType.DMA,
        ],
    )
    cmt = jnp.concatenate([cm, thr], axis=1)
    vals, gidx, idn = f(s3, cmt.reshape(-1), identifiers)
    return (vals.reshape(q, CAP), gidx.reshape(q, CAP), idn.reshape(q, CAP))



def _select_body(v_ref, gi_ref, id_ref, out_ref):
    v = v_ref[...]
    gi = gi_ref[...]
    ident = id_ref[...]
    q = v.shape[0]
    lanes = lax.broadcasted_iota(jnp.int32, (q, 128), 1)
    intmax = jnp.int32(2**31 - 1)

    def step(k, carry):
        v, out = carry
        m = jnp.max(v, axis=1, keepdims=True)
        sel = v >= m
        chosen = jnp.min(jnp.where(sel, gi, intmax), axis=1, keepdims=True)
        hit = sel & (gi == chosen)
        cid = jnp.sum(jnp.where(hit, ident, 0), axis=1, keepdims=True)
        out = out + jnp.where(lanes == k, cid, 0)
        return jnp.where(hit, NEG, v), out

    _, out = lax.fori_loop(0, TOPK, step,
                           (v, jnp.zeros((q, 128), jnp.int32)))
    out_ref[...] = out


def _select(vals, gidx, idn):
    q = vals.shape[0]
    return pl.pallas_call(
        _select_body,
        out_shape=jax.ShapeDtypeStruct((q, 128), jnp.int32),
    )(vals, gidx, idn)



def kernel(users, W, candidates, identifiers):
    q = users.shape[0]
    scores, cm3 = _scores_and_chunkmax(users, W, candidates)
    nchunk = scores.shape[1] // CHUNK
    cm = cm3.transpose(1, 0, 2).reshape(q, nchunk)
    thr = _thresholds(cm)
    vals, gidx, idn = _sc_compact(scores, cm, thr, identifiers)
    out = _select(vals, gidx, idn)
    return out[:, :TOPK]

# --- scband reference (transcript-rebuilt; emitter-appended) ---
"""Pipeline reference for scband-brute-force-index-9500467659388 (READ-ONLY COPY).

The authoritative reference and input builder live on the scoring server;
editing this copy changes nothing except your own understanding.
"""

import jax, jax.numpy as jnp
import numpy as np

Q = 1024
D_IN = 256
D = 128
K_ITEMS = 100000
TOPK = 100

def setup_inputs(seed: int = 0) -> dict:
    key = jax.random.key(seed)
    k1, k2, k3 = jax.random.split(key, 3)
    users = jax.random.normal(k1, (Q, D_IN), dtype=jnp.float32)
    # user_model modeled as a single linear projection (the user tower)
    W = jax.random.normal(k2, (D_IN, D), dtype=jnp.float32) * 0.05
    candidates = jax.random.normal(k3, (K_ITEMS, D), dtype=jnp.float32)
    identifiers = jnp.arange(K_ITEMS, dtype=jnp.int32)
    return {"users": users, "W": W, "candidates": candidates, "identifiers": identifiers}

def reference(users, W, candidates, identifiers):
    # user_model(users)
    user_embeddings = jnp.matmul(users, W)
    # scores = user_emb @ candidates^T
    scores = jnp.matmul(user_embeddings, candidates.T)
    # top-k over candidates
    _, indices = jax.lax.top_k(scores, TOPK)
    # gather identifiers
    return jnp.take(identifiers, indices)

if __name__ == "__main__":
    import jax
    _d = setup_inputs()
    print(jax.jit(kernel)(*tuple(_d.values())))

</pallas_src>

<mosaic_0001>
#map = affine_map<(d0, d1) -> (0, 0)>
#map1 = affine_map<(d0, d1) -> (0)>
module attributes {stable_mosaic.version = 14 : i64} {
  func.func @_sc_body(%arg0: i32, %arg1: i32, %arg2: memref<802816x128xf32, #tpu.memory_space<hbm>>, %arg3: memref<819200xf32, #tpu.memory_space<hbm>>, %arg4: memref<100000xi32, #tpu.memory_space<hbm>>, %arg5: memref<262144xf32, #tpu.memory_space<hbm>>, %arg6: memref<262144xi32, #tpu.memory_space<hbm>>, %arg7: memref<262144xi32, #tpu.memory_space<hbm>>, %arg8: memref<800xf32, #tpu.memory_space<vmem>>, %arg9: memref<144xi32, #tpu.memory_space<vmem>>, %arg10: memref<128xi32, #tpu.memory_space<vmem>>, %arg11: memref<128x128xf32, #tpu.memory_space<vmem>>, %arg12: memref<256xf32, #tpu.memory_space<vmem>>, %arg13: memref<256xi32, #tpu.memory_space<vmem>>, %arg14: memref<256xi32, #tpu.memory_space<vmem>>, %arg15: memref<16xi32, #tpu.memory_space<vmem>>, %arg16: memref<!tpu.dma_semaphore, #tpu.memory_space<semaphore_mem>>) attributes {dimension_semantics = [#tpu.dimension_semantics<core_parallel>, #tpu.dimension_semantics<subcore_parallel>], iteration_bounds = array<i64: 2, 16>, scalar_prefetch = 0 : i64, scratch_operands = 9 : i64, tpu.core_type = #tpu.core_type<sc_vector_subcore>, window_params = [{transform_indices = #map}, {transform_indices = #map1}, {transform_indices = #map1}, {transform_indices = #map1}, {transform_indices = #map1}, {transform_indices = #map1}]} {
    %mul3A = arith.constant 2 : i32
    %mul3A_0 = arith.muli %arg1, %mul3A : i32
    %add3A = arith.addi %mul3A_0, %arg0 : i32
    %mul3A_1 = arith.constant 32 : i32
    %mul3A_2 = arith.muli %add3A, %mul3A_1 : i32
    %scan3A = arith.constant 0 : i32
    %scan3A_3 = arith.constant 0 : i32
    %scan3A_4 = arith.constant 32 : i32
    %scan3A_5 = arith.addi %scan3A_3, %scan3A_4 : i32
    %scan3A_6 = arith.constant 1 : i32
    scf.for %scan3A_8 = %scan3A_3 to %scan3A_5 step %scan3A_6  : i32 {
      %add3A_9 = arith.addi %mul3A_2, %scan3A_8 : i32
      %mul3A_10 = arith.constant 800 : i32
      %mul3A_11 = arith.muli %add3A_9, %mul3A_10 : i32
      "tpu.region"() ({
        %run_scoped3A = tpu.sem_alloc : memref<!tpu.dma_semaphore, #tpu.memory_space<semaphore_mem>>
        %dma_start3A_1376 = tpu.memref_slice %arg3[%mul3A_11] : memref<819200xf32, #tpu.memory_space<hbm>> -> memref<800xf32, #tpu.memory_space<hbm>>
        %dma_start3A_1377 = tpu.memref_slice %arg3[%mul3A_11] : memref<819200xf32, #tpu.memory_space<hbm>> -> memref<800xf32, #tpu.memory_space<hbm>>
        tpu.enqueue_dma source(%dma_start3A_1377 : memref<800xf32, #tpu.memory_space<hbm>>) target(%arg8 : memref<800xf32, #tpu.memory_space<vmem>>) target_semaphore(%run_scoped3A : memref<!tpu.dma_semaphore, #tpu.memory_space<semaphore_mem>>)
        %dma_wait3A_1378 = tpu.memref_slice %arg3[%mul3A_11] : memref<819200xf32, #tpu.memory_space<hbm>> -> memref<800xf32, #tpu.memory_space<hbm>>
        %dma_wait3A_1379 = tpu.memref_slice %arg3[%mul3A_11] : memref<819200xf32, #tpu.memory_space<hbm>> -> memref<800xf32, #tpu.memory_space<hbm>>
        tpu.wait_dma2 semaphore(%run_scoped3A : memref<!tpu.dma_semaphore, #tpu.memory_space<semaphore_mem>>) src(%dma_wait3A_1379 : memref<800xf32, #tpu.memory_space<hbm>>) dst(%arg8 : memref<800xf32, #tpu.memory_space<vmem>>)
        tpu.yield
      }) : () -> ()
      %get3A = arith.constant 784 : index
      %get3A_12 = tpu.vector_load %arg8[%get3A] {strides = array<i32>} : memref<800xf32, #tpu.memory_space<vmem>>, vector<16xf32>,
      %broadcast_in_dim3A = arith.constant 783 : i32
      %broadcast_in_dim3A_13 = vector.broadcast %broadcast_in_dim3A : i32 to vector<16xi32>
      %swap3A = arith.constant 0 : index
      %swap3A_14 = tpu.vector_load %arg9[%swap3A] {strides = array<i32>} : memref<144xi32, #tpu.memory_space<vmem>>, vector<16xi32>,
      tpu.vector_store %arg9[%swap3A], %broadcast_in_dim3A_13 {strides = array<i32>} : memref<144xi32, #tpu.memory_space<vmem>>, vector<16xi32>,
      %broadcast_in_dim3A_15 = arith.constant 783 : i32
      %broadcast_in_dim3A_16 = vector.broadcast %broadcast_in_dim3A_15 : i32 to vector<16xi32>
      %swap3A_17 = arith.constant 16 : index
      %swap3A_18 = tpu.vector_load %arg9[%swap3A_17] {strides = array<i32>} : memref<144xi32, #tpu.memory_space<vmem>>, vector<16xi32>,
      tpu.vector_store %arg9[%swap3A_17], %broadcast_in_dim3A_16 {strides = array<i32>} : memref<144xi32, #tpu.memory_space<vmem>>, vector<16xi32>,
      %broadcast_in_dim3A_19 = arith.constant 783 : i32
      %broadcast_in_dim3A_20 = vector.broadcast %broadcast_in_dim3A_19 : i32 to vector<16xi32>
      %swap3A_21 = arith.constant 32 : index
      %swap3A_22 = tpu.vector_load %arg9[%swap3A_21] {strides = array<i32>} : memref<144xi32, #tpu.memory_space<vmem>>, vector<16xi32>,
      tpu.vector_store %arg9[%swap3A_21], %broadcast_in_dim3A_20 {strides = array<i32>} : memref<144xi32, #tpu.memory_space<vmem>>, vector<16xi32>,
      %broadcast_in_dim3A_23 = arith.constant 783 : i32
      %broadcast_in_dim3A_24 = vector.broadcast %broadcast_in_dim3A_23 : i32 to vector<16xi32>
      %swap3A_25 = arith.constant 48 : index
      %swap3A_26 = tpu.vector_load %arg9[%swap3A_25] {strides = array<i32>} : memref<144xi32, #tpu.memory_space<vmem>>, vector<16xi32>,
      tpu.vector_store %arg9[%swap3A_25], %broadcast_in_dim3A_24 {strides = array<i32>} : memref<144xi32, #tpu.memory_space<vmem>>, vector<16xi32>,
      %broadcast_in_dim3A_27 = arith.constant 783 : i32
      %broadcast_in_dim3A_28 = vector.broadcast %broadcast_in_dim3A_27 : i32 to vector<16xi32>
      %swap3A_29 = arith.constant 64 : index
      %swap3A_30 = tpu.vector_load %arg9[%swap3A_29] {strides = array<i32>} : memref<144xi32, #tpu.memory_space<vmem>>, vector<16xi32>,
      tpu.vector_store %arg9[%swap3A_29], %broadcast_in_dim3A_28 {strides = array<i32>} : memref<144xi32, #tpu.memory_space<vmem>>, vector<16xi32>,
      %broadcast_in_dim3A_31 = arith.constant 783 : i32
      %broadcast_in_dim3A_32 = vector.broadcast %broadcast_in_dim3A_31 : i32 to vector<16xi32>
      %swap3A_33 = arith.constant 80 : index
      %swap3A_34 = tpu.vector_load %arg9[%swap3A_33] {strides = array<i32>} : memref<144xi32, #tpu.memory_space<vmem>>, vector<16xi32>,
      tpu.vector_store %arg9[%swap3A_33], %broadcast_in_dim3A_32 {strides = array<i32>} : memref<144xi32, #tpu.memory_space<vmem>>, vector<16xi32>,
      %broadcast_in_dim3A_35 = arith.constant 783 : i32
      %broadcast_in_dim3A_36 = vector.broadcast %broadcast_in_dim3A_35 : i32 to vector<16xi32>
      %swap3A_37 = arith.constant 96 : index
      %swap3A_38 = tpu.vector_load %arg9[%swap3A_37] {strides = array<i32>} : memref<144xi32, #tpu.memory_space<vmem>>, vector<16xi32>,
      tpu.vector_store %arg9[%swap3A_37], %broadcast_in_dim3A_36 {strides = array<i32>} : memref<144xi32, #tpu.memory_space<vmem>>, vector<16xi32>,
      %broadcast_in_dim3A_39 = arith.constant 783 : i32
      %broadcast_in_dim3A_40 = vector.broadcast %broadcast_in_dim3A_39 : i32 to vector<16xi32>
      %swap3A_41 = arith.constant 112 : index
      %swap3A_42 = tpu.vector_load %arg9[%swap3A_41] {strides = array<i32>} : memref<144xi32, #tpu.memory_space<vmem>>, vector<16xi32>,
      tpu.vector_store %arg9[%swap3A_41], %broadcast_in_dim3A_40 {strides = array<i32>} : memref<144xi32, #tpu.memory_space<vmem>>, vector<16xi32>,
      %broadcast_in_dim3A_43 = arith.constant 783 : i32
      %broadcast_in_dim3A_44 = vector.broadcast %broadcast_in_dim3A_43 : i32 to vector<16xi32>
      %swap3A_45 = arith.constant 128 : index
      %swap3A_46 = tpu.vector_load %arg9[%swap3A_45] {strides = array<i32>} : memref<144xi32, #tpu.memory_space<vmem>>, vector<16xi32>,
      tpu.vector_store %arg9[%swap3A_45], %broadcast_in_dim3A_44 {strides = array<i32>} : memref<144xi32, #tpu.memory_space<vmem>>, vector<16xi32>,
      %broadcast_in_dim3A_47 = arith.constant 0 : i32
      %broadcast_in_dim3A_48 = vector.broadcast %broadcast_in_dim3A_47 : i32 to vector<16xi32>
      %get3A_49 = arith.constant 0 : index
      %get3A_50 = tpu.vector_load %arg8[%get3A_49] {strides = array<i32>} : memref<800xf32, #tpu.memory_space<vmem>>, vector<16xf32>,
      %ge3A = arith.cmpf oge, %get3A_50, %get3A_12 : vector<16xf32>
      %broadcast_in_dim3A_51 = arith.constant 1 : i32
      %broadcast_in_dim3A_52 = vector.broadcast %broadcast_in_dim3A_51 : i32 to vector<16xi32>
      %masked_cumsum3A = tpu.scan <sum>, %broadcast_in_dim3A_52 masked %ge3A : vector<16xi32>, vector<16xi1> -> vector<16xi32>
      %add3A_53 = arith.addi %broadcast_in_dim3A_48, %masked_cumsum3A : vector<16xi32>
      %broadcast_in_dim3A_54 = arith.constant 1 : i32
      %broadcast_in_dim3A_55 = vector.broadcast %broadcast_in_dim3A_54 : i32 to vector<16xi32>
      %sub3A = arith.subi %add3A_53, %broadcast_in_dim3A_55 : vector<16xi32>
      %broadcast_in_dim3A_56 = arith.constant 0 : i32
      %broadcast_in_dim3A_57 = vector.broadcast %broadcast_in_dim3A_56 : i32 to vector<16xi32>
      %max3A = arith.maxsi %sub3A, %broadcast_in_dim3A_57 : vector<16xi32>
      %broadcast_in_dim3A_58 = arith.constant 127 : i32
      %broadcast_in_dim3A_59 = vector.broadcast %broadcast_in_dim3A_58 : i32 to vector<16xi32>
      %min3A = arith.minsi %max3A, %broadcast_in_dim3A_59 : vector<16xi32>
      %broadcast_in_dim3A_60 = arith.constant 0 : i32
      %broadcast_in_dim3A_61 = vector.broadcast %broadcast_in_dim3A_60 : i32 to vector<16xi32>
      %iota3A = tpu.iota {dimensions = array<i32: 0>} : vector<16xi32>
      %add3A_62 = arith.addi %broadcast_in_dim3A_61, %iota3A : vector<16xi32>
      tpu.vector_store_idx %arg9[%min3A], %add3A_62 masked %ge3A : memref<144xi32, #tpu.memory_space<vmem>>[vector<16xi32>], vector<16xi32>, vector<16xi1>
      %all_reduce_population_count3A = tpu.all_reduce %ge3A {dim = 0 : i64, kind = #tpu.reduction_kind<sum>} : vector<16xi1> -> vector<16xi32>
      %add3A_63 = arith.addi %broadcast_in_dim3A_48, %all_reduce_population_count3A : vector<16xi32>
      %get3A_64 = arith.constant 16 : index
      %get3A_65 = tpu.vector_load %arg8[%get3A_64] {strides = array<i32>} : memref<800xf32, #tpu.memory_space<vmem>>, vector<16xf32>,
      %ge3A_66 = arith.cmpf oge, %get3A_65, %get3A_12 : vector<16xf32>
      %broadcast_in_dim3A_67 = arith.constant 1 : i32
      %broadcast_in_dim3A_68 = vector.broadcast %broadcast_in_dim3A_67 : i32 to vector<16xi32>
      %masked_cumsum3A_69 = tpu.scan <sum>, %broadcast_in_dim3A_68 masked %ge3A_66 : vector<16xi32>, vector<16xi1> -> vector<16xi32>
      %add3A_70 = arith.addi %add3A_63, %masked_cumsum3A_69 : vector<16xi32>
      %broadcast_in_dim3A_71 = arith.constant 1 : i32
      %broadcast_in_dim3A_72 = vector.broadcast %broadcast_in_dim3A_71 : i32 to vector<16xi32>
      %sub3A_73 = arith.subi %add3A_70, %broadcast_in_dim3A_72 : vector<16xi32>
      %broadcast_in_dim3A_74 = arith.constant 0 : i32
      %broadcast_in_dim3A_75 = vector.broadcast %broadcast_in_dim3A_74 : i32 to vector<16xi32>
      %max3A_76 = arith.maxsi %sub3A_73, %broadcast_in_dim3A_75 : vector<16xi32>
      %broadcast_in_dim3A_77 = arith.constant 127 : i32
      %broadcast_in_dim3A_78 = vector.broadcast %broadcast_in_dim3A_77 : i32 to vector<16xi32>
      %min3A_79 = arith.minsi %max3A_76, %broadcast_in_dim3A_78 : vector<16xi32>
      %broadcast_in_dim3A_80 = arith.constant 16 : i32
      %broadcast_in_dim3A_81 = vector.broadcast %broadcast_in_dim3A_80 : i32 to vector<16xi32>
      %iota3A_82 = tpu.iota {dimensions = array<i32: 0>} : vector<16xi32>
      %add3A_83 = arith.addi %broadcast_in_dim3A_81, %iota3A_82 : vector<16xi32>
      tpu.vector_store_idx %arg9[%min3A_79], %add3A_83 masked %ge3A_66 : memref<144xi32, #tpu.memory_space<vmem>>[vector<16xi32>], vector<16xi32>, vector<16xi1>
      %all_reduce_population_count3A_84 = tpu.all_reduce %ge3A_66 {dim = 0 : i64, kind = #tpu.reduction_kind<sum>} : vector<16xi1> -> vector<16xi32>
      %add3A_85 = arith.addi %add3A_63, %all_reduce_population_count3A_84 : vector<16xi32>
      %get3A_86 = arith.constant 32 : index
      %get3A_87 = tpu.vector_load %arg8[%get3A_86] {strides = array<i32>} : memref<800xf32, #tpu.memory_space<vmem>>, vector<16xf32>,
      %ge3A_88 = arith.cmpf oge, %get3A_87, %get3A_12 : vector<16xf32>
      %broadcast_in_dim3A_89 = arith.constant 1 : i32
      %broadcast_in_dim3A_90 = vector.broadcast %broadcast_in_dim3A_89 : i32 to vector<16xi32>
      %masked_cumsum3A_91 = tpu.scan <sum>, %broadcast_in_dim3A_90 masked %ge3A_88 : vector<16xi32>, vector<16xi1> -> vector<16xi32>
      %add3A_92 = arith.addi %add3A_85, %masked_cumsum3A_91 : vector<16xi32>
      %broadcast_in_dim3A_93 = arith.constant 1 : i32
      %broadcast_in_dim3A_94 = vector.broadcast %broadcast_in_dim3A_93 : i32 to vector<16xi32>
      %sub3A_95 = arith.subi %add3A_92, %broadcast_in_dim3A_94 : vector<16xi32>
      %broadcast_in_dim3A_96 = arith.constant 0 : i32
      %broadcast_in_dim3A_97 = vector.broadcast %broadcast_in_dim3A_96 : i32 to vector<16xi32>
      %max3A_98 = arith.maxsi %sub3A_95, %broadcast_in_dim3A_97 : vector<16xi32>
      %broadcast_in_dim3A_99 = arith.constant 127 : i32
      %broadcast_in_dim3A_100 = vector.broadcast %broadcast_in_dim3A_99 : i32 to vector<16xi32>
      %min3A_101 = arith.minsi %max3A_98, %broadcast_in_dim3A_100 : vector<16xi32>
      %broadcast_in_dim3A_102 = arith.constant 32 : i32
      %broadcast_in_dim3A_103 = vector.broadcast %broadcast_in_dim3A_102 : i32 to vector<16xi32>
      %iota3A_104 = tpu.iota {dimensions = array<i32: 0>} : vector<16xi32>
      %add3A_105 = arith.addi %broadcast_in_dim3A_103, %iota3A_104 : vector<16xi32>
      tpu.vector_store_idx %arg9[%min3A_101], %add3A_105 masked %ge3A_88 : memref<144xi32, #tpu.memory_space<vmem>>[vector<16xi32>], vector<16xi32>, vector<16xi1>
      %all_reduce_population_count3A_106 = tpu.all_reduce %ge3A_88 {dim = 0 : i64, kind = #tpu.reduction_kind<sum>} : vector<16xi1> -> vector<16xi32>
      %add3A_107 = arith.addi %add3A_85, %all_reduce_population_count3A_106 : vector<16xi32>
      %get3A_108 = arith.constant 48 : index
      %get3A_109 = tpu.vector_load %arg8[%get3A_108] {strides = array<i32>} : memref<800xf32, #tpu.memory_space<vmem>>, vector<16xf32>,
      %ge3A_110 = arith.cmpf oge, %get3A_109, %get3A_12 : vector<16xf32>
      %broadcast_in_dim3A_111 = arith.constant 1 : i32
      %broadcast_in_dim3A_112 = vector.broadcast %broadcast_in_dim3A_111 : i32 to vector<16xi32>
      %masked_cumsum3A_113 = tpu.scan <sum>, %broadcast_in_dim3A_112 masked %ge3A_110 : vector<16xi32>, vector<16xi1> -> vector<16xi32>
      %add3A_114 = arith.addi %add3A_107, %masked_cumsum3A_113 : vector<16xi32>
      %broadcast_in_dim3A_115 = arith.constant 1 : i32
      %broadcast_in_dim3A_116 = vector.broadcast %broadcast_in_dim3A_115 : i32 to vector<16xi32>
      %sub3A_117 = arith.subi %add3A_114, %broadcast_in_dim3A_116 : vector<16xi32>
      %broadcast_in_dim3A_118 = arith.constant 0 : i32
      %broadcast_in_dim3A_119 = vector.broadcast %broadcast_in_dim3A_118 : i32 to vector<16xi32>
      %max3A_120 = arith.maxsi %sub3A_117, %broadcast_in_dim3A_119 : vector<16xi32>
      %broadcast_in_dim3A_121 = arith.constant 127 : i32
      %broadcast_in_dim3A_122 = vector.broadcast %broadcast_in_dim3A_121 : i32 to vector<16xi32>
      %min3A_123 = arith.minsi %max3A_120, %broadcast_in_dim3A_122 : vector<16xi32>
      %broadcast_in_dim3A_124 = arith.constant 48 : i32
      %broadcast_in_dim3A_125 = vector.broadcast %broadcast_in_dim3A_124 : i32 to vector<16xi32>
      %iota3A_126 = tpu.iota {dimensions = array<i32: 0>} : vector<16xi32>
      %add3A_127 = arith.addi %broadcast_in_dim3A_125, %iota3A_126 : vector<16xi32>
      tpu.vector_store_idx %arg9[%min3A_123], %add3A_127 masked %ge3A_110 : memref<144xi32, #tpu.memory_space<vmem>>[vector<16xi32>], vector<16xi32>, vector<16xi1>
      %all_reduce_population_count3A_128 = tpu.all_reduce %ge3A_110 {dim = 0 : i64, kind = #tpu.reduction_kind<sum>} : vector<16xi1> -> vector<16xi32>
      %add3A_129 = arith.addi %add3A_107, %all_reduce_population_count3A_128 : vector<16xi32>
      %get3A_130 = arith.constant 64 : index
      %get3A_131 = tpu.vector_load %arg8[%get3A_130] {strides = array<i32>} : memref<800xf32, #tpu.memory_space<vmem>>, vector<16xf32>,
      %ge3A_132 = arith.cmpf oge, %get3A_131, %get3A_12 : vector<16xf32>
      %broadcast_in_dim3A_133 = arith.constant 1 : i32
      %broadcast_in_dim3A_134 = vector.broadcast %broadcast_in_dim3A_133 : i32 to vector<16xi32>
      %masked_cumsum3A_135 = tpu.scan <sum>, %broadcast_in_dim3A_134 masked %ge3A_132 : vector<16xi32>, vector<16xi1> -> vector<16xi32>
      %add3A_136 = arith.addi %add3A_129, %masked_cumsum3A_135 : vector<16xi32>
      %broadcast_in_dim3A_137 = arith.constant 1 : i32
      %broadcast_in_dim3A_138 = vector.broadcast %broadcast_in_dim3A_137 : i32 to vector<16xi32>
      %sub3A_139 = arith.subi %add3A_136, %broadcast_in_dim3A_138 : vector<16xi32>
      %broadcast_in_dim3A_140 = arith.constant 0 : i32
      %broadcast_in_dim3A_141 = vector.broadcast %broadcast_in_dim3A_140 : i32 to vector<16xi32>
      %max3A_142 = arith.maxsi %sub3A_139, %broadcast_in_dim3A_141 : vector<16xi32>
      %broadcast_in_dim3A_143 = arith.constant 127 : i32
      %broadcast_in_dim3A_144 = vector.broadcast %broadcast_in_dim3A_143 : i32 to vector<16xi32>
      %min3A_145 = arith.minsi %max3A_142, %broadcast_in_dim3A_144 : vector<16xi32>
      %broadcast_in_dim3A_146 = arith.constant 64 : i32
      %broadcast_in_dim3A_147 = vector.broadcast %broadcast_in_dim3A_146 : i32 to vector<16xi32>
      %iota3A_148 = tpu.iota {dimensions = array<i32: 0>} : vector<16xi32>
      %add3A_149 = arith.addi %broadcast_in_dim3A_147, %iota3A_148 : vector<16xi32>
      tpu.vector_store_idx %arg9[%min3A_145], %add3A_149 masked %ge3A_132 : memref<144xi32, #tpu.memory_space<vmem>>[vector<16xi32>], vector<16xi32>, vector<16xi1>
      %all_reduce_population_count3A_150 = tpu.all_reduce %ge3A_132 {dim = 0 : i64, kind = #tpu.reduction_kind<sum>} : vector<16xi1> -> vector<16xi32>
      %add3A_151 = arith.addi %add3A_129, %all_reduce_population_count3A_150 : vector<16xi32>
      %get3A_152 = arith.constant 80 : index
      %get3A_153 = tpu.vector_load %arg8[%get3A_152] {strides = array<i32>} : memref<800xf32, #tpu.memory_space<vmem>>, vector<16xf32>,
      %ge3A_154 = arith.cmpf oge, %get3A_153, %get3A_12 : vector<16xf32>
      %broadcast_in_dim3A_155 = arith.constant 1 : i32
      %broadcast_in_dim3A_156 = vector.broadcast %broadcast_in_dim3A_155 : i32 to vector<16xi32>
      %masked_cumsum3A_157 = tpu.scan <sum>, %broadcast_in_dim3A_156 masked %ge3A_154 : vector<16xi32>, vector<16xi1> -> vector<16xi32>
      %add3A_158 = arith.addi %add3A_151, %masked_cumsum3A_157 : vector<16xi32>
      %broadcast_in_dim3A_159 = arith.constant 1 : i32
      %broadcast_in_dim3A_160 = vector.broadcast %broadcast_in_dim3A_159 : i32 to vector<16xi32>
      %sub3A_161 = arith.subi %add3A_158, %broadcast_in_dim3A_160 : vector<16xi32>
      %broadcast_in_dim3A_162 = arith.constant 0 : i32
      %broadcast_in_dim3A_163 = vector.broadcast %broadcast_in_dim3A_162 : i32 to vector<16xi32>
      %max3A_164 = arith.maxsi %sub3A_161, %broadcast_in_dim3A_163 : vector<16xi32>
      %broadcast_in_dim3A_165 = arith.constant 127 : i32
      %broadcast_in_dim3A_166 = vector.broadcast %broadcast_in_dim3A_165 : i32 to vector<16xi32>
      %min3A_167 = arith.minsi %max3A_164, %broadcast_in_dim3A_166 : vector<16xi32>
      %broadcast_in_dim3A_168 = arith.constant 80 : i32
      %broadcast_in_dim3A_169 = vector.broadcast %broadcast_in_dim3A_168 : i32 to vector<16xi32>
      %iota3A_170 = tpu.iota {dimensions = array<i32: 0>} : vector<16xi32>
      %add3A_171 = arith.addi %broadcast_in_dim3A_169, %iota3A_170 : vector<16xi32>
      tpu.vector_store_idx %arg9[%min3A_167], %add3A_171 masked %ge3A_154 : memref<144xi32, #tpu.memory_space<vmem>>[vector<16xi32>], vector<16xi32>, vector<16xi1>
      %all_reduce_population_count3A_172 = tpu.all_reduce %ge3A_154 {dim = 0 : i64, kind = #tpu.reduction_kind<sum>} : vector<16xi1> -> vector<16xi32>
      %add3A_173 = arith.addi %add3A_151, %all_reduce_population_count3A_172 : vector<16xi32>
      %get3A_174 = arith.constant 96 : index
      %get3A_175 = tpu.vector_load %arg8[%get3A_174] {strides = array<i32>} : memref<800xf32, #tpu.memory_space<vmem>>, vector<16xf32>,
      %ge3A_176 = arith.cmpf oge, %get3A_175, %get3A_12 : vector<16xf32>
      %broadcast_in_dim3A_177 = arith.constant 1 : i32
      %broadcast_in_dim3A_178 = vector.broadcast %broadcast_in_dim3A_177 : i32 to vector<16xi32>
      %masked_cumsum3A_179 = tpu.scan <sum>, %broadcast_in_dim3A_178 masked %ge3A_176 : vector<16xi32>, vector<16xi1> -> vector<16xi32>
      %add3A_180 = arith.addi %add3A_173, %masked_cumsum3A_179 : vector<16xi32>
      %broadcast_in_dim3A_181 = arith.constant 1 : i32
      %broadcast_in_dim3A_182 = vector.broadcast %broadcast_in_dim3A_181 : i32 to vector<16xi32>
      %sub3A_183 = arith.subi %add3A_180, %broadcast_in_dim3A_182 : vector<16xi32>
      %broadcast_in_dim3A_184 = arith.constant 0 : i32
      %broadcast_in_dim3A_185 = vector.broadcast %broadcast_in_dim3A_184 : i32 to vector<16xi32>
      %max3A_186 = arith.maxsi %sub3A_183, %broadcast_in_dim3A_185 : vector<16xi32>
      %broadcast_in_dim3A_187 = arith.constant 127 : i32
      %broadcast_in_dim3A_188 = vector.broadcast %broadcast_in_dim3A_187 : i32 to vector<16xi32>
      %min3A_189 = arith.minsi %max3A_186, %broadcast_in_dim3A_188 : vector<16xi32>
      %broadcast_in_dim3A_190 = arith.constant 96 : i32
      %broadcast_in_dim3A_191 = vector.broadcast %broadcast_in_dim3A_190 : i32 to vector<16xi32>
      %iota3A_192 = tpu.iota {dimensions = array<i32: 0>} : vector<16xi32>
      %add3A_193 = arith.addi %broadcast_in_dim3A_191, %iota3A_192 : vector<16xi32>
      tpu.vector_store_idx %arg9[%min3A_189], %add3A_193 masked %ge3A_176 : memref<144xi32, #tpu.memory_space<vmem>>[vector<16xi32>], vector<16xi32>, vector<16xi1>
      %all_reduce_population_count3A_194 = tpu.all_reduce %ge3A_176 {dim = 0 : i64, kind = #tpu.reduction_kind<sum>} : vector<16xi1> -> vector<16xi32>
      %add3A_195 = arith.addi %add3A_173, %all_reduce_population_count3A_194 : vector<16xi32>
      %get3A_196 = arith.constant 112 : index
      %get3A_197 = tpu.vector_load %arg8[%get3A_196] {strides = array<i32>} : memref<800xf32, #tpu.memory_space<vmem>>, vector<16xf32>,
      %ge3A_198 = arith.cmpf oge, %get3A_197, %get3A_12 : vector<16xf32>
      %broadcast_in_dim3A_199 = arith.constant 1 : i32
      %broadcast_in_dim3A_200 = vector.broadcast %broadcast_in_dim3A_199 : i32 to vector<16xi32>
      %masked_cumsum3A_201 = tpu.scan <sum>, %broadcast_in_dim3A_200 masked %ge3A_198 : vector<16xi32>, vector<16xi1> -> vector<16xi32>
      %add3A_202 = arith.addi %add3A_195, %masked_cumsum3A_201 : vector<16xi32>
      %broadcast_in_dim3A_203 = arith.constant 1 : i32
      %broadcast_in_dim3A_204 = vector.broadcast %broadcast_in_dim3A_203 : i32 to vector<16xi32>
      %sub3A_205 = arith.subi %add3A_202, %broadcast_in_dim3A_204 : vector<16xi32>
      %broadcast_in_dim3A_206 = arith.constant 0 : i32
      %broadcast_in_dim3A_207 = vector.broadcast %broadcast_in_dim3A_206 : i32 to vector<16xi32>
      %max3A_208 = arith.maxsi %sub3A_205, %broadcast_in_dim3A_207 : vector<16xi32>
      %broadcast_in_dim3A_209 = arith.constant 127 : i32
      %broadcast_in_dim3A_210 = vector.broadcast %broadcast_in_dim3A_209 : i32 to vector<16xi32>
      %min3A_211 = arith.minsi %max3A_208, %broadcast_in_dim3A_210 : vector<16xi32>
      %broadcast_in_dim3A_212 = arith.constant 112 : i32
      %broadcast_in_dim3A_213 = vector.broadcast %broadcast_in_dim3A_212 : i32 to vector<16xi32>
      %iota3A_214 = tpu.iota {dimensions = array<i32: 0>} : vector<16xi32>
      %add3A_215 = arith.addi %broadcast_in_dim3A_213, %iota3A_214 : vector<16xi32>
      tpu.vector_store_idx %arg9[%min3A_211], %add3A_215 masked %ge3A_198 : memref<144xi32, #tpu.memory_space<vmem>>[vector<16xi32>], vector<16xi32>, vector<16xi1>
      %all_reduce_population_count3A_216 = tpu.all_reduce %ge3A_198 {dim = 0 : i64, kind = #tpu.reduction_kind<sum>} : vector<16xi1> -> vector<16xi32>
      %add3A_217 = arith.addi %add3A_195, %all_reduce_population_count3A_216 : vector<16xi32>
      %get3A_218 = arith.constant 128 : index
      %get3A_219 = tpu.vector_load %arg8[%get3A_218] {strides = array<i32>} : memref<800xf32, #tpu.memory_space<vmem>>, vector<16xf32>,
      %ge3A_220 = arith.cmpf oge, %get3A_219, %get3A_12 : vector<16xf32>
      %broadcast_in_dim3A_221 = arith.constant 1 : i32
      %broadcast_in_dim3A_222 = vector.broadcast %broadcast_in_dim3A_221 : i32 to vector<16xi32>
      %masked_cumsum3A_223 = tpu.scan <sum>, %broadcast_in_dim3A_222 masked %ge3A_220 : vector<16xi32>, vector<16xi1> -> vector<16xi32>
      %add3A_224 = arith.addi %add3A_217, %masked_cumsum3A_223 : vector<16xi32>
      %broadcast_in_dim3A_225 = arith.constant 1 : i32
      %broadcast_in_dim3A_226 = vector.broadcast %broadcast_in_dim3A_225 : i32 to vector<16xi32>
      %sub3A_227 = arith.subi %add3A_224, %broadcast_in_dim3A_226 : vector<16xi32>
      %broadcast_in_dim3A_228 = arith.constant 0 : i32
      %broadcast_in_dim3A_229 = vector.broadcast %broadcast_in_dim3A_228 : i32 to vector<16xi32>
      %max3A_230 = arith.maxsi %sub3A_227, %broadcast_in_dim3A_229 : vector<16xi32>
      %broadcast_in_dim3A_231 = arith.constant 127 : i32
      %broadcast_in_dim3A_232 = vector.broadcast %broadcast_in_dim3A_231 : i32 to vector<16xi32>
      %min3A_233 = arith.minsi %max3A_230, %broadcast_in_dim3A_232 : vector<16xi32>
      %broadcast_in_dim3A_234 = arith.constant 128 : i32
      %broadcast_in_dim3A_235 = vector.broadcast %broadcast_in_dim3A_234 : i32 to vector<16xi32>
      %iota3A_236 = tpu.iota {dimensions = array<i32: 0>} : vector<16xi32>
      %add3A_237 = arith.addi %broadcast_in_dim3A_235, %iota3A_236 : vector<16xi32>
      tpu.vector_store_idx %arg9[%min3A_233], %add3A_237 masked %ge3A_220 : memref<144xi32, #tpu.memory_space<vmem>>[vector<16xi32>], vector<16xi32>, vector<16xi1>
      %all_reduce_population_count3A_238 = tpu.all_reduce %ge3A_220 {dim = 0 : i64, kind = #tpu.reduction_kind<sum>} : vector<16xi1> -> vector<16xi32>
      %add3A_239 = arith.addi %add3A_217, %all_reduce_population_count3A_238 : vector<16xi32>
      %get3A_240 = arith.constant 144 : index
      %get3A_241 = tpu.vector_load %arg8[%get3A_240] {strides = array<i32>} : memref<800xf32, #tpu.memory_space<vmem>>, vector<16xf32>,
      %ge3A_242 = arith.cmpf oge, %get3A_241, %get3A_12 : vector<16xf32>
      %broadcast_in_dim3A_243 = arith.constant 1 : i32
      %broadcast_in_dim3A_244 = vector.broadcast %broadcast_in_dim3A_243 : i32 to vector<16xi32>
      %masked_cumsum3A_245 = tpu.scan <sum>, %broadcast_in_dim3A_244 masked %ge3A_242 : vector<16xi32>, vector<16xi1> -> vector<16xi32>
      %add3A_246 = arith.addi %add3A_239, %masked_cumsum3A_245 : vector<16xi32>
      %broadcast_in_dim3A_247 = arith.constant 1 : i32
      %broadcast_in_dim3A_248 = vector.broadcast %broadcast_in_dim3A_247 : i32 to vector<16xi32>
      %sub3A_249 = arith.subi %add3A_246, %broadcast_in_dim3A_248 : vector<16xi32>
      %broadcast_in_dim3A_250 = arith.constant 0 : i32
      %broadcast_in_dim3A_251 = vector.broadcast %broadcast_in_dim3A_250 : i32 to vector<16xi32>
      %max3A_252 = arith.maxsi %sub3A_249, %broadcast_in_dim3A_251 : vector<16xi32>
      %broadcast_in_dim3A_253 = arith.constant 127 : i32
      %broadcast_in_dim3A_254 = vector.broadcast %broadcast_in_dim3A_253 : i32 to vector<16xi32>
      %min3A_255 = arith.minsi %max3A_252, %broadcast_in_dim3A_254 : vector<16xi32>
      %broadcast_in_dim3A_256 = arith.constant 144 : i32
      %broadcast_in_dim3A_257 = vector.broadcast %broadcast_in_dim3A_256 : i32 to vector<16xi32>
      %iota3A_258 = tpu.iota {dimensions = array<i32: 0>} : vector<16xi32>
      %add3A_259 = arith.addi %broadcast_in_dim3A_257, %iota3A_258 : vector<16xi32>
      tpu.vector_store_idx %arg9[%min3A_255], %add3A_259 masked %ge3A_242 : memref<144xi32, #tpu.memory_space<vmem>>[vector<16xi32>], vector<16xi32>, vector<16xi1>
      %all_reduce_population_count3A_260 = tpu.all_reduce %ge3A_242 {dim = 0 : i64, kind = #tpu.reduction_kind<sum>} : vector<16xi1> -> vector<16xi32>
      %add3A_261 = arith.addi %add3A_239, %all_reduce_population_count3A_260 : vector<16xi32>
      %get3A_262 = arith.constant 160 : index
      %get3A_263 = tpu.vector_load %arg8[%get3A_262] {strides = array<i32>} : memref<800xf32, #tpu.memory_space<vmem>>, vector<16xf32>,
      %ge3A_264 = arith.cmpf oge, %get3A_263, %get3A_12 : vector<16xf32>
      %broadcast_in_dim3A_265 = arith.constant 1 : i32
      %broadcast_in_dim3A_266 = vector.broadcast %broadcast_in_dim3A_265 : i32 to vector<16xi32>
      %masked_cumsum3A_267 = tpu.scan <sum>, %broadcast_in_dim3A_266 masked %ge3A_264 : vector<16xi32>, vector<16xi1> -> vector<16xi32>
      %add3A_268 = arith.addi %add3A_261, %masked_cumsum3A_267 : vector<16xi32>
      %broadcast_in_dim3A_269 = arith.constant 1 : i32
      %broadcast_in_dim3A_270 = vector.broadcast %broadcast_in_dim3A_269 : i32 to vector<16xi32>
      %sub3A_271 = arith.subi %add3A_268, %broadcast_in_dim3A_270 : vector<16xi32>
      %broadcast_in_dim3A_272 = arith.constant 0 : i32
      %broadcast_in_dim3A_273 = vector.broadcast %broadcast_in_dim3A_272 : i32 to vector<16xi32>
      %max3A_274 = arith.maxsi %sub3A_271, %broadcast_in_dim3A_273 : vector<16xi32>
      %broadcast_in_dim3A_275 = arith.constant 127 : i32
      %broadcast_in_dim3A_276 = vector.broadcast %broadcast_in_dim3A_275 : i32 to vector<16xi32>
      %min3A_277 = arith.minsi %max3A_274, %broadcast_in_dim3A_276 : vector<16xi32>
      %broadcast_in_dim3A_278 = arith.constant 160 : i32
      %broadcast_in_dim3A_279 = vector.broadcast %broadcast_in_dim3A_278 : i32 to vector<16xi32>
      %iota3A_280 = tpu.iota {dimensions = array<i32: 0>} : vector<16xi32>
      %add3A_281 = arith.addi %broadcast_in_dim3A_279, %iota3A_280 : vector<16xi32>
      tpu.vector_store_idx %arg9[%min3A_277], %add3A_281 masked %ge3A_264 : memref<144xi32, #tpu.memory_space<vmem>>[vector<16xi32>], vector<16xi32>, vector<16xi1>
      %all_reduce_population_count3A_282 = tpu.all_reduce %ge3A_264 {dim = 0 : i64, kind = #tpu.reduction_kind<sum>} : vector<16xi1> -> vector<16xi32>
      %add3A_283 = arith.addi %add3A_261, %all_reduce_population_count3A_282 : vector<16xi32>
      %get3A_284 = arith.constant 176 : index
      %get3A_285 = tpu.vector_load %arg8[%get3A_284] {strides = array<i32>} : memref<800xf32, #tpu.memory_space<vmem>>, vector<16xf32>,
      %ge3A_286 = arith.cmpf oge, %get3A_285, %get3A_12 : vector<16xf32>
      %broadcast_in_dim3A_287 = arith.constant 1 : i32
      %broadcast_in_dim3A_288 = vector.broadcast %broadcast_in_dim3A_287 : i32 to vector<16xi32>
      %masked_cumsum3A_289 = tpu.scan <sum>, %broadcast_in_dim3A_288 masked %ge3A_286 : vector<16xi32>, vector<16xi1> -> vector<16xi32>
      %add3A_290 = arith.addi %add3A_283, %masked_cumsum3A_289 : vector<16xi32>
      %broadcast_in_dim3A_291 = arith.constant 1 : i32
      %broadcast_in_dim3A_292 = vector.broadcast %broadcast_in_dim3A_291 : i32 to vector<16xi32>
      %sub3A_293 = arith.subi %add3A_290, %broadcast_in_dim3A_292 : vector<16xi32>
      %broadcast_in_dim3A_294 = arith.constant 0 : i32
      %broadcast_in_dim3A_295 = vector.broadcast %broadcast_in_dim3A_294 : i32 to vector<16xi32>
      %max3A_296 = arith.maxsi %sub3A_293, %broadcast_in_dim3A_295 : vector<16xi32>
      %broadcast_in_dim3A_297 = arith.constant 127 : i32
      %broadcast_in_dim3A_298 = vector.broadcast %broadcast_in_dim3A_297 : i32 to vector<16xi32>
      %min3A_299 = arith.minsi %max3A_296, %broadcast_in_dim3A_298 : vector<16xi32>
      %broadcast_in_dim3A_300 = arith.constant 176 : i32
      %broadcast_in_dim3A_301 = vector.broadcast %broadcast_in_dim3A_300 : i32 to vector<16xi32>
      %iota3A_302 = tpu.iota {dimensions = array<i32: 0>} : vector<16xi32>
      %add3A_303 = arith.addi %broadcast_in_dim3A_301, %iota3A_302 : vector<16xi32>
      tpu.vector_store_idx %arg9[%min3A_299], %add3A_303 masked %ge3A_286 : memref<144xi32, #tpu.memory_space<vmem>>[vector<16xi32>], vector<16xi32>, vector<16xi1>
      %all_reduce_population_count3A_304 = tpu.all_reduce %ge3A_286 {dim = 0 : i64, kind = #tpu.reduction_kind<sum>} : vector<16xi1> -> vector<16xi32>
      %add3A_305 = arith.addi %add3A_283, %all_reduce_population_count3A_304 : vector<16xi32>
      %get3A_306 = arith.constant 192 : index
      %get3A_307 = tpu.vector_load %arg8[%get3A_306] {strides = array<i32>} : memref<800xf32, #tpu.memory_space<vmem>>, vector<16xf32>,
      %ge3A_308 = arith.cmpf oge, %get3A_307, %get3A_12 : vector<16xf32>
      %broadcast_in_dim3A_309 = arith.constant 1 : i32
      %broadcast_in_dim3A_310 = vector.broadcast %broadcast_in_dim3A_309 : i32 to vector<16xi32>
      %masked_cumsum3A_311 = tpu.scan <sum>, %broadcast_in_dim3A_310 masked %ge3A_308 : vector<16xi32>, vector<16xi1> -> vector<16xi32>
      %add3A_312 = arith.addi %add3A_305, %masked_cumsum3A_311 : vector<16xi32>
      %broadcast_in_dim3A_313 = arith.constant 1 : i32
      %broadcast_in_dim3A_314 = vector.broadcast %broadcast_in_dim3A_313 : i32 to vector<16xi32>
      %sub3A_315 = arith.subi %add3A_312, %broadcast_in_dim3A_314 : vector<16xi32>
      %broadcast_in_dim3A_316 = arith.constant 0 : i32
      %broadcast_in_dim3A_317 = vector.broadcast %broadcast_in_dim3A_316 : i32 to vector<16xi32>
      %max3A_318 = arith.maxsi %sub3A_315, %broadcast_in_dim3A_317 : vector<16xi32>
      %broadcast_in_dim3A_319 = arith.constant 127 : i32
      %broadcast_in_dim3A_320 = vector.broadcast %broadcast_in_dim3A_319 : i32 to vector<16xi32>
      %min3A_321 = arith.minsi %max3A_318, %broadcast_in_dim3A_320 : vector<16xi32>
      %broadcast_in_dim3A_322 = arith.constant 192 : i32
      %broadcast_in_dim3A_323 = vector.broadcast %broadcast_in_dim3A_322 : i32 to vector<16xi32>
      %iota3A_324 = tpu.iota {dimensions = array<i32: 0>} : vector<16xi32>
      %add3A_325 = arith.addi %broadcast_in_dim3A_323, %iota3A_324 : vector<16xi32>
      tpu.vector_store_idx %arg9[%min3A_321], %add3A_325 masked %ge3A_308 : memref<144xi32, #tpu.memory_space<vmem>>[vector<16xi32>], vector<16xi32>, vector<16xi1>
      %all_reduce_population_count3A_326 = tpu.all_reduce %ge3A_308 {dim = 0 : i64, kind = #tpu.reduction_kind<sum>} : vector<16xi1> -> vector<16xi32>
      %add3A_327 = arith.addi %add3A_305, %all_reduce_population_count3A_326 : vector<16xi32>
      %get3A_328 = arith.constant 208 : index
      %get3A_329 = tpu.vector_load %arg8[%get3A_328] {strides = array<i32>} : memref<800xf32, #tpu.memory_space<vmem>>, vector<16xf32>,
      %ge3A_330 = arith.cmpf oge, %get3A_329, %get3A_12 : vector<16xf32>
      %broadcast_in_dim3A_331 = arith.constant 1 : i32
      %broadcast_in_dim3A_332 = vector.broadcast %broadcast_in_dim3A_331 : i32 to vector<16xi32>
      %masked_cumsum3A_333 = tpu.scan <sum>, %broadcast_in_dim3A_332 masked %ge3A_330 : vector<16xi32>, vector<16xi1> -> vector<16xi32>
      %add3A_334 = arith.addi %add3A_327, %masked_cumsum3A_333 : vector<16xi32>
      %broadcast_in_dim3A_335 = arith.constant 1 : i32
      %broadcast_in_dim3A_336 = vector.broadcast %broadcast_in_dim3A_335 : i32 to vector<16xi32>
      %sub3A_337 = arith.subi %add3A_334, %broadcast_in_dim3A_336 : vector<16xi32>
      %broadcast_in_dim3A_338 = arith.constant 0 : i32
      %broadcast_in_dim3A_339 = vector.broadcast %broadcast_in_dim3A_338 : i32 to vector<16xi32>
      %max3A_340 = arith.maxsi %sub3A_337, %broadcast_in_dim3A_339 : vector<16xi32>
      %broadcast_in_dim3A_341 = arith.constant 127 : i32
      %broadcast_in_dim3A_342 = vector.broadcast %broadcast_in_dim3A_341 : i32 to vector<16xi32>
      %min3A_343 = arith.minsi %max3A_340, %broadcast_in_dim3A_342 : vector<16xi32>
      %broadcast_in_dim3A_344 = arith.constant 208 : i32
      %broadcast_in_dim3A_345 = vector.broadcast %broadcast_in_dim3A_344 : i32 to vector<16xi32>
      %iota3A_346 = tpu.iota {dimensions = array<i32: 0>} : vector<16xi32>
      %add3A_347 = arith.addi %broadcast_in_dim3A_345, %iota3A_346 : vector<16xi32>
      tpu.vector_store_idx %arg9[%min3A_343], %add3A_347 masked %ge3A_330 : memref<144xi32, #tpu.memory_space<vmem>>[vector<16xi32>], vector<16xi32>, vector<16xi1>
      %all_reduce_population_count3A_348 = tpu.all_reduce %ge3A_330 {dim = 0 : i64, kind = #tpu.reduction_kind<sum>} : vector<16xi1> -> vector<16xi32>
      %add3A_349 = arith.addi %add3A_327, %all_reduce_population_count3A_348 : vector<16xi32>
      %get3A_350 = arith.constant 224 : index
      %get3A_351 = tpu.vector_load %arg8[%get3A_350] {strides = array<i32>} : memref<800xf32, #tpu.memory_space<vmem>>, vector<16xf32>,
      %ge3A_352 = arith.cmpf oge, %get3A_351, %get3A_12 : vector<16xf32>
      %broadcast_in_dim3A_353 = arith.constant 1 : i32
      %broadcast_in_dim3A_354 = vector.broadcast %broadcast_in_dim3A_353 : i32 to vector<16xi32>
      %masked_cumsum3A_355 = tpu.scan <sum>, %broadcast_in_dim3A_354 masked %ge3A_352 : vector<16xi32>, vector<16xi1> -> vector<16xi32>
      %add3A_356 = arith.addi %add3A_349, %masked_cumsum3A_355 : vector<16xi32>
      %broadcast_in_dim3A_357 = arith.constant 1 : i32
      %broadcast_in_dim3A_358 = vector.broadcast %broadcast_in_dim3A_357 : i32 to vector<16xi32>
      %sub3A_359 = arith.subi %add3A_356, %broadcast_in_dim3A_358 : vector<16xi32>
      %broadcast_in_dim3A_360 = arith.constant 0 : i32
      %broadcast_in_dim3A_361 = vector.broadcast %broadcast_in_dim3A_360 : i32 to vector<16xi32>
      %max3A_362 = arith.maxsi %sub3A_359, %broadcast_in_dim3A_361 : vector<16xi32>
      %broadcast_in_dim3A_363 = arith.constant 127 : i32
      %broadcast_in_dim3A_364 = vector.broadcast %broadcast_in_dim3A_363 : i32 to vector<16xi32>
      %min3A_365 = arith.minsi %max3A_362, %broadcast_in_dim3A_364 : vector<16xi32>
      %broadcast_in_dim3A_366 = arith.constant 224 : i32
      %broadcast_in_dim3A_367 = vector.broadcast %broadcast_in_dim3A_366 : i32 to vector<16xi32>
      %iota3A_368 = tpu.iota {dimensions = array<i32: 0>} : vector<16xi32>
      %add3A_369 = arith.addi %broadcast_in_dim3A_367, %iota3A_368 : vector<16xi32>
      tpu.vector_store_idx %arg9[%min3A_365], %add3A_369 masked %ge3A_352 : memref<144xi32, #tpu.memory_space<vmem>>[vector<16xi32>], vector<16xi32>, vector<16xi1>
      %all_reduce_population_count3A_370 = tpu.all_reduce %ge3A_352 {dim = 0 : i64, kind = #tpu.reduction_kind<sum>} : vector<16xi1> -> vector<16xi32>
      %add3A_371 = arith.addi %add3A_349, %all_reduce_population_count3A_370 : vector<16xi32>
      %get3A_372 = arith.constant 240 : index
      %get3A_373 = tpu.vector_load %arg8[%get3A_372] {strides = array<i32>} : memref<800xf32, #tpu.memory_space<vmem>>, vector<16xf32>,
      %ge3A_374 = arith.cmpf oge, %get3A_373, %get3A_12 : vector<16xf32>
      %broadcast_in_dim3A_375 = arith.constant 1 : i32
      %broadcast_in_dim3A_376 = vector.broadcast %broadcast_in_dim3A_375 : i32 to vector<16xi32>
      %masked_cumsum3A_377 = tpu.scan <sum>, %broadcast_in_dim3A_376 masked %ge3A_374 : vector<16xi32>, vector<16xi1> -> vector<16xi32>
      %add3A_378 = arith.addi %add3A_371, %masked_cumsum3A_377 : vector<16xi32>
      %broadcast_in_dim3A_379 = arith.constant 1 : i32
      %broadcast_in_dim3A_380 = vector.broadcast %broadcast_in_dim3A_379 : i32 to vector<16xi32>
      %sub3A_381 = arith.subi %add3A_378, %broadcast_in_dim3A_380 : vector<16xi32>
      %broadcast_in_dim3A_382 = arith.constant 0 : i32
      %broadcast_in_dim3A_383 = vector.broadcast %broadcast_in_dim3A_382 : i32 to vector<16xi32>
      %max3A_384 = arith.maxsi %sub3A_381, %broadcast_in_dim3A_383 : vector<16xi32>
      %broadcast_in_dim3A_385 = arith.constant 127 : i32
      %broadcast_in_dim3A_386 = vector.broadcast %broadcast_in_dim3A_385 : i32 to vector<16xi32>
      %min3A_387 = arith.minsi %max3A_384, %broadcast_in_dim3A_386 : vector<16xi32>
      %broadcast_in_dim3A_388 = arith.constant 240 : i32
      %broadcast_in_dim3A_389 = vector.broadcast %broadcast_in_dim3A_388 : i32 to vector<16xi32>
      %iota3A_390 = tpu.iota {dimensions = array<i32: 0>} : vector<16xi32>
      %add3A_391 = arith.addi %broadcast_in_dim3A_389, %iota3A_390 : vector<16xi32>
      tpu.vector_store_idx %arg9[%min3A_387], %add3A_391 masked %ge3A_374 : memref<144xi32, #tpu.memory_space<vmem>>[vector<16xi32>], vector<16xi32>, vector<16xi1>
      %all_reduce_population_count3A_392 = tpu.all_reduce %ge3A_374 {dim = 0 : i64, kind = #tpu.reduction_kind<sum>} : vector<16xi1> -> vector<16xi32>
      %add3A_393 = arith.addi %add3A_371, %all_reduce_population_count3A_392 : vector<16xi32>
      %get3A_394 = arith.constant 256 : index
      %get3A_395 = tpu.vector_load %arg8[%get3A_394] {strides = array<i32>} : memref<800xf32, #tpu.memory_space<vmem>>, vector<16xf32>,
      %ge3A_396 = arith.cmpf oge, %get3A_395, %get3A_12 : vector<16xf32>
      %broadcast_in_dim3A_397 = arith.constant 1 : i32
      %broadcast_in_dim3A_398 = vector.broadcast %broadcast_in_dim3A_397 : i32 to vector<16xi32>
      %masked_cumsum3A_399 = tpu.scan <sum>, %broadcast_in_dim3A_398 masked %ge3A_396 : vector<16xi32>, vector<16xi1> -> vector<16xi32>
      %add3A_400 = arith.addi %add3A_393, %masked_cumsum3A_399 : vector<16xi32>
      %broadcast_in_dim3A_401 = arith.constant 1 : i32
      %broadcast_in_dim3A_402 = vector.broadcast %broadcast_in_dim3A_401 : i32 to vector<16xi32>
      %sub3A_403 = arith.subi %add3A_400, %broadcast_in_dim3A_402 : vector<16xi32>
      %broadcast_in_dim3A_404 = arith.constant 0 : i32
      %broadcast_in_dim3A_405 = vector.broadcast %broadcast_in_dim3A_404 : i32 to vector<16xi32>
      %max3A_406 = arith.maxsi %sub3A_403, %broadcast_in_dim3A_405 : vector<16xi32>
      %broadcast_in_dim3A_407 = arith.constant 127 : i32
      %broadcast_in_dim3A_408 = vector.broadcast %broadcast_in_dim3A_407 : i32 to vector<16xi32>
      %min3A_409 = arith.minsi %max3A_406, %broadcast_in_dim3A_408 : vector<16xi32>
      %broadcast_in_dim3A_410 = arith.constant 256 : i32
      %broadcast_in_dim3A_411 = vector.broadcast %broadcast_in_dim3A_410 : i32 to vector<16xi32>
      %iota3A_412 = tpu.iota {dimensions = array<i32: 0>} : vector<16xi32>
      %add3A_413 = arith.addi %broadcast_in_dim3A_411, %iota3A_412 : vector<16xi32>
      tpu.vector_store_idx %arg9[%min3A_409], %add3A_413 masked %ge3A_396 : memref<144xi32, #tpu.memory_space<vmem>>[vector<16xi32>], vector<16xi32>, vector<16xi1>
      %all_reduce_population_count3A_414 = tpu.all_reduce %ge3A_396 {dim = 0 : i64, kind = #tpu.reduction_kind<sum>} : vector<16xi1> -> vector<16xi32>
      %add3A_415 = arith.addi %add3A_393, %all_reduce_population_count3A_414 : vector<16xi32>
      %get3A_416 = arith.constant 272 : index
      %get3A_417 = tpu.vector_load %arg8[%get3A_416] {strides = array<i32>} : memref<800xf32, #tpu.memory_space<vmem>>, vector<16xf32>,
      %ge3A_418 = arith.cmpf oge, %get3A_417, %get3A_12 : vector<16xf32>
      %broadcast_in_dim3A_419 = arith.constant 1 : i32
      %broadcast_in_dim3A_420 = vector.broadcast %broadcast_in_dim3A_419 : i32 to vector<16xi32>
      %masked_cumsum3A_421 = tpu.scan <sum>, %broadcast_in_dim3A_420 masked %ge3A_418 : vector<16xi32>, vector<16xi1> -> vector<16xi32>
      %add3A_422 = arith.addi %add3A_415, %masked_cumsum3A_421 : vector<16xi32>
      %broadcast_in_dim3A_423 = arith.constant 1 : i32
      %broadcast_in_dim3A_424 = vector.broadcast %broadcast_in_dim3A_423 : i32 to vector<16xi32>
      %sub3A_425 = arith.subi %add3A_422, %broadcast_in_dim3A_424 : vector<16xi32>
      %broadcast_in_dim3A_426 = arith.constant 0 : i32
      %broadcast_in_dim3A_427 = vector.broadcast %broadcast_in_dim3A_426 : i32 to vector<16xi32>
      %max3A_428 = arith.maxsi %sub3A_425, %broadcast_in_dim3A_427 : vector<16xi32>
      %broadcast_in_dim3A_429 = arith.constant 127 : i32
      %broadcast_in_dim3A_430 = vector.broadcast %broadcast_in_dim3A_429 : i32 to vector<16xi32>
      %min3A_431 = arith.minsi %max3A_428, %broadcast_in_dim3A_430 : vector<16xi32>
      %broadcast_in_dim3A_432 = arith.constant 272 : i32
      %broadcast_in_dim3A_433 = vector.broadcast %broadcast_in_dim3A_432 : i32 to vector<16xi32>
      %iota3A_434 = tpu.iota {dimensions = array<i32: 0>} : vector<16xi32>
      %add3A_435 = arith.addi %broadcast_in_dim3A_433, %iota3A_434 : vector<16xi32>
      tpu.vector_store_idx %arg9[%min3A_431], %add3A_435 masked %ge3A_418 : memref<144xi32, #tpu.memory_space<vmem>>[vector<16xi32>], vector<16xi32>, vector<16xi1>
      %all_reduce_population_count3A_436 = tpu.all_reduce %ge3A_418 {dim = 0 : i64, kind = #tpu.reduction_kind<sum>} : vector<16xi1> -> vector<16xi32>
      %add3A_437 = arith.addi %add3A_415, %all_reduce_population_count3A_436 : vector<16xi32>
      %get3A_438 = arith.constant 288 : index
      %get3A_439 = tpu.vector_load %arg8[%get3A_438] {strides = array<i32>} : memref<800xf32, #tpu.memory_space<vmem>>, vector<16xf32>,
      %ge3A_440 = arith.cmpf oge, %get3A_439, %get3A_12 : vector<16xf32>
      %broadcast_in_dim3A_441 = arith.constant 1 : i32
      %broadcast_in_dim3A_442 = vector.broadcast %broadcast_in_dim3A_441 : i32 to vector<16xi32>
      %masked_cumsum3A_443 = tpu.scan <sum>, %broadcast_in_dim3A_442 masked %ge3A_440 : vector<16xi32>, vector<16xi1> -> vector<16xi32>
      %add3A_444 = arith.addi %add3A_437, %masked_cumsum3A_443 : vector<16xi32>
      %broadcast_in_dim3A_445 = arith.constant 1 : i32
      %broadcast_in_dim3A_446 = vector.broadcast %broadcast_in_dim3A_445 : i32 to vector<16xi32>
      %sub3A_447 = arith.subi %add3A_444, %broadcast_in_dim3A_446 : vector<16xi32>
      %broadcast_in_dim3A_448 = arith.constant 0 : i32
      %broadcast_in_dim3A_449 = vector.broadcast %broadcast_in_dim3A_448 : i32 to vector<16xi32>
      %max3A_450 = arith.maxsi %sub3A_447, %broadcast_in_dim3A_449 : vector<16xi32>
      %broadcast_in_dim3A_451 = arith.constant 127 : i32
      %broadcast_in_dim3A_452 = vector.broadcast %broadcast_in_dim3A_451 : i32 to vector<16xi32>
      %min3A_453 = arith.minsi %max3A_450, %broadcast_in_dim3A_452 : vector<16xi32>
      %broadcast_in_dim3A_454 = arith.constant 288 : i32
      %broadcast_in_dim3A_455 = vector.broadcast %broadcast_in_dim3A_454 : i32 to vector<16xi32>
      %iota3A_456 = tpu.iota {dimensions = array<i32: 0>} : vector<16xi32>
      %add3A_457 = arith.addi %broadcast_in_dim3A_455, %iota3A_456 : vector<16xi32>
      tpu.vector_store_idx %arg9[%min3A_453], %add3A_457 masked %ge3A_440 : memref<144xi32, #tpu.memory_space<vmem>>[vector<16xi32>], vector<16xi32>, vector<16xi1>
      %all_reduce_population_count3A_458 = tpu.all_reduce %ge3A_440 {dim = 0 : i64, kind = #tpu.reduction_kind<sum>} : vector<16xi1> -> vector<16xi32>
      %add3A_459 = arith.addi %add3A_437, %all_reduce_population_count3A_458 : vector<16xi32>
      %get3A_460 = arith.constant 304 : index
      %get3A_461 = tpu.vector_load %arg8[%get3A_460] {strides = array<i32>} : memref<800xf32, #tpu.memory_space<vmem>>, vector<16xf32>,
      %ge3A_462 = arith.cmpf oge, %get3A_461, %get3A_12 : vector<16xf32>
      %broadcast_in_dim3A_463 = arith.constant 1 : i32
      %broadcast_in_dim3A_464 = vector.broadcast %broadcast_in_dim3A_463 : i32 to vector<16xi32>
      %masked_cumsum3A_465 = tpu.scan <sum>, %broadcast_in_dim3A_464 masked %ge3A_462 : vector<16xi32>, vector<16xi1> -> vector<16xi32>
      %add3A_466 = arith.addi %add3A_459, %masked_cumsum3A_465 : vector<16xi32>
      %broadcast_in_dim3A_467 = arith.constant 1 : i32
      %broadcast_in_dim3A_468 = vector.broadcast %broadcast_in_dim3A_467 : i32 to vector<16xi32>
      %sub3A_469 = arith.subi %add3A_466, %broadcast_in_dim3A_468 : vector<16xi32>
      %broadcast_in_dim3A_470 = arith.constant 0 : i32
      %broadcast_in_dim3A_471 = vector.broadcast %broadcast_in_dim3A_470 : i32 to vector<16xi32>
      %max3A_472 = arith.maxsi %sub3A_469, %broadcast_in_dim3A_471 : vector<16xi32>
      %broadcast_in_dim3A_473 = arith.constant 127 : i32
      %broadcast_in_dim3A_474 = vector.broadcast %broadcast_in_dim3A_473 : i32 to vector<16xi32>
      %min3A_475 = arith.minsi %max3A_472, %broadcast_in_dim3A_474 : vector<16xi32>
      %broadcast_in_dim3A_476 = arith.constant 304 : i32
      %broadcast_in_dim3A_477 = vector.broadcast %broadcast_in_dim3A_476 : i32 to vector<16xi32>
      %iota3A_478 = tpu.iota {dimensions = array<i32: 0>} : vector<16xi32>
      %add3A_479 = arith.addi %broadcast_in_dim3A_477, %iota3A_478 : vector<16xi32>
      tpu.vector_store_idx %arg9[%min3A_475], %add3A_479 masked %ge3A_462 : memref<144xi32, #tpu.memory_space<vmem>>[vector<16xi32>], vector<16xi32>, vector<16xi1>
      %all_reduce_population_count3A_480 = tpu.all_reduce %ge3A_462 {dim = 0 : i64, kind = #tpu.reduction_kind<sum>} : vector<16xi1> -> vector<16xi32>
      %add3A_481 = arith.addi %add3A_459, %all_reduce_population_count3A_480 : vector<16xi32>
      %get3A_482 = arith.constant 320 : index
      %get3A_483 = tpu.vector_load %arg8[%get3A_482] {strides = array<i32>} : memref<800xf32, #tpu.memory_space<vmem>>, vector<16xf32>,
      %ge3A_484 = arith.cmpf oge, %get3A_483, %get3A_12 : vector<16xf32>
      %broadcast_in_dim3A_485 = arith.constant 1 : i32
      %broadcast_in_dim3A_486 = vector.broadcast %broadcast_in_dim3A_485 : i32 to vector<16xi32>
      %masked_cumsum3A_487 = tpu.scan <sum>, %broadcast_in_dim3A_486 masked %ge3A_484 : vector<16xi32>, vector<16xi1> -> vector<16xi32>
      %add3A_488 = arith.addi %add3A_481, %masked_cumsum3A_487 : vector<16xi32>
      %broadcast_in_dim3A_489 = arith.constant 1 : i32
      %broadcast_in_dim3A_490 = vector.broadcast %broadcast_in_dim3A_489 : i32 to vector<16xi32>
      %sub3A_491 = arith.subi %add3A_488, %broadcast_in_dim3A_490 : vector<16xi32>
      %broadcast_in_dim3A_492 = arith.constant 0 : i32
      %broadcast_in_dim3A_493 = vector.broadcast %broadcast_in_dim3A_492 : i32 to vector<16xi32>
      %max3A_494 = arith.maxsi %sub3A_491, %broadcast_in_dim3A_493 : vector<16xi32>
      %broadcast_in_dim3A_495 = arith.constant 127 : i32
      %broadcast_in_dim3A_496 = vector.broadcast %broadcast_in_dim3A_495 : i32 to vector<16xi32>
      %min3A_497 = arith.minsi %max3A_494, %broadcast_in_dim3A_496 : vector<16xi32>
      %broadcast_in_dim3A_498 = arith.constant 320 : i32
      %broadcast_in_dim3A_499 = vector.broadcast %broadcast_in_dim3A_498 : i32 to vector<16xi32>
      %iota3A_500 = tpu.iota {dimensions = array<i32: 0>} : vector<16xi32>
      %add3A_501 = arith.addi %broadcast_in_dim3A_499, %iota3A_500 : vector<16xi32>
      tpu.vector_store_idx %arg9[%min3A_497], %add3A_501 masked %ge3A_484 : memref<144xi32, #tpu.memory_space<vmem>>[vector<16xi32>], vector<16xi32>, vector<16xi1>
      %all_reduce_population_count3A_502 = tpu.all_reduce %ge3A_484 {dim = 0 : i64, kind = #tpu.reduction_kind<sum>} : vector<16xi1> -> vector<16xi32>
      %add3A_503 = arith.addi %add3A_481, %all_reduce_population_count3A_502 : vector<16xi32>
      %get3A_504 = arith.constant 336 : index
      %get3A_505 = tpu.vector_load %arg8[%get3A_504] {strides = array<i32>} : memref<800xf32, #tpu.memory_space<vmem>>, vector<16xf32>,
      %ge3A_506 = arith.cmpf oge, %get3A_505, %get3A_12 : vector<16xf32>
      %broadcast_in_dim3A_507 = arith.constant 1 : i32
      %broadcast_in_dim3A_508 = vector.broadcast %broadcast_in_dim3A_507 : i32 to vector<16xi32>
      %masked_cumsum3A_509 = tpu.scan <sum>, %broadcast_in_dim3A_508 masked %ge3A_506 : vector<16xi32>, vector<16xi1> -> vector<16xi32>
      %add3A_510 = arith.addi %add3A_503, %masked_cumsum3A_509 : vector<16xi32>
      %broadcast_in_dim3A_511 = arith.constant 1 : i32
      %broadcast_in_dim3A_512 = vector.broadcast %broadcast_in_dim3A_511 : i32 to vector<16xi32>
      %sub3A_513 = arith.subi %add3A_510, %broadcast_in_dim3A_512 : vector<16xi32>
      %broadcast_in_dim3A_514 = arith.constant 0 : i32
      %broadcast_in_dim3A_515 = vector.broadcast %broadcast_in_dim3A_514 : i32 to vector<16xi32>
      %max3A_516 = arith.maxsi %sub3A_513, %broadcast_in_dim3A_515 : vector<16xi32>
      %broadcast_in_dim3A_517 = arith.constant 127 : i32
      %broadcast_in_dim3A_518 = vector.broadcast %broadcast_in_dim3A_517 : i32 to vector<16xi32>
      %min3A_519 = arith.minsi %max3A_516, %broadcast_in_dim3A_518 : vector<16xi32>
      %broadcast_in_dim3A_520 = arith.constant 336 : i32
      %broadcast_in_dim3A_521 = vector.broadcast %broadcast_in_dim3A_520 : i32 to vector<16xi32>
      %iota3A_522 = tpu.iota {dimensions = array<i32: 0>} : vector<16xi32>
      %add3A_523 = arith.addi %broadcast_in_dim3A_521, %iota3A_522 : vector<16xi32>
      tpu.vector_store_idx %arg9[%min3A_519], %add3A_523 masked %ge3A_506 : memref<144xi32, #tpu.memory_space<vmem>>[vector<16xi32>], vector<16xi32>, vector<16xi1>
      %all_reduce_population_count3A_524 = tpu.all_reduce %ge3A_506 {dim = 0 : i64, kind = #tpu.reduction_kind<sum>} : vector<16xi1> -> vector<16xi32>
      %add3A_525 = arith.addi %add3A_503, %all_reduce_population_count3A_524 : vector<16xi32>
      %get3A_526 = arith.constant 352 : index
      %get3A_527 = tpu.vector_load %arg8[%get3A_526] {strides = array<i32>} : memref<800xf32, #tpu.memory_space<vmem>>, vector<16xf32>,
      %ge3A_528 = arith.cmpf oge, %get3A_527, %get3A_12 : vector<16xf32>
      %broadcast_in_dim3A_529 = arith.constant 1 : i32
      %broadcast_in_dim3A_530 = vector.broadcast %broadcast_in_dim3A_529 : i32 to vector<16xi32>
      %masked_cumsum3A_531 = tpu.scan <sum>, %broadcast_in_dim3A_530 masked %ge3A_528 : vector<16xi32>, vector<16xi1> -> vector<16xi32>
      %add3A_532 = arith.addi %add3A_525, %masked_cumsum3A_531 : vector<16xi32>
      %broadcast_in_dim3A_533 = arith.constant 1 : i32
      %broadcast_in_dim3A_534 = vector.broadcast %broadcast_in_dim3A_533 : i32 to vector<16xi32>
      %sub3A_535 = arith.subi %add3A_532, %broadcast_in_dim3A_534 : vector<16xi32>
      %broadcast_in_dim3A_536 = arith.constant 0 : i32
      %broadcast_in_dim3A_537 = vector.broadcast %broadcast_in_dim3A_536 : i32 to vector<16xi32>
      %max3A_538 = arith.maxsi %sub3A_535, %broadcast_in_dim3A_537 : vector<16xi32>
      %broadcast_in_dim3A_539 = arith.constant 127 : i32
      %broadcast_in_dim3A_540 = vector.broadcast %broadcast_in_dim3A_539 : i32 to vector<16xi32>
      %min3A_541 = arith.minsi %max3A_538, %broadcast_in_dim3A_540 : vector<16xi32>
      %broadcast_in_dim3A_542 = arith.constant 352 : i32
      %broadcast_in_dim3A_543 = vector.broadcast %broadcast_in_dim3A_542 : i32 to vector<16xi32>
      %iota3A_544 = tpu.iota {dimensions = array<i32: 0>} : vector<16xi32>
      %add3A_545 = arith.addi %broadcast_in_dim3A_543, %iota3A_544 : vector<16xi32>
      tpu.vector_store_idx %arg9[%min3A_541], %add3A_545 masked %ge3A_528 : memref<144xi32, #tpu.memory_space<vmem>>[vector<16xi32>], vector<16xi32>, vector<16xi1>
      %all_reduce_population_count3A_546 = tpu.all_reduce %ge3A_528 {dim = 0 : i64, kind = #tpu.reduction_kind<sum>} : vector<16xi1> -> vector<16xi32>
      %add3A_547 = arith.addi %add3A_525, %all_reduce_population_count3A_546 : vector<16xi32>
      %get3A_548 = arith.constant 368 : index
      %get3A_549 = tpu.vector_load %arg8[%get3A_548] {strides = array<i32>} : memref<800xf32, #tpu.memory_space<vmem>>, vector<16xf32>,
      %ge3A_550 = arith.cmpf oge, %get3A_549, %get3A_12 : vector<16xf32>
      %broadcast_in_dim3A_551 = arith.constant 1 : i32
      %broadcast_in_dim3A_552 = vector.broadcast %broadcast_in_dim3A_551 : i32 to vector<16xi32>
      %masked_cumsum3A_553 = tpu.scan <sum>, %broadcast_in_dim3A_552 masked %ge3A_550 : vector<16xi32>, vector<16xi1> -> vector<16xi32>
      %add3A_554 = arith.addi %add3A_547, %masked_cumsum3A_553 : vector<16xi32>
      %broadcast_in_dim3A_555 = arith.constant 1 : i32
      %broadcast_in_dim3A_556 = vector.broadcast %broadcast_in_dim3A_555 : i32 to vector<16xi32>
      %sub3A_557 = arith.subi %add3A_554, %broadcast_in_dim3A_556 : vector<16xi32>
      %broadcast_in_dim3A_558 = arith.constant 0 : i32
      %broadcast_in_dim3A_559 = vector.broadcast %broadcast_in_dim3A_558 : i32 to vector<16xi32>
      %max3A_560 = arith.maxsi %sub3A_557, %broadcast_in_dim3A_559 : vector<16xi32>
      %broadcast_in_dim3A_561 = arith.constant 127 : i32
      %broadcast_in_dim3A_562 = vector.broadcast %broadcast_in_dim3A_561 : i32 to vector<16xi32>
      %min3A_563 = arith.minsi %max3A_560, %broadcast_in_dim3A_562 : vector<16xi32>
      %broadcast_in_dim3A_564 = arith.constant 368 : i32
      %broadcast_in_dim3A_565 = vector.broadcast %broadcast_in_dim3A_564 : i32 to vector<16xi32>
      %iota3A_566 = tpu.iota {dimensions = array<i32: 0>} : vector<16xi32>
      %add3A_567 = arith.addi %broadcast_in_dim3A_565, %iota3A_566 : vector<16xi32>
      tpu.vector_store_idx %arg9[%min3A_563], %add3A_567 masked %ge3A_550 : memref<144xi32, #tpu.memory_space<vmem>>[vector<16xi32>], vector<16xi32>, vector<16xi1>
      %all_reduce_population_count3A_568 = tpu.all_reduce %ge3A_550 {dim = 0 : i64, kind = #tpu.reduction_kind<sum>} : vector<16xi1> -> vector<16xi32>
      %add3A_569 = arith.addi %add3A_547, %all_reduce_population_count3A_568 : vector<16xi32>
      %get3A_570 = arith.constant 384 : index
      %get3A_571 = tpu.vector_load %arg8[%get3A_570] {strides = array<i32>} : memref<800xf32, #tpu.memory_space<vmem>>, vector<16xf32>,
      %ge3A_572 = arith.cmpf oge, %get3A_571, %get3A_12 : vector<16xf32>
      %broadcast_in_dim3A_573 = arith.constant 1 : i32
      %broadcast_in_dim3A_574 = vector.broadcast %broadcast_in_dim3A_573 : i32 to vector<16xi32>
      %masked_cumsum3A_575 = tpu.scan <sum>, %broadcast_in_dim3A_574 masked %ge3A_572 : vector<16xi32>, vector<16xi1> -> vector<16xi32>
      %add3A_576 = arith.addi %add3A_569, %masked_cumsum3A_575 : vector<16xi32>
      %broadcast_in_dim3A_577 = arith.constant 1 : i32
      %broadcast_in_dim3A_578 = vector.broadcast %broadcast_in_dim3A_577 : i32 to vector<16xi32>
      %sub3A_579 = arith.subi %add3A_576, %broadcast_in_dim3A_578 : vector<16xi32>
      %broadcast_in_dim3A_580 = arith.constant 0 : i32
      %broadcast_in_dim3A_581 = vector.broadcast %broadcast_in_dim3A_580 : i32 to vector<16xi32>
      %max3A_582 = arith.maxsi %sub3A_579, %broadcast_in_dim3A_581 : vector<16xi32>
      %broadcast_in_dim3A_583 = arith.constant 127 : i32
      %broadcast_in_dim3A_584 = vector.broadcast %broadcast_in_dim3A_583 : i32 to vector<16xi32>
      %min3A_585 = arith.minsi %max3A_582, %broadcast_in_dim3A_584 : vector<16xi32>
      %broadcast_in_dim3A_586 = arith.constant 384 : i32
      %broadcast_in_dim3A_587 = vector.broadcast %broadcast_in_dim3A_586 : i32 to vector<16xi32>
      %iota3A_588 = tpu.iota {dimensions = array<i32: 0>} : vector<16xi32>
      %add3A_589 = arith.addi %broadcast_in_dim3A_587, %iota3A_588 : vector<16xi32>
      tpu.vector_store_idx %arg9[%min3A_585], %add3A_589 masked %ge3A_572 : memref<144xi32, #tpu.memory_space<vmem>>[vector<16xi32>], vector<16xi32>, vector<16xi1>
      %all_reduce_population_count3A_590 = tpu.all_reduce %ge3A_572 {dim = 0 : i64, kind = #tpu.reduction_kind<sum>} : vector<16xi1> -> vector<16xi32>
      %add3A_591 = arith.addi %add3A_569, %all_reduce_population_count3A_590 : vector<16xi32>
      %get3A_592 = arith.constant 400 : index
      %get3A_593 = tpu.vector_load %arg8[%get3A_592] {strides = array<i32>} : memref<800xf32, #tpu.memory_space<vmem>>, vector<16xf32>,
      %ge3A_594 = arith.cmpf oge, %get3A_593, %get3A_12 : vector<16xf32>
      %broadcast_in_dim3A_595 = arith.constant 1 : i32
      %broadcast_in_dim3A_596 = vector.broadcast %broadcast_in_dim3A_595 : i32 to vector<16xi32>
      %masked_cumsum3A_597 = tpu.scan <sum>, %broadcast_in_dim3A_596 masked %ge3A_594 : vector<16xi32>, vector<16xi1> -> vector<16xi32>
      %add3A_598 = arith.addi %add3A_591, %masked_cumsum3A_597 : vector<16xi32>
      %broadcast_in_dim3A_599 = arith.constant 1 : i32
      %broadcast_in_dim3A_600 = vector.broadcast %broadcast_in_dim3A_599 : i32 to vector<16xi32>
      %sub3A_601 = arith.subi %add3A_598, %broadcast_in_dim3A_600 : vector<16xi32>
      %broadcast_in_dim3A_602 = arith.constant 0 : i32
      %broadcast_in_dim3A_603 = vector.broadcast %broadcast_in_dim3A_602 : i32 to vector<16xi32>
      %max3A_604 = arith.maxsi %sub3A_601, %broadcast_in_dim3A_603 : vector<16xi32>
      %broadcast_in_dim3A_605 = arith.constant 127 : i32
      %broadcast_in_dim3A_606 = vector.broadcast %broadcast_in_dim3A_605 : i32 to vector<16xi32>
      %min3A_607 = arith.minsi %max3A_604, %broadcast_in_dim3A_606 : vector<16xi32>
      %broadcast_in_dim3A_608 = arith.constant 400 : i32
      %broadcast_in_dim3A_609 = vector.broadcast %broadcast_in_dim3A_608 : i32 to vector<16xi32>
      %iota3A_610 = tpu.iota {dimensions = array<i32: 0>} : vector<16xi32>
      %add3A_611 = arith.addi %broadcast_in_dim3A_609, %iota3A_610 : vector<16xi32>
      tpu.vector_store_idx %arg9[%min3A_607], %add3A_611 masked %ge3A_594 : memref<144xi32, #tpu.memory_space<vmem>>[vector<16xi32>], vector<16xi32>, vector<16xi1>
      %all_reduce_population_count3A_612 = tpu.all_reduce %ge3A_594 {dim = 0 : i64, kind = #tpu.reduction_kind<sum>} : vector<16xi1> -> vector<16xi32>
      %add3A_613 = arith.addi %add3A_591, %all_reduce_population_count3A_612 : vector<16xi32>
      %get3A_614 = arith.constant 416 : index
      %get3A_615 = tpu.vector_load %arg8[%get3A_614] {strides = array<i32>} : memref<800xf32, #tpu.memory_space<vmem>>, vector<16xf32>,
      %ge3A_616 = arith.cmpf oge, %get3A_615, %get3A_12 : vector<16xf32>
      %broadcast_in_dim3A_617 = arith.constant 1 : i32
      %broadcast_in_dim3A_618 = vector.broadcast %broadcast_in_dim3A_617 : i32 to vector<16xi32>
      %masked_cumsum3A_619 = tpu.scan <sum>, %broadcast_in_dim3A_618 masked %ge3A_616 : vector<16xi32>, vector<16xi1> -> vector<16xi32>
      %add3A_620 = arith.addi %add3A_613, %masked_cumsum3A_619 : vector<16xi32>
      %broadcast_in_dim3A_621 = arith.constant 1 : i32
      %broadcast_in_dim3A_622 = vector.broadcast %broadcast_in_dim3A_621 : i32 to vector<16xi32>
      %sub3A_623 = arith.subi %add3A_620, %broadcast_in_dim3A_622 : vector<16xi32>
      %broadcast_in_dim3A_624 = arith.constant 0 : i32
      %broadcast_in_dim3A_625 = vector.broadcast %broadcast_in_dim3A_624 : i32 to vector<16xi32>
      %max3A_626 = arith.maxsi %sub3A_623, %broadcast_in_dim3A_625 : vector<16xi32>
      %broadcast_in_dim3A_627 = arith.constant 127 : i32
      %broadcast_in_dim3A_628 = vector.broadcast %broadcast_in_dim3A_627 : i32 to vector<16xi32>
      %min3A_629 = arith.minsi %max3A_626, %broadcast_in_dim3A_628 : vector<16xi32>
      %broadcast_in_dim3A_630 = arith.constant 416 : i32
      %broadcast_in_dim3A_631 = vector.broadcast %broadcast_in_dim3A_630 : i32 to vector<16xi32>
      %iota3A_632 = tpu.iota {dimensions = array<i32: 0>} : vector<16xi32>
      %add3A_633 = arith.addi %broadcast_in_dim3A_631, %iota3A_632 : vector<16xi32>
      tpu.vector_store_idx %arg9[%min3A_629], %add3A_633 masked %ge3A_616 : memref<144xi32, #tpu.memory_space<vmem>>[vector<16xi32>], vector<16xi32>, vector<16xi1>
      %all_reduce_population_count3A_634 = tpu.all_reduce %ge3A_616 {dim = 0 : i64, kind = #tpu.reduction_kind<sum>} : vector<16xi1> -> vector<16xi32>
      %add3A_635 = arith.addi %add3A_613, %all_reduce_population_count3A_634 : vector<16xi32>
      %get3A_636 = arith.constant 432 : index
      %get3A_637 = tpu.vector_load %arg8[%get3A_636] {strides = array<i32>} : memref<800xf32, #tpu.memory_space<vmem>>, vector<16xf32>,
      %ge3A_638 = arith.cmpf oge, %get3A_637, %get3A_12 : vector<16xf32>
      %broadcast_in_dim3A_639 = arith.constant 1 : i32
      %broadcast_in_dim3A_640 = vector.broadcast %broadcast_in_dim3A_639 : i32 to vector<16xi32>
      %masked_cumsum3A_641 = tpu.scan <sum>, %broadcast_in_dim3A_640 masked %ge3A_638 : vector<16xi32>, vector<16xi1> -> vector<16xi32>
      %add3A_642 = arith.addi %add3A_635, %masked_cumsum3A_641 : vector<16xi32>
      %broadcast_in_dim3A_643 = arith.constant 1 : i32
      %broadcast_in_dim3A_644 = vector.broadcast %broadcast_in_dim3A_643 : i32 to vector<16xi32>
      %sub3A_645 = arith.subi %add3A_642, %broadcast_in_dim3A_644 : vector<16xi32>
      %broadcast_in_dim3A_646 = arith.constant 0 : i32
      %broadcast_in_dim3A_647 = vector.broadcast %broadcast_in_dim3A_646 : i32 to vector<16xi32>
      %max3A_648 = arith.maxsi %sub3A_645, %broadcast_in_dim3A_647 : vector<16xi32>
      %broadcast_in_dim3A_649 = arith.constant 127 : i32
      %broadcast_in_dim3A_650 = vector.broadcast %broadcast_in_dim3A_649 : i32 to vector<16xi32>
      %min3A_651 = arith.minsi %max3A_648, %broadcast_in_dim3A_650 : vector<16xi32>
      %broadcast_in_dim3A_652 = arith.constant 432 : i32
      %broadcast_in_dim3A_653 = vector.broadcast %broadcast_in_dim3A_652 : i32 to vector<16xi32>
      %iota3A_654 = tpu.iota {dimensions = array<i32: 0>} : vector<16xi32>
      %add3A_655 = arith.addi %broadcast_in_dim3A_653, %iota3A_654 : vector<16xi32>
      tpu.vector_store_idx %arg9[%min3A_651], %add3A_655 masked %ge3A_638 : memref<144xi32, #tpu.memory_space<vmem>>[vector<16xi32>], vector<16xi32>, vector<16xi1>
      %all_reduce_population_count3A_656 = tpu.all_reduce %ge3A_638 {dim = 0 : i64, kind = #tpu.reduction_kind<sum>} : vector<16xi1> -> vector<16xi32>
      %add3A_657 = arith.addi %add3A_635, %all_reduce_population_count3A_656 : vector<16xi32>
      %get3A_658 = arith.constant 448 : index
      %get3A_659 = tpu.vector_load %arg8[%get3A_658] {strides = array<i32>} : memref<800xf32, #tpu.memory_space<vmem>>, vector<16xf32>,
      %ge3A_660 = arith.cmpf oge, %get3A_659, %get3A_12 : vector<16xf32>
      %broadcast_in_dim3A_661 = arith.constant 1 : i32
      %broadcast_in_dim3A_662 = vector.broadcast %broadcast_in_dim3A_661 : i32 to vector<16xi32>
      %masked_cumsum3A_663 = tpu.scan <sum>, %broadcast_in_dim3A_662 masked %ge3A_660 : vector<16xi32>, vector<16xi1> -> vector<16xi32>
      %add3A_664 = arith.addi %add3A_657, %masked_cumsum3A_663 : vector<16xi32>
      %broadcast_in_dim3A_665 = arith.constant 1 : i32
      %broadcast_in_dim3A_666 = vector.broadcast %broadcast_in_dim3A_665 : i32 to vector<16xi32>
      %sub3A_667 = arith.subi %add3A_664, %broadcast_in_dim3A_666 : vector<16xi32>
      %broadcast_in_dim3A_668 = arith.constant 0 : i32
      %broadcast_in_dim3A_669 = vector.broadcast %broadcast_in_dim3A_668 : i32 to vector<16xi32>
      %max3A_670 = arith.maxsi %sub3A_667, %broadcast_in_dim3A_669 : vector<16xi32>
      %broadcast_in_dim3A_671 = arith.constant 127 : i32
      %broadcast_in_dim3A_672 = vector.broadcast %broadcast_in_dim3A_671 : i32 to vector<16xi32>
      %min3A_673 = arith.minsi %max3A_670, %broadcast_in_dim3A_672 : vector<16xi32>
      %broadcast_in_dim3A_674 = arith.constant 448 : i32
      %broadcast_in_dim3A_675 = vector.broadcast %broadcast_in_dim3A_674 : i32 to vector<16xi32>
      %iota3A_676 = tpu.iota {dimensions = array<i32: 0>} : vector<16xi32>
      %add3A_677 = arith.addi %broadcast_in_dim3A_675, %iota3A_676 : vector<16xi32>
      tpu.vector_store_idx %arg9[%min3A_673], %add3A_677 masked %ge3A_660 : memref<144xi32, #tpu.memory_space<vmem>>[vector<16xi32>], vector<16xi32>, vector<16xi1>
      %all_reduce_population_count3A_678 = tpu.all_reduce %ge3A_660 {dim = 0 : i64, kind = #tpu.reduction_kind<sum>} : vector<16xi1> -> vector<16xi32>
      %add3A_679 = arith.addi %add3A_657, %all_reduce_population_count3A_678 : vector<16xi32>
      %get3A_680 = arith.constant 464 : index
      %get3A_681 = tpu.vector_load %arg8[%get3A_680] {strides = array<i32>} : memref<800xf32, #tpu.memory_space<vmem>>, vector<16xf32>,
      %ge3A_682 = arith.cmpf oge, %get3A_681, %get3A_12 : vector<16xf32>
      %broadcast_in_dim3A_683 = arith.constant 1 : i32
      %broadcast_in_dim3A_684 = vector.broadcast %broadcast_in_dim3A_683 : i32 to vector<16xi32>
      %masked_cumsum3A_685 = tpu.scan <sum>, %broadcast_in_dim3A_684 masked %ge3A_682 : vector<16xi32>, vector<16xi1> -> vector<16xi32>
      %add3A_686 = arith.addi %add3A_679, %masked_cumsum3A_685 : vector<16xi32>
      %broadcast_in_dim3A_687 = arith.constant 1 : i32
      %broadcast_in_dim3A_688 = vector.broadcast %broadcast_in_dim3A_687 : i32 to vector<16xi32>
      %sub3A_689 = arith.subi %add3A_686, %broadcast_in_dim3A_688 : vector<16xi32>
      %broadcast_in_dim3A_690 = arith.constant 0 : i32
      %broadcast_in_dim3A_691 = vector.broadcast %broadcast_in_dim3A_690 : i32 to vector<16xi32>
      %max3A_692 = arith.maxsi %sub3A_689, %broadcast_in_dim3A_691 : vector<16xi32>
      %broadcast_in_dim3A_693 = arith.constant 127 : i32
      %broadcast_in_dim3A_694 = vector.broadcast %broadcast_in_dim3A_693 : i32 to vector<16xi32>
      %min3A_695 = arith.minsi %max3A_692, %broadcast_in_dim3A_694 : vector<16xi32>
      %broadcast_in_dim3A_696 = arith.constant 464 : i32
      %broadcast_in_dim3A_697 = vector.broadcast %broadcast_in_dim3A_696 : i32 to vector<16xi32>
      %iota3A_698 = tpu.iota {dimensions = array<i32: 0>} : vector<16xi32>
      %add3A_699 = arith.addi %broadcast_in_dim3A_697, %iota3A_698 : vector<16xi32>
      tpu.vector_store_idx %arg9[%min3A_695], %add3A_699 masked %ge3A_682 : memref<144xi32, #tpu.memory_space<vmem>>[vector<16xi32>], vector<16xi32>, vector<16xi1>
      %all_reduce_population_count3A_700 = tpu.all_reduce %ge3A_682 {dim = 0 : i64, kind = #tpu.reduction_kind<sum>} : vector<16xi1> -> vector<16xi32>
      %add3A_701 = arith.addi %add3A_679, %all_reduce_population_count3A_700 : vector<16xi32>
      %get3A_702 = arith.constant 480 : index
      %get3A_703 = tpu.vector_load %arg8[%get3A_702] {strides = array<i32>} : memref<800xf32, #tpu.memory_space<vmem>>, vector<16xf32>,
      %ge3A_704 = arith.cmpf oge, %get3A_703, %get3A_12 : vector<16xf32>
      %broadcast_in_dim3A_705 = arith.constant 1 : i32
      %broadcast_in_dim3A_706 = vector.broadcast %broadcast_in_dim3A_705 : i32 to vector<16xi32>
      %masked_cumsum3A_707 = tpu.scan <sum>, %broadcast_in_dim3A_706 masked %ge3A_704 : vector<16xi32>, vector<16xi1> -> vector<16xi32>
      %add3A_708 = arith.addi %add3A_701, %masked_cumsum3A_707 : vector<16xi32>
      %broadcast_in_dim3A_709 = arith.constant 1 : i32
      %broadcast_in_dim3A_710 = vector.broadcast %broadcast_in_dim3A_709 : i32 to vector<16xi32>
      %sub3A_711 = arith.subi %add3A_708, %broadcast_in_dim3A_710 : vector<16xi32>
      %broadcast_in_dim3A_712 = arith.constant 0 : i32
      %broadcast_in_dim3A_713 = vector.broadcast %broadcast_in_dim3A_712 : i32 to vector<16xi32>
      %max3A_714 = arith.maxsi %sub3A_711, %broadcast_in_dim3A_713 : vector<16xi32>
      %broadcast_in_dim3A_715 = arith.constant 127 : i32
      %broadcast_in_dim3A_716 = vector.broadcast %broadcast_in_dim3A_715 : i32 to vector<16xi32>
      %min3A_717 = arith.minsi %max3A_714, %broadcast_in_dim3A_716 : vector<16xi32>
      %broadcast_in_dim3A_718 = arith.constant 480 : i32
      %broadcast_in_dim3A_719 = vector.broadcast %broadcast_in_dim3A_718 : i32 to vector<16xi32>
      %iota3A_720 = tpu.iota {dimensions = array<i32: 0>} : vector<16xi32>
      %add3A_721 = arith.addi %broadcast_in_dim3A_719, %iota3A_720 : vector<16xi32>
      tpu.vector_store_idx %arg9[%min3A_717], %add3A_721 masked %ge3A_704 : memref<144xi32, #tpu.memory_space<vmem>>[vector<16xi32>], vector<16xi32>, vector<16xi1>
      %all_reduce_population_count3A_722 = tpu.all_reduce %ge3A_704 {dim = 0 : i64, kind = #tpu.reduction_kind<sum>} : vector<16xi1> -> vector<16xi32>
      %add3A_723 = arith.addi %add3A_701, %all_reduce_population_count3A_722 : vector<16xi32>
      %get3A_724 = arith.constant 496 : index
      %get3A_725 = tpu.vector_load %arg8[%get3A_724] {strides = array<i32>} : memref<800xf32, #tpu.memory_space<vmem>>, vector<16xf32>,
      %ge3A_726 = arith.cmpf oge, %get3A_725, %get3A_12 : vector<16xf32>
      %broadcast_in_dim3A_727 = arith.constant 1 : i32
      %broadcast_in_dim3A_728 = vector.broadcast %broadcast_in_dim3A_727 : i32 to vector<16xi32>
      %masked_cumsum3A_729 = tpu.scan <sum>, %broadcast_in_dim3A_728 masked %ge3A_726 : vector<16xi32>, vector<16xi1> -> vector<16xi32>
      %add3A_730 = arith.addi %add3A_723, %masked_cumsum3A_729 : vector<16xi32>
      %broadcast_in_dim3A_731 = arith.constant 1 : i32
      %broadcast_in_dim3A_732 = vector.broadcast %broadcast_in_dim3A_731 : i32 to vector<16xi32>
      %sub3A_733 = arith.subi %add3A_730, %broadcast_in_dim3A_732 : vector<16xi32>
      %broadcast_in_dim3A_734 = arith.constant 0 : i32
      %broadcast_in_dim3A_735 = vector.broadcast %broadcast_in_dim3A_734 : i32 to vector<16xi32>
      %max3A_736 = arith.maxsi %sub3A_733, %broadcast_in_dim3A_735 : vector<16xi32>
      %broadcast_in_dim3A_737 = arith.constant 127 : i32
      %broadcast_in_dim3A_738 = vector.broadcast %broadcast_in_dim3A_737 : i32 to vector<16xi32>
      %min3A_739 = arith.minsi %max3A_736, %broadcast_in_dim3A_738 : vector<16xi32>
      %broadcast_in_dim3A_740 = arith.constant 496 : i32
      %broadcast_in_dim3A_741 = vector.broadcast %broadcast_in_dim3A_740 : i32 to vector<16xi32>
      %iota3A_742 = tpu.iota {dimensions = array<i32: 0>} : vector<16xi32>
      %add3A_743 = arith.addi %broadcast_in_dim3A_741, %iota3A_742 : vector<16xi32>
      tpu.vector_store_idx %arg9[%min3A_739], %add3A_743 masked %ge3A_726 : memref<144xi32, #tpu.memory_space<vmem>>[vector<16xi32>], vector<16xi32>, vector<16xi1>
      %all_reduce_population_count3A_744 = tpu.all_reduce %ge3A_726 {dim = 0 : i64, kind = #tpu.reduction_kind<sum>} : vector<16xi1> -> vector<16xi32>
      %add3A_745 = arith.addi %add3A_723, %all_reduce_population_count3A_744 : vector<16xi32>
      %get3A_746 = arith.constant 512 : index
      %get3A_747 = tpu.vector_load %arg8[%get3A_746] {strides = array<i32>} : memref<800xf32, #tpu.memory_space<vmem>>, vector<16xf32>,
      %ge3A_748 = arith.cmpf oge, %get3A_747, %get3A_12 : vector<16xf32>
      %broadcast_in_dim3A_749 = arith.constant 1 : i32
      %broadcast_in_dim3A_750 = vector.broadcast %broadcast_in_dim3A_749 : i32 to vector<16xi32>
      %masked_cumsum3A_751 = tpu.scan <sum>, %broadcast_in_dim3A_750 masked %ge3A_748 : vector<16xi32>, vector<16xi1> -> vector<16xi32>
      %add3A_752 = arith.addi %add3A_745, %masked_cumsum3A_751 : vector<16xi32>
      %broadcast_in_dim3A_753 = arith.constant 1 : i32
      %broadcast_in_dim3A_754 = vector.broadcast %broadcast_in_dim3A_753 : i32 to vector<16xi32>
      %sub3A_755 = arith.subi %add3A_752, %broadcast_in_dim3A_754 : vector<16xi32>
      %broadcast_in_dim3A_756 = arith.constant 0 : i32
      %broadcast_in_dim3A_757 = vector.broadcast %broadcast_in_dim3A_756 : i32 to vector<16xi32>
      %max3A_758 = arith.maxsi %sub3A_755, %broadcast_in_dim3A_757 : vector<16xi32>
      %broadcast_in_dim3A_759 = arith.constant 127 : i32
      %broadcast_in_dim3A_760 = vector.broadcast %broadcast_in_dim3A_759 : i32 to vector<16xi32>
      %min3A_761 = arith.minsi %max3A_758, %broadcast_in_dim3A_760 : vector<16xi32>
      %broadcast_in_dim3A_762 = arith.constant 512 : i32
      %broadcast_in_dim3A_763 = vector.broadcast %broadcast_in_dim3A_762 : i32 to vector<16xi32>
      %iota3A_764 = tpu.iota {dimensions = array<i32: 0>} : vector<16xi32>
      %add3A_765 = arith.addi %broadcast_in_dim3A_763, %iota3A_764 : vector<16xi32>
      tpu.vector_store_idx %arg9[%min3A_761], %add3A_765 masked %ge3A_748 : memref<144xi32, #tpu.memory_space<vmem>>[vector<16xi32>], vector<16xi32>, vector<16xi1>
      %all_reduce_population_count3A_766 = tpu.all_reduce %ge3A_748 {dim = 0 : i64, kind = #tpu.reduction_kind<sum>} : vector<16xi1> -> vector<16xi32>
      %add3A_767 = arith.addi %add3A_745, %all_reduce_population_count3A_766 : vector<16xi32>
      %get3A_768 = arith.constant 528 : index
      %get3A_769 = tpu.vector_load %arg8[%get3A_768] {strides = array<i32>} : memref<800xf32, #tpu.memory_space<vmem>>, vector<16xf32>,
      %ge3A_770 = arith.cmpf oge, %get3A_769, %get3A_12 : vector<16xf32>
      %broadcast_in_dim3A_771 = arith.constant 1 : i32
      %broadcast_in_dim3A_772 = vector.broadcast %broadcast_in_dim3A_771 : i32 to vector<16xi32>
      %masked_cumsum3A_773 = tpu.scan <sum>, %broadcast_in_dim3A_772 masked %ge3A_770 : vector<16xi32>, vector<16xi1> -> vector<16xi32>
      %add3A_774 = arith.addi %add3A_767, %masked_cumsum3A_773 : vector<16xi32>
      %broadcast_in_dim3A_775 = arith.constant 1 : i32
      %broadcast_in_dim3A_776 = vector.broadcast %broadcast_in_dim3A_775 : i32 to vector<16xi32>
      %sub3A_777 = arith.subi %add3A_774, %broadcast_in_dim3A_776 : vector<16xi32>
      %broadcast_in_dim3A_778 = arith.constant 0 : i32
      %broadcast_in_dim3A_779 = vector.broadcast %broadcast_in_dim3A_778 : i32 to vector<16xi32>
      %max3A_780 = arith.maxsi %sub3A_777, %broadcast_in_dim3A_779 : vector<16xi32>
      %broadcast_in_dim3A_781 = arith.constant 127 : i32
      %broadcast_in_dim3A_782 = vector.broadcast %broadcast_in_dim3A_781 : i32 to vector<16xi32>
      %min3A_783 = arith.minsi %max3A_780, %broadcast_in_dim3A_782 : vector<16xi32>
      %broadcast_in_dim3A_784 = arith.constant 528 : i32
      %broadcast_in_dim3A_785 = vector.broadcast %broadcast_in_dim3A_784 : i32 to vector<16xi32>
      %iota3A_786 = tpu.iota {dimensions = array<i32: 0>} : vector<16xi32>
      %add3A_787 = arith.addi %broadcast_in_dim3A_785, %iota3A_786 : vector<16xi32>
      tpu.vector_store_idx %arg9[%min3A_783], %add3A_787 masked %ge3A_770 : memref<144xi32, #tpu.memory_space<vmem>>[vector<16xi32>], vector<16xi32>, vector<16xi1>
      %all_reduce_population_count3A_788 = tpu.all_reduce %ge3A_770 {dim = 0 : i64, kind = #tpu.reduction_kind<sum>} : vector<16xi1> -> vector<16xi32>
      %add3A_789 = arith.addi %add3A_767, %all_reduce_population_count3A_788 : vector<16xi32>
      %get3A_790 = arith.constant 544 : index
      %get3A_791 = tpu.vector_load %arg8[%get3A_790] {strides = array<i32>} : memref<800xf32, #tpu.memory_space<vmem>>, vector<16xf32>,
      %ge3A_792 = arith.cmpf oge, %get3A_791, %get3A_12 : vector<16xf32>
      %broadcast_in_dim3A_793 = arith.constant 1 : i32
      %broadcast_in_dim3A_794 = vector.broadcast %broadcast_in_dim3A_793 : i32 to vector<16xi32>
      %masked_cumsum3A_795 = tpu.scan <sum>, %broadcast_in_dim3A_794 masked %ge3A_792 : vector<16xi32>, vector<16xi1> -> vector<16xi32>
      %add3A_796 = arith.addi %add3A_789, %masked_cumsum3A_795 : vector<16xi32>
      %broadcast_in_dim3A_797 = arith.constant 1 : i32
      %broadcast_in_dim3A_798 = vector.broadcast %broadcast_in_dim3A_797 : i32 to vector<16xi32>
      %sub3A_799 = arith.subi %add3A_796, %broadcast_in_dim3A_798 : vector<16xi32>
      %broadcast_in_dim3A_800 = arith.constant 0 : i32
      %broadcast_in_dim3A_801 = vector.broadcast %broadcast_in_dim3A_800 : i32 to vector<16xi32>
      %max3A_802 = arith.maxsi %sub3A_799, %broadcast_in_dim3A_801 : vector<16xi32>
      %broadcast_in_dim3A_803 = arith.constant 127 : i32
      %broadcast_in_dim3A_804 = vector.broadcast %broadcast_in_dim3A_803 : i32 to vector<16xi32>
      %min3A_805 = arith.minsi %max3A_802, %broadcast_in_dim3A_804 : vector<16xi32>
      %broadcast_in_dim3A_806 = arith.constant 544 : i32
      %broadcast_in_dim3A_807 = vector.broadcast %broadcast_in_dim3A_806 : i32 to vector<16xi32>
      %iota3A_808 = tpu.iota {dimensions = array<i32: 0>} : vector<16xi32>
      %add3A_809 = arith.addi %broadcast_in_dim3A_807, %iota3A_808 : vector<16xi32>
      tpu.vector_store_idx %arg9[%min3A_805], %add3A_809 masked %ge3A_792 : memref<144xi32, #tpu.memory_space<vmem>>[vector<16xi32>], vector<16xi32>, vector<16xi1>
      %all_reduce_population_count3A_810 = tpu.all_reduce %ge3A_792 {dim = 0 : i64, kind = #tpu.reduction_kind<sum>} : vector<16xi1> -> vector<16xi32>
      %add3A_811 = arith.addi %add3A_789, %all_reduce_population_count3A_810 : vector<16xi32>
      %get3A_812 = arith.constant 560 : index
      %get3A_813 = tpu.vector_load %arg8[%get3A_812] {strides = array<i32>} : memref<800xf32, #tpu.memory_space<vmem>>, vector<16xf32>,
      %ge3A_814 = arith.cmpf oge, %get3A_813, %get3A_12 : vector<16xf32>
      %broadcast_in_dim3A_815 = arith.constant 1 : i32
      %broadcast_in_dim3A_816 = vector.broadcast %broadcast_in_dim3A_815 : i32 to vector<16xi32>
      %masked_cumsum3A_817 = tpu.scan <sum>, %broadcast_in_dim3A_816 masked %ge3A_814 : vector<16xi32>, vector<16xi1> -> vector<16xi32>
      %add3A_818 = arith.addi %add3A_811, %masked_cumsum3A_817 : vector<16xi32>
      %broadcast_in_dim3A_819 = arith.constant 1 : i32
      %broadcast_in_dim3A_820 = vector.broadcast %broadcast_in_dim3A_819 : i32 to vector<16xi32>
      %sub3A_821 = arith.subi %add3A_818, %broadcast_in_dim3A_820 : vector<16xi32>
      %broadcast_in_dim3A_822 = arith.constant 0 : i32
      %broadcast_in_dim3A_823 = vector.broadcast %broadcast_in_dim3A_822 : i32 to vector<16xi32>
      %max3A_824 = arith.maxsi %sub3A_821, %broadcast_in_dim3A_823 : vector<16xi32>
      %broadcast_in_dim3A_825 = arith.constant 127 : i32
      %broadcast_in_dim3A_826 = vector.broadcast %broadcast_in_dim3A_825 : i32 to vector<16xi32>
      %min3A_827 = arith.minsi %max3A_824, %broadcast_in_dim3A_826 : vector<16xi32>
      %broadcast_in_dim3A_828 = arith.constant 560 : i32
      %broadcast_in_dim3A_829 = vector.broadcast %broadcast_in_dim3A_828 : i32 to vector<16xi32>
      %iota3A_830 = tpu.iota {dimensions = array<i32: 0>} : vector<16xi32>
      %add3A_831 = arith.addi %broadcast_in_dim3A_829, %iota3A_830 : vector<16xi32>
      tpu.vector_store_idx %arg9[%min3A_827], %add3A_831 masked %ge3A_814 : memref<144xi32, #tpu.memory_space<vmem>>[vector<16xi32>], vector<16xi32>, vector<16xi1>
      %all_reduce_population_count3A_832 = tpu.all_reduce %ge3A_814 {dim = 0 : i64, kind = #tpu.reduction_kind<sum>} : vector<16xi1> -> vector<16xi32>
      %add3A_833 = arith.addi %add3A_811, %all_reduce_population_count3A_832 : vector<16xi32>
      %get3A_834 = arith.constant 576 : index
      %get3A_835 = tpu.vector_load %arg8[%get3A_834] {strides = array<i32>} : memref<800xf32, #tpu.memory_space<vmem>>, vector<16xf32>,
      %ge3A_836 = arith.cmpf oge, %get3A_835, %get3A_12 : vector<16xf32>
      %broadcast_in_dim3A_837 = arith.constant 1 : i32
      %broadcast_in_dim3A_838 = vector.broadcast %broadcast_in_dim3A_837 : i32 to vector<16xi32>
      %masked_cumsum3A_839 = tpu.scan <sum>, %broadcast_in_dim3A_838 masked %ge3A_836 : vector<16xi32>, vector<16xi1> -> vector<16xi32>
      %add3A_840 = arith.addi %add3A_833, %masked_cumsum3A_839 : vector<16xi32>
      %broadcast_in_dim3A_841 = arith.constant 1 : i32
      %broadcast_in_dim3A_842 = vector.broadcast %broadcast_in_dim3A_841 : i32 to vector<16xi32>
      %sub3A_843 = arith.subi %add3A_840, %broadcast_in_dim3A_842 : vector<16xi32>
      %broadcast_in_dim3A_844 = arith.constant 0 : i32
      %broadcast_in_dim3A_845 = vector.broadcast %broadcast_in_dim3A_844 : i32 to vector<16xi32>
      %max3A_846 = arith.maxsi %sub3A_843, %broadcast_in_dim3A_845 : vector<16xi32>
      %broadcast_in_dim3A_847 = arith.constant 127 : i32
      %broadcast_in_dim3A_848 = vector.broadcast %broadcast_in_dim3A_847 : i32 to vector<16xi32>
      %min3A_849 = arith.minsi %max3A_846, %broadcast_in_dim3A_848 : vector<16xi32>
      %broadcast_in_dim3A_850 = arith.constant 576 : i32
      %broadcast_in_dim3A_851 = vector.broadcast %broadcast_in_dim3A_850 : i32 to vector<16xi32>
      %iota3A_852 = tpu.iota {dimensions = array<i32: 0>} : vector<16xi32>
      %add3A_853 = arith.addi %broadcast_in_dim3A_851, %iota3A_852 : vector<16xi32>
      tpu.vector_store_idx %arg9[%min3A_849], %add3A_853 masked %ge3A_836 : memref<144xi32, #tpu.memory_space<vmem>>[vector<16xi32>], vector<16xi32>, vector<16xi1>
      %all_reduce_population_count3A_854 = tpu.all_reduce %ge3A_836 {dim = 0 : i64, kind = #tpu.reduction_kind<sum>} : vector<16xi1> -> vector<16xi32>
      %add3A_855 = arith.addi %add3A_833, %all_reduce_population_count3A_854 : vector<16xi32>
      %get3A_856 = arith.constant 592 : index
      %get3A_857 = tpu.vector_load %arg8[%get3A_856] {strides = array<i32>} : memref<800xf32, #tpu.memory_space<vmem>>, vector<16xf32>,
      %ge3A_858 = arith.cmpf oge, %get3A_857, %get3A_12 : vector<16xf32>
      %broadcast_in_dim3A_859 = arith.constant 1 : i32
      %broadcast_in_dim3A_860 = vector.broadcast %broadcast_in_dim3A_859 : i32 to vector<16xi32>
      %masked_cumsum3A_861 = tpu.scan <sum>, %broadcast_in_dim3A_860 masked %ge3A_858 : vector<16xi32>, vector<16xi1> -> vector<16xi32>
      %add3A_862 = arith.addi %add3A_855, %masked_cumsum3A_861 : vector<16xi32>
      %broadcast_in_dim3A_863 = arith.constant 1 : i32
      %broadcast_in_dim3A_864 = vector.broadcast %broadcast_in_dim3A_863 : i32 to vector<16xi32>
      %sub3A_865 = arith.subi %add3A_862, %broadcast_in_dim3A_864 : vector<16xi32>
      %broadcast_in_dim3A_866 = arith.constant 0 : i32
      %broadcast_in_dim3A_867 = vector.broadcast %broadcast_in_dim3A_866 : i32 to vector<16xi32>
      %max3A_868 = arith.maxsi %sub3A_865, %broadcast_in_dim3A_867 : vector<16xi32>
      %broadcast_in_dim3A_869 = arith.constant 127 : i32
      %broadcast_in_dim3A_870 = vector.broadcast %broadcast_in_dim3A_869 : i32 to vector<16xi32>
      %min3A_871 = arith.minsi %max3A_868, %broadcast_in_dim3A_870 : vector<16xi32>
      %broadcast_in_dim3A_872 = arith.constant 592 : i32
      %broadcast_in_dim3A_873 = vector.broadcast %broadcast_in_dim3A_872 : i32 to vector<16xi32>
      %iota3A_874 = tpu.iota {dimensions = array<i32: 0>} : vector<16xi32>
      %add3A_875 = arith.addi %broadcast_in_dim3A_873, %iota3A_874 : vector<16xi32>
      tpu.vector_store_idx %arg9[%min3A_871], %add3A_875 masked %ge3A_858 : memref<144xi32, #tpu.memory_space<vmem>>[vector<16xi32>], vector<16xi32>, vector<16xi1>
      %all_reduce_population_count3A_876 = tpu.all_reduce %ge3A_858 {dim = 0 : i64, kind = #tpu.reduction_kind<sum>} : vector<16xi1> -> vector<16xi32>
      %add3A_877 = arith.addi %add3A_855, %all_reduce_population_count3A_876 : vector<16xi32>
      %get3A_878 = arith.constant 608 : index
      %get3A_879 = tpu.vector_load %arg8[%get3A_878] {strides = array<i32>} : memref<800xf32, #tpu.memory_space<vmem>>, vector<16xf32>,
      %ge3A_880 = arith.cmpf oge, %get3A_879, %get3A_12 : vector<16xf32>
      %broadcast_in_dim3A_881 = arith.constant 1 : i32
      %broadcast_in_dim3A_882 = vector.broadcast %broadcast_in_dim3A_881 : i32 to vector<16xi32>
      %masked_cumsum3A_883 = tpu.scan <sum>, %broadcast_in_dim3A_882 masked %ge3A_880 : vector<16xi32>, vector<16xi1> -> vector<16xi32>
      %add3A_884 = arith.addi %add3A_877, %masked_cumsum3A_883 : vector<16xi32>
      %broadcast_in_dim3A_885 = arith.constant 1 : i32
      %broadcast_in_dim3A_886 = vector.broadcast %broadcast_in_dim3A_885 : i32 to vector<16xi32>
      %sub3A_887 = arith.subi %add3A_884, %broadcast_in_dim3A_886 : vector<16xi32>
      %broadcast_in_dim3A_888 = arith.constant 0 : i32
      %broadcast_in_dim3A_889 = vector.broadcast %broadcast_in_dim3A_888 : i32 to vector<16xi32>
      %max3A_890 = arith.maxsi %sub3A_887, %broadcast_in_dim3A_889 : vector<16xi32>
      %broadcast_in_dim3A_891 = arith.constant 127 : i32
      %broadcast_in_dim3A_892 = vector.broadcast %broadcast_in_dim3A_891 : i32 to vector<16xi32>
      %min3A_893 = arith.minsi %max3A_890, %broadcast_in_dim3A_892 : vector<16xi32>
      %broadcast_in_dim3A_894 = arith.constant 608 : i32
      %broadcast_in_dim3A_895 = vector.broadcast %broadcast_in_dim3A_894 : i32 to vector<16xi32>
      %iota3A_896 = tpu.iota {dimensions = array<i32: 0>} : vector<16xi32>
      %add3A_897 = arith.addi %broadcast_in_dim3A_895, %iota3A_896 : vector<16xi32>
      tpu.vector_store_idx %arg9[%min3A_893], %add3A_897 masked %ge3A_880 : memref<144xi32, #tpu.memory_space<vmem>>[vector<16xi32>], vector<16xi32>, vector<16xi1>
      %all_reduce_population_count3A_898 = tpu.all_reduce %ge3A_880 {dim = 0 : i64, kind = #tpu.reduction_kind<sum>} : vector<16xi1> -> vector<16xi32>
      %add3A_899 = arith.addi %add3A_877, %all_reduce_population_count3A_898 : vector<16xi32>
      %get3A_900 = arith.constant 624 : index
      %get3A_901 = tpu.vector_load %arg8[%get3A_900] {strides = array<i32>} : memref<800xf32, #tpu.memory_space<vmem>>, vector<16xf32>,
      %ge3A_902 = arith.cmpf oge, %get3A_901, %get3A_12 : vector<16xf32>
      %broadcast_in_dim3A_903 = arith.constant 1 : i32
      %broadcast_in_dim3A_904 = vector.broadcast %broadcast_in_dim3A_903 : i32 to vector<16xi32>
      %masked_cumsum3A_905 = tpu.scan <sum>, %broadcast_in_dim3A_904 masked %ge3A_902 : vector<16xi32>, vector<16xi1> -> vector<16xi32>
      %add3A_906 = arith.addi %add3A_899, %masked_cumsum3A_905 : vector<16xi32>
      %broadcast_in_dim3A_907 = arith.constant 1 : i32
      %broadcast_in_dim3A_908 = vector.broadcast %broadcast_in_dim3A_907 : i32 to vector<16xi32>
      %sub3A_909 = arith.subi %add3A_906, %broadcast_in_dim3A_908 : vector<16xi32>
      %broadcast_in_dim3A_910 = arith.constant 0 : i32
      %broadcast_in_dim3A_911 = vector.broadcast %broadcast_in_dim3A_910 : i32 to vector<16xi32>
      %max3A_912 = arith.maxsi %sub3A_909, %broadcast_in_dim3A_911 : vector<16xi32>
      %broadcast_in_dim3A_913 = arith.constant 127 : i32
      %broadcast_in_dim3A_914 = vector.broadcast %broadcast_in_dim3A_913 : i32 to vector<16xi32>
      %min3A_915 = arith.minsi %max3A_912, %broadcast_in_dim3A_914 : vector<16xi32>
      %broadcast_in_dim3A_916 = arith.constant 624 : i32
      %broadcast_in_dim3A_917 = vector.broadcast %broadcast_in_dim3A_916 : i32 to vector<16xi32>
      %iota3A_918 = tpu.iota {dimensions = array<i32: 0>} : vector<16xi32>
      %add3A_919 = arith.addi %broadcast_in_dim3A_917, %iota3A_918 : vector<16xi32>
      tpu.vector_store_idx %arg9[%min3A_915], %add3A_919 masked %ge3A_902 : memref<144xi32, #tpu.memory_space<vmem>>[vector<16xi32>], vector<16xi32>, vector<16xi1>
      %all_reduce_population_count3A_920 = tpu.all_reduce %ge3A_902 {dim = 0 : i64, kind = #tpu.reduction_kind<sum>} : vector<16xi1> -> vector<16xi32>
      %add3A_921 = arith.addi %add3A_899, %all_reduce_population_count3A_920 : vector<16xi32>
      %get3A_922 = arith.constant 640 : index
      %get3A_923 = tpu.vector_load %arg8[%get3A_922] {strides = array<i32>} : memref<800xf32, #tpu.memory_space<vmem>>, vector<16xf32>,
      %ge3A_924 = arith.cmpf oge, %get3A_923, %get3A_12 : vector<16xf32>
      %broadcast_in_dim3A_925 = arith.constant 1 : i32
      %broadcast_in_dim3A_926 = vector.broadcast %broadcast_in_dim3A_925 : i32 to vector<16xi32>
      %masked_cumsum3A_927 = tpu.scan <sum>, %broadcast_in_dim3A_926 masked %ge3A_924 : vector<16xi32>, vector<16xi1> -> vector<16xi32>
      %add3A_928 = arith.addi %add3A_921, %masked_cumsum3A_927 : vector<16xi32>
      %broadcast_in_dim3A_929 = arith.constant 1 : i32
      %broadcast_in_dim3A_930 = vector.broadcast %broadcast_in_dim3A_929 : i32 to vector<16xi32>
      %sub3A_931 = arith.subi %add3A_928, %broadcast_in_dim3A_930 : vector<16xi32>
      %broadcast_in_dim3A_932 = arith.constant 0 : i32
      %broadcast_in_dim3A_933 = vector.broadcast %broadcast_in_dim3A_932 : i32 to vector<16xi32>
      %max3A_934 = arith.maxsi %sub3A_931, %broadcast_in_dim3A_933 : vector<16xi32>
      %broadcast_in_dim3A_935 = arith.constant 127 : i32
      %broadcast_in_dim3A_936 = vector.broadcast %broadcast_in_dim3A_935 : i32 to vector<16xi32>
      %min3A_937 = arith.minsi %max3A_934, %broadcast_in_dim3A_936 : vector<16xi32>
      %broadcast_in_dim3A_938 = arith.constant 640 : i32
      %broadcast_in_dim3A_939 = vector.broadcast %broadcast_in_dim3A_938 : i32 to vector<16xi32>
      %iota3A_940 = tpu.iota {dimensions = array<i32: 0>} : vector<16xi32>
      %add3A_941 = arith.addi %broadcast_in_dim3A_939, %iota3A_940 : vector<16xi32>
      tpu.vector_store_idx %arg9[%min3A_937], %add3A_941 masked %ge3A_924 : memref<144xi32, #tpu.memory_space<vmem>>[vector<16xi32>], vector<16xi32>, vector<16xi1>
      %all_reduce_population_count3A_942 = tpu.all_reduce %ge3A_924 {dim = 0 : i64, kind = #tpu.reduction_kind<sum>} : vector<16xi1> -> vector<16xi32>
      %add3A_943 = arith.addi %add3A_921, %all_reduce_population_count3A_942 : vector<16xi32>
      %get3A_944 = arith.constant 656 : index
      %get3A_945 = tpu.vector_load %arg8[%get3A_944] {strides = array<i32>} : memref<800xf32, #tpu.memory_space<vmem>>, vector<16xf32>,
      %ge3A_946 = arith.cmpf oge, %get3A_945, %get3A_12 : vector<16xf32>
      %broadcast_in_dim3A_947 = arith.constant 1 : i32
      %broadcast_in_dim3A_948 = vector.broadcast %broadcast_in_dim3A_947 : i32 to vector<16xi32>
      %masked_cumsum3A_949 = tpu.scan <sum>, %broadcast_in_dim3A_948 masked %ge3A_946 : vector<16xi32>, vector<16xi1> -> vector<16xi32>
      %add3A_950 = arith.addi %add3A_943, %masked_cumsum3A_949 : vector<16xi32>
      %broadcast_in_dim3A_951 = arith.constant 1 : i32
      %broadcast_in_dim3A_952 = vector.broadcast %broadcast_in_dim3A_951 : i32 to vector<16xi32>
      %sub3A_953 = arith.subi %add3A_950, %broadcast_in_dim3A_952 : vector<16xi32>
      %broadcast_in_dim3A_954 = arith.constant 0 : i32
      %broadcast_in_dim3A_955 = vector.broadcast %broadcast_in_dim3A_954 : i32 to vector<16xi32>
      %max3A_956 = arith.maxsi %sub3A_953, %broadcast_in_dim3A_955 : vector<16xi32>
      %broadcast_in_dim3A_957 = arith.constant 127 : i32
      %broadcast_in_dim3A_958 = vector.broadcast %broadcast_in_dim3A_957 : i32 to vector<16xi32>
      %min3A_959 = arith.minsi %max3A_956, %broadcast_in_dim3A_958 : vector<16xi32>
      %broadcast_in_dim3A_960 = arith.constant 656 : i32
      %broadcast_in_dim3A_961 = vector.broadcast %broadcast_in_dim3A_960 : i32 to vector<16xi32>
      %iota3A_962 = tpu.iota {dimensions = array<i32: 0>} : vector<16xi32>
      %add3A_963 = arith.addi %broadcast_in_dim3A_961, %iota3A_962 : vector<16xi32>
      tpu.vector_store_idx %arg9[%min3A_959], %add3A_963 masked %ge3A_946 : memref<144xi32, #tpu.memory_space<vmem>>[vector<16xi32>], vector<16xi32>, vector<16xi1>
      %all_reduce_population_count3A_964 = tpu.all_reduce %ge3A_946 {dim = 0 : i64, kind = #tpu.reduction_kind<sum>} : vector<16xi1> -> vector<16xi32>
      %add3A_965 = arith.addi %add3A_943, %all_reduce_population_count3A_964 : vector<16xi32>
      %get3A_966 = arith.constant 672 : index
      %get3A_967 = tpu.vector_load %arg8[%get3A_966] {strides = array<i32>} : memref<800xf32, #tpu.memory_space<vmem>>, vector<16xf32>,
      %ge3A_968 = arith.cmpf oge, %get3A_967, %get3A_12 : vector<16xf32>
      %broadcast_in_dim3A_969 = arith.constant 1 : i32
      %broadcast_in_dim3A_970 = vector.broadcast %broadcast_in_dim3A_969 : i32 to vector<16xi32>
      %masked_cumsum3A_971 = tpu.scan <sum>, %broadcast_in_dim3A_970 masked %ge3A_968 : vector<16xi32>, vector<16xi1> -> vector<16xi32>
      %add3A_972 = arith.addi %add3A_965, %masked_cumsum3A_971 : vector<16xi32>
      %broadcast_in_dim3A_973 = arith.constant 1 : i32
      %broadcast_in_dim3A_974 = vector.broadcast %broadcast_in_dim3A_973 : i32 to vector<16xi32>
      %sub3A_975 = arith.subi %add3A_972, %broadcast_in_dim3A_974 : vector<16xi32>
      %broadcast_in_dim3A_976 = arith.constant 0 : i32
      %broadcast_in_dim3A_977 = vector.broadcast %broadcast_in_dim3A_976 : i32 to vector<16xi32>
      %max3A_978 = arith.maxsi %sub3A_975, %broadcast_in_dim3A_977 : vector<16xi32>
      %broadcast_in_dim3A_979 = arith.constant 127 : i32
      %broadcast_in_dim3A_980 = vector.broadcast %broadcast_in_dim3A_979 : i32 to vector<16xi32>
      %min3A_981 = arith.minsi %max3A_978, %broadcast_in_dim3A_980 : vector<16xi32>
      %broadcast_in_dim3A_982 = arith.constant 672 : i32
      %broadcast_in_dim3A_983 = vector.broadcast %broadcast_in_dim3A_982 : i32 to vector<16xi32>
      %iota3A_984 = tpu.iota {dimensions = array<i32: 0>} : vector<16xi32>
      %add3A_985 = arith.addi %broadcast_in_dim3A_983, %iota3A_984 : vector<16xi32>
      tpu.vector_store_idx %arg9[%min3A_981], %add3A_985 masked %ge3A_968 : memref<144xi32, #tpu.memory_space<vmem>>[vector<16xi32>], vector<16xi32>, vector<16xi1>
      %all_reduce_population_count3A_986 = tpu.all_reduce %ge3A_968 {dim = 0 : i64, kind = #tpu.reduction_kind<sum>} : vector<16xi1> -> vector<16xi32>
      %add3A_987 = arith.addi %add3A_965, %all_reduce_population_count3A_986 : vector<16xi32>
      %get3A_988 = arith.constant 688 : index
      %get3A_989 = tpu.vector_load %arg8[%get3A_988] {strides = array<i32>} : memref<800xf32, #tpu.memory_space<vmem>>, vector<16xf32>,
      %ge3A_990 = arith.cmpf oge, %get3A_989, %get3A_12 : vector<16xf32>
      %broadcast_in_dim3A_991 = arith.constant 1 : i32
      %broadcast_in_dim3A_992 = vector.broadcast %broadcast_in_dim3A_991 : i32 to vector<16xi32>
      %masked_cumsum3A_993 = tpu.scan <sum>, %broadcast_in_dim3A_992 masked %ge3A_990 : vector<16xi32>, vector<16xi1> -> vector<16xi32>
      %add3A_994 = arith.addi %add3A_987, %masked_cumsum3A_993 : vector<16xi32>
      %broadcast_in_dim3A_995 = arith.constant 1 : i32
      %broadcast_in_dim3A_996 = vector.broadcast %broadcast_in_dim3A_995 : i32 to vector<16xi32>
      %sub3A_997 = arith.subi %add3A_994, %broadcast_in_dim3A_996 : vector<16xi32>
      %broadcast_in_dim3A_998 = arith.constant 0 : i32
      %broadcast_in_dim3A_999 = vector.broadcast %broadcast_in_dim3A_998 : i32 to vector<16xi32>
      %max3A_1000 = arith.maxsi %sub3A_997, %broadcast_in_dim3A_999 : vector<16xi32>
      %broadcast_in_dim3A_1001 = arith.constant 127 : i32
      %broadcast_in_dim3A_1002 = vector.broadcast %broadcast_in_dim3A_1001 : i32 to vector<16xi32>
      %min3A_1003 = arith.minsi %max3A_1000, %broadcast_in_dim3A_1002 : vector<16xi32>
      %broadcast_in_dim3A_1004 = arith.constant 688 : i32
      %broadcast_in_dim3A_1005 = vector.broadcast %broadcast_in_dim3A_1004 : i32 to vector<16xi32>
      %iota3A_1006 = tpu.iota {dimensions = array<i32: 0>} : vector<16xi32>
      %add3A_1007 = arith.addi %broadcast_in_dim3A_1005, %iota3A_1006 : vector<16xi32>
      tpu.vector_store_idx %arg9[%min3A_1003], %add3A_1007 masked %ge3A_990 : memref<144xi32, #tpu.memory_space<vmem>>[vector<16xi32>], vector<16xi32>, vector<16xi1>
      %all_reduce_population_count3A_1008 = tpu.all_reduce %ge3A_990 {dim = 0 : i64, kind = #tpu.reduction_kind<sum>} : vector<16xi1> -> vector<16xi32>
      %add3A_1009 = arith.addi %add3A_987, %all_reduce_population_count3A_1008 : vector<16xi32>
      %get3A_1010 = arith.constant 704 : index
      %get3A_1011 = tpu.vector_load %arg8[%get3A_1010] {strides = array<i32>} : memref<800xf32, #tpu.memory_space<vmem>>, vector<16xf32>,
      %ge3A_1012 = arith.cmpf oge, %get3A_1011, %get3A_12 : vector<16xf32>
      %broadcast_in_dim3A_1013 = arith.constant 1 : i32
      %broadcast_in_dim3A_1014 = vector.broadcast %broadcast_in_dim3A_1013 : i32 to vector<16xi32>
      %masked_cumsum3A_1015 = tpu.scan <sum>, %broadcast_in_dim3A_1014 masked %ge3A_1012 : vector<16xi32>, vector<16xi1> -> vector<16xi32>
      %add3A_1016 = arith.addi %add3A_1009, %masked_cumsum3A_1015 : vector<16xi32>
      %broadcast_in_dim3A_1017 = arith.constant 1 : i32
      %broadcast_in_dim3A_1018 = vector.broadcast %broadcast_in_dim3A_1017 : i32 to vector<16xi32>
      %sub3A_1019 = arith.subi %add3A_1016, %broadcast_in_dim3A_1018 : vector<16xi32>
      %broadcast_in_dim3A_1020 = arith.constant 0 : i32
      %broadcast_in_dim3A_1021 = vector.broadcast %broadcast_in_dim3A_1020 : i32 to vector<16xi32>
      %max3A_1022 = arith.maxsi %sub3A_1019, %broadcast_in_dim3A_1021 : vector<16xi32>
      %broadcast_in_dim3A_1023 = arith.constant 127 : i32
      %broadcast_in_dim3A_1024 = vector.broadcast %broadcast_in_dim3A_1023 : i32 to vector<16xi32>
      %min3A_1025 = arith.minsi %max3A_1022, %broadcast_in_dim3A_1024 : vector<16xi32>
      %broadcast_in_dim3A_1026 = arith.constant 704 : i32
      %broadcast_in_dim3A_1027 = vector.broadcast %broadcast_in_dim3A_1026 : i32 to vector<16xi32>
      %iota3A_1028 = tpu.iota {dimensions = array<i32: 0>} : vector<16xi32>
      %add3A_1029 = arith.addi %broadcast_in_dim3A_1027, %iota3A_1028 : vector<16xi32>
      tpu.vector_store_idx %arg9[%min3A_1025], %add3A_1029 masked %ge3A_1012 : memref<144xi32, #tpu.memory_space<vmem>>[vector<16xi32>], vector<16xi32>, vector<16xi1>
      %all_reduce_population_count3A_1030 = tpu.all_reduce %ge3A_1012 {dim = 0 : i64, kind = #tpu.reduction_kind<sum>} : vector<16xi1> -> vector<16xi32>
      %add3A_1031 = arith.addi %add3A_1009, %all_reduce_population_count3A_1030 : vector<16xi32>
      %get3A_1032 = arith.constant 720 : index
      %get3A_1033 = tpu.vector_load %arg8[%get3A_1032] {strides = array<i32>} : memref<800xf32, #tpu.memory_space<vmem>>, vector<16xf32>,
      %ge3A_1034 = arith.cmpf oge, %get3A_1033, %get3A_12 : vector<16xf32>
      %broadcast_in_dim3A_1035 = arith.constant 1 : i32
      %broadcast_in_dim3A_1036 = vector.broadcast %broadcast_in_dim3A_1035 : i32 to vector<16xi32>
      %masked_cumsum3A_1037 = tpu.scan <sum>, %broadcast_in_dim3A_1036 masked %ge3A_1034 : vector<16xi32>, vector<16xi1> -> vector<16xi32>
      %add3A_1038 = arith.addi %add3A_1031, %masked_cumsum3A_1037 : vector<16xi32>
      %broadcast_in_dim3A_1039 = arith.constant 1 : i32
      %broadcast_in_dim3A_1040 = vector.broadcast %broadcast_in_dim3A_1039 : i32 to vector<16xi32>
      %sub3A_1041 = arith.subi %add3A_1038, %broadcast_in_dim3A_1040 : vector<16xi32>
      %broadcast_in_dim3A_1042 = arith.constant 0 : i32
      %broadcast_in_dim3A_1043 = vector.broadcast %broadcast_in_dim3A_1042 : i32 to vector<16xi32>
      %max3A_1044 = arith.maxsi %sub3A_1041, %broadcast_in_dim3A_1043 : vector<16xi32>
      %broadcast_in_dim3A_1045 = arith.constant 127 : i32
      %broadcast_in_dim3A_1046 = vector.broadcast %broadcast_in_dim3A_1045 : i32 to vector<16xi32>
      %min3A_1047 = arith.minsi %max3A_1044, %broadcast_in_dim3A_1046 : vector<16xi32>
      %broadcast_in_dim3A_1048 = arith.constant 720 : i32
      %broadcast_in_dim3A_1049 = vector.broadcast %broadcast_in_dim3A_1048 : i32 to vector<16xi32>
      %iota3A_1050 = tpu.iota {dimensions = array<i32: 0>} : vector<16xi32>
      %add3A_1051 = arith.addi %broadcast_in_dim3A_1049, %iota3A_1050 : vector<16xi32>
      tpu.vector_store_idx %arg9[%min3A_1047], %add3A_1051 masked %ge3A_1034 : memref<144xi32, #tpu.memory_space<vmem>>[vector<16xi32>], vector<16xi32>, vector<16xi1>
      %all_reduce_population_count3A_1052 = tpu.all_reduce %ge3A_1034 {dim = 0 : i64, kind = #tpu.reduction_kind<sum>} : vector<16xi1> -> vector<16xi32>
      %add3A_1053 = arith.addi %add3A_1031, %all_reduce_population_count3A_1052 : vector<16xi32>
      %get3A_1054 = arith.constant 736 : index
      %get3A_1055 = tpu.vector_load %arg8[%get3A_1054] {strides = array<i32>} : memref<800xf32, #tpu.memory_space<vmem>>, vector<16xf32>,
      %ge3A_1056 = arith.cmpf oge, %get3A_1055, %get3A_12 : vector<16xf32>
      %broadcast_in_dim3A_1057 = arith.constant 1 : i32
      %broadcast_in_dim3A_1058 = vector.broadcast %broadcast_in_dim3A_1057 : i32 to vector<16xi32>
      %masked_cumsum3A_1059 = tpu.scan <sum>, %broadcast_in_dim3A_1058 masked %ge3A_1056 : vector<16xi32>, vector<16xi1> -> vector<16xi32>
      %add3A_1060 = arith.addi %add3A_1053, %masked_cumsum3A_1059 : vector<16xi32>
      %broadcast_in_dim3A_1061 = arith.constant 1 : i32
      %broadcast_in_dim3A_1062 = vector.broadcast %broadcast_in_dim3A_1061 : i32 to vector<16xi32>
      %sub3A_1063 = arith.subi %add3A_1060, %broadcast_in_dim3A_1062 : vector<16xi32>
      %broadcast_in_dim3A_1064 = arith.constant 0 : i32
      %broadcast_in_dim3A_1065 = vector.broadcast %broadcast_in_dim3A_1064 : i32 to vector<16xi32>
      %max3A_1066 = arith.maxsi %sub3A_1063, %broadcast_in_dim3A_1065 : vector<16xi32>
      %broadcast_in_dim3A_1067 = arith.constant 127 : i32
      %broadcast_in_dim3A_1068 = vector.broadcast %broadcast_in_dim3A_1067 : i32 to vector<16xi32>
      %min3A_1069 = arith.minsi %max3A_1066, %broadcast_in_dim3A_1068 : vector<16xi32>
      %broadcast_in_dim3A_1070 = arith.constant 736 : i32
      %broadcast_in_dim3A_1071 = vector.broadcast %broadcast_in_dim3A_1070 : i32 to vector<16xi32>
      %iota3A_1072 = tpu.iota {dimensions = array<i32: 0>} : vector<16xi32>
      %add3A_1073 = arith.addi %broadcast_in_dim3A_1071, %iota3A_1072 : vector<16xi32>
      tpu.vector_store_idx %arg9[%min3A_1069], %add3A_1073 masked %ge3A_1056 : memref<144xi32, #tpu.memory_space<vmem>>[vector<16xi32>], vector<16xi32>, vector<16xi1>
      %all_reduce_population_count3A_1074 = tpu.all_reduce %ge3A_1056 {dim = 0 : i64, kind = #tpu.reduction_kind<sum>} : vector<16xi1> -> vector<16xi32>
      %add3A_1075 = arith.addi %add3A_1053, %all_reduce_population_count3A_1074 : vector<16xi32>
      %get3A_1076 = arith.constant 752 : index
      %get3A_1077 = tpu.vector_load %arg8[%get3A_1076] {strides = array<i32>} : memref<800xf32, #tpu.memory_space<vmem>>, vector<16xf32>,
      %ge3A_1078 = arith.cmpf oge, %get3A_1077, %get3A_12 : vector<16xf32>
      %broadcast_in_dim3A_1079 = arith.constant 1 : i32
      %broadcast_in_dim3A_1080 = vector.broadcast %broadcast_in_dim3A_1079 : i32 to vector<16xi32>
      %masked_cumsum3A_1081 = tpu.scan <sum>, %broadcast_in_dim3A_1080 masked %ge3A_1078 : vector<16xi32>, vector<16xi1> -> vector<16xi32>
      %add3A_1082 = arith.addi %add3A_1075, %masked_cumsum3A_1081 : vector<16xi32>
      %broadcast_in_dim3A_1083 = arith.constant 1 : i32
      %broadcast_in_dim3A_1084 = vector.broadcast %broadcast_in_dim3A_1083 : i32 to vector<16xi32>
      %sub3A_1085 = arith.subi %add3A_1082, %broadcast_in_dim3A_1084 : vector<16xi32>
      %broadcast_in_dim3A_1086 = arith.constant 0 : i32
      %broadcast_in_dim3A_1087 = vector.broadcast %broadcast_in_dim3A_1086 : i32 to vector<16xi32>
      %max3A_1088 = arith.maxsi %sub3A_1085, %broadcast_in_dim3A_1087 : vector<16xi32>
      %broadcast_in_dim3A_1089 = arith.constant 127 : i32
      %broadcast_in_dim3A_1090 = vector.broadcast %broadcast_in_dim3A_1089 : i32 to vector<16xi32>
      %min3A_1091 = arith.minsi %max3A_1088, %broadcast_in_dim3A_1090 : vector<16xi32>
      %broadcast_in_dim3A_1092 = arith.constant 752 : i32
      %broadcast_in_dim3A_1093 = vector.broadcast %broadcast_in_dim3A_1092 : i32 to vector<16xi32>
      %iota3A_1094 = tpu.iota {dimensions = array<i32: 0>} : vector<16xi32>
      %add3A_1095 = arith.addi %broadcast_in_dim3A_1093, %iota3A_1094 : vector<16xi32>
      tpu.vector_store_idx %arg9[%min3A_1091], %add3A_1095 masked %ge3A_1078 : memref<144xi32, #tpu.memory_space<vmem>>[vector<16xi32>], vector<16xi32>, vector<16xi1>
      %all_reduce_population_count3A_1096 = tpu.all_reduce %ge3A_1078 {dim = 0 : i64, kind = #tpu.reduction_kind<sum>} : vector<16xi1> -> vector<16xi32>
      %add3A_1097 = arith.addi %add3A_1075, %all_reduce_population_count3A_1096 : vector<16xi32>
      %get3A_1098 = arith.constant 768 : index
      %get3A_1099 = tpu.vector_load %arg8[%get3A_1098] {strides = array<i32>} : memref<800xf32, #tpu.memory_space<vmem>>, vector<16xf32>,
      %ge3A_1100 = arith.cmpf oge, %get3A_1099, %get3A_12 : vector<16xf32>
      %broadcast_in_dim3A_1101 = arith.constant 1 : i32
      %broadcast_in_dim3A_1102 = vector.broadcast %broadcast_in_dim3A_1101 : i32 to vector<16xi32>
      %masked_cumsum3A_1103 = tpu.scan <sum>, %broadcast_in_dim3A_1102 masked %ge3A_1100 : vector<16xi32>, vector<16xi1> -> vector<16xi32>
      %add3A_1104 = arith.addi %add3A_1097, %masked_cumsum3A_1103 : vector<16xi32>
      %broadcast_in_dim3A_1105 = arith.constant 1 : i32
      %broadcast_in_dim3A_1106 = vector.broadcast %broadcast_in_dim3A_1105 : i32 to vector<16xi32>
      %sub3A_1107 = arith.subi %add3A_1104, %broadcast_in_dim3A_1106 : vector<16xi32>
      %broadcast_in_dim3A_1108 = arith.constant 0 : i32
      %broadcast_in_dim3A_1109 = vector.broadcast %broadcast_in_dim3A_1108 : i32 to vector<16xi32>
      %max3A_1110 = arith.maxsi %sub3A_1107, %broadcast_in_dim3A_1109 : vector<16xi32>
      %broadcast_in_dim3A_1111 = arith.constant 127 : i32
      %broadcast_in_dim3A_1112 = vector.broadcast %broadcast_in_dim3A_1111 : i32 to vector<16xi32>
      %min3A_1113 = arith.minsi %max3A_1110, %broadcast_in_dim3A_1112 : vector<16xi32>
      %broadcast_in_dim3A_1114 = arith.constant 768 : i32
      %broadcast_in_dim3A_1115 = vector.broadcast %broadcast_in_dim3A_1114 : i32 to vector<16xi32>
      %iota3A_1116 = tpu.iota {dimensions = array<i32: 0>} : vector<16xi32>
      %add3A_1117 = arith.addi %broadcast_in_dim3A_1115, %iota3A_1116 : vector<16xi32>
      tpu.vector_store_idx %arg9[%min3A_1113], %add3A_1117 masked %ge3A_1100 : memref<144xi32, #tpu.memory_space<vmem>>[vector<16xi32>], vector<16xi32>, vector<16xi1>
      %all_reduce_population_count3A_1118 = tpu.all_reduce %ge3A_1100 {dim = 0 : i64, kind = #tpu.reduction_kind<sum>} : vector<16xi1> -> vector<16xi32>
      %add3A_1119 = arith.addi %add3A_1097, %all_reduce_population_count3A_1118 : vector<16xi32>
      %swap3A_1120 = arith.constant 0 : index
      %swap3A_1121 = tpu.vector_load %arg15[%swap3A_1120] {strides = array<i32>} : memref<16xi32, #tpu.memory_space<vmem>>, vector<16xi32>,
      tpu.vector_store %arg15[%swap3A_1120], %add3A_1119 {strides = array<i32>} : memref<16xi32, #tpu.memory_space<vmem>>, vector<16xi32>,
      %get3A_1122 = arith.constant 0 : index
      %get3A_1123 = tpu.vector_load %arg15[%get3A_1122] {strides = array<i32>} : memref<16xi32, #tpu.memory_space<vmem>>, vector<16xi32>,
      %slice3A = vector.extract_strided_slice %get3A_1123 {offsets = [0], sizes = [1], strides = [1]} : vector<16xi32> to vector<1xi32>
      %squeeze3A = vector.extract %slice3A[0] : i32 from vector<1xi32>
      %min3A_1124 = arith.constant 128 : i32
      %min3A_1125 = arith.minsi %squeeze3A, %min3A_1124 : i32
      %get3A_1126 = arith.constant 0 : index
      %get3A_1127 = tpu.vector_load %arg9[%get3A_1126] {strides = array<i32>} : memref<144xi32, #tpu.memory_space<vmem>>, vector<16xi32>,
      %mul3A_1128 = arith.constant 784 : i32
      %mul3A_1129 = arith.muli %add3A_9, %mul3A_1128 : i32
      %broadcast_in_dim3A_1130 = vector.broadcast %mul3A_1129 : i32 to vector<16xi32>
      %add3A_1131 = arith.addi %get3A_1127, %broadcast_in_dim3A_1130 : vector<16xi32>
      %swap3A_1132 = arith.constant 0 : index
      %swap3A_1133 = tpu.vector_load %arg10[%swap3A_1132] {strides = array<i32>} : memref<128xi32, #tpu.memory_space<vmem>>, vector<16xi32>,
      tpu.vector_store %arg10[%swap3A_1132], %add3A_1131 {strides = array<i32>} : memref<128xi32, #tpu.memory_space<vmem>>, vector<16xi32>,
      %get3A_1134 = arith.constant 16 : index
      %get3A_1135 = tpu.vector_load %arg9[%get3A_1134] {strides = array<i32>} : memref<144xi32, #tpu.memory_space<vmem>>, vector<16xi32>,
      %mul3A_1136 = arith.constant 784 : i32
      %mul3A_1137 = arith.muli %add3A_9, %mul3A_1136 : i32
      %broadcast_in_dim3A_1138 = vector.broadcast %mul3A_1137 : i32 to vector<16xi32>
      %add3A_1139 = arith.addi %get3A_1135, %broadcast_in_dim3A_1138 : vector<16xi32>
      %swap3A_1140 = arith.constant 16 : index
      %swap3A_1141 = tpu.vector_load %arg10[%swap3A_1140] {strides = array<i32>} : memref<128xi32, #tpu.memory_space<vmem>>, vector<16xi32>,
      tpu.vector_store %arg10[%swap3A_1140], %add3A_1139 {strides = array<i32>} : memref<128xi32, #tpu.memory_space<vmem>>, vector<16xi32>,
      %get3A_1142 = arith.constant 32 : index
      %get3A_1143 = tpu.vector_load %arg9[%get3A_1142] {strides = array<i32>} : memref<144xi32, #tpu.memory_space<vmem>>, vector<16xi32>,
      %mul3A_1144 = arith.constant 784 : i32
      %mul3A_1145 = arith.muli %add3A_9, %mul3A_1144 : i32
      %broadcast_in_dim3A_1146 = vector.broadcast %mul3A_1145 : i32 to vector<16xi32>
      %add3A_1147 = arith.addi %get3A_1143, %broadcast_in_dim3A_1146 : vector<16xi32>
      %swap3A_1148 = arith.constant 32 : index
      %swap3A_1149 = tpu.vector_load %arg10[%swap3A_1148] {strides = array<i32>} : memref<128xi32, #tpu.memory_space<vmem>>, vector<16xi32>,
      tpu.vector_store %arg10[%swap3A_1148], %add3A_1147 {strides = array<i32>} : memref<128xi32, #tpu.memory_space<vmem>>, vector<16xi32>,
      %get3A_1150 = arith.constant 48 : index
      %get3A_1151 = tpu.vector_load %arg9[%get3A_1150] {strides = array<i32>} : memref<144xi32, #tpu.memory_space<vmem>>, vector<16xi32>,
      %mul3A_1152 = arith.constant 784 : i32
      %mul3A_1153 = arith.muli %add3A_9, %mul3A_1152 : i32
      %broadcast_in_dim3A_1154 = vector.broadcast %mul3A_1153 : i32 to vector<16xi32>
      %add3A_1155 = arith.addi %get3A_1151, %broadcast_in_dim3A_1154 : vector<16xi32>
      %swap3A_1156 = arith.constant 48 : index
      %swap3A_1157 = tpu.vector_load %arg10[%swap3A_1156] {strides = array<i32>} : memref<128xi32, #tpu.memory_space<vmem>>, vector<16xi32>,
      tpu.vector_store %arg10[%swap3A_1156], %add3A_1155 {strides = array<i32>} : memref<128xi32, #tpu.memory_space<vmem>>, vector<16xi32>,
      %get3A_1158 = arith.constant 64 : index
      %get3A_1159 = tpu.vector_load %arg9[%get3A_1158] {strides = array<i32>} : memref<144xi32, #tpu.memory_space<vmem>>, vector<16xi32>,
      %mul3A_1160 = arith.constant 784 : i32
      %mul3A_1161 = arith.muli %add3A_9, %mul3A_1160 : i32
      %broadcast_in_dim3A_1162 = vector.broadcast %mul3A_1161 : i32 to vector<16xi32>
      %add3A_1163 = arith.addi %get3A_1159, %broadcast_in_dim3A_1162 : vector<16xi32>
      %swap3A_1164 = arith.constant 64 : index
      %swap3A_1165 = tpu.vector_load %arg10[%swap3A_1164] {strides = array<i32>} : memref<128xi32, #tpu.memory_space<vmem>>, vector<16xi32>,
      tpu.vector_store %arg10[%swap3A_1164], %add3A_1163 {strides = array<i32>} : memref<128xi32, #tpu.memory_space<vmem>>, vector<16xi32>,
      %get3A_1166 = arith.constant 80 : index
      %get3A_1167 = tpu.vector_load %arg9[%get3A_1166] {strides = array<i32>} : memref<144xi32, #tpu.memory_space<vmem>>, vector<16xi32>,
      %mul3A_1168 = arith.constant 784 : i32
      %mul3A_1169 = arith.muli %add3A_9, %mul3A_1168 : i32
      %broadcast_in_dim3A_1170 = vector.broadcast %mul3A_1169 : i32 to vector<16xi32>
      %add3A_1171 = arith.addi %get3A_1167, %broadcast_in_dim3A_1170 : vector<16xi32>
      %swap3A_1172 = arith.constant 80 : index
      %swap3A_1173 = tpu.vector_load %arg10[%swap3A_1172] {strides = array<i32>} : memref<128xi32, #tpu.memory_space<vmem>>, vector<16xi32>,
      tpu.vector_store %arg10[%swap3A_1172], %add3A_1171 {strides = array<i32>} : memref<128xi32, #tpu.memory_space<vmem>>, vector<16xi32>,
      %get3A_1174 = arith.constant 96 : index
      %get3A_1175 = tpu.vector_load %arg9[%get3A_1174] {strides = array<i32>} : memref<144xi32, #tpu.memory_space<vmem>>, vector<16xi32>,
      %mul3A_1176 = arith.constant 784 : i32
      %mul3A_1177 = arith.muli %add3A_9, %mul3A_1176 : i32
      %broadcast_in_dim3A_1178 = vector.broadcast %mul3A_1177 : i32 to vector<16xi32>
      %add3A_1179 = arith.addi %get3A_1175, %broadcast_in_dim3A_1178 : vector<16xi32>
      %swap3A_1180 = arith.constant 96 : index
      %swap3A_1181 = tpu.vector_load %arg10[%swap3A_1180] {strides = array<i32>} : memref<128xi32, #tpu.memory_space<vmem>>, vector<16xi32>,
      tpu.vector_store %arg10[%swap3A_1180], %add3A_1179 {strides = array<i32>} : memref<128xi32, #tpu.memory_space<vmem>>, vector<16xi32>,
      %get3A_1182 = arith.constant 112 : index
      %get3A_1183 = tpu.vector_load %arg9[%get3A_1182] {strides = array<i32>} : memref<144xi32, #tpu.memory_space<vmem>>, vector<16xi32>,
      %mul3A_1184 = arith.constant 784 : i32
      %mul3A_1185 = arith.muli %add3A_9, %mul3A_1184 : i32
      %broadcast_in_dim3A_1186 = vector.broadcast %mul3A_1185 : i32 to vector<16xi32>
      %add3A_1187 = arith.addi %get3A_1183, %broadcast_in_dim3A_1186 : vector<16xi32>
      %swap3A_1188 = arith.constant 112 : index
      %swap3A_1189 = tpu.vector_load %arg10[%swap3A_1188] {strides = array<i32>} : memref<128xi32, #tpu.memory_space<vmem>>, vector<16xi32>,
      tpu.vector_store %arg10[%swap3A_1188], %add3A_1187 {strides = array<i32>} : memref<128xi32, #tpu.memory_space<vmem>>, vector<16xi32>,
      %dma_start3A = arith.constant 0 : i32
      %dma_start3A_1190 = arith.constant 0 : i32
      %dma_start3A_1191 = tpu.memref_slice %arg2[%dma_start3A, %dma_start3A_1190] : memref<802816x128xf32, #tpu.memory_space<hbm>> -> memref<802816x128xf32, #tpu.memory_space<hbm>>
      tpu.enqueue_indirect_dma source(%dma_start3A_1191 : memref<802816x128xf32, #tpu.memory_space<hbm>>) target(%arg11 : memref<128x128xf32, #tpu.memory_space<vmem>>) offsets(%arg10 : memref<128xi32, #tpu.memory_space<vmem>>) semaphore(%arg16 : memref<!tpu.dma_semaphore, #tpu.memory_space<semaphore_mem>>)
      %dma_wait3A = arith.constant 0 : i32
      %dma_wait3A_1192 = arith.constant 0 : i32
      %dma_wait3A_1193 = tpu.memref_slice %arg2[%dma_wait3A, %dma_wait3A_1192] : memref<802816x128xf32, #tpu.memory_space<hbm>> -> memref<802816x128xf32, #tpu.memory_space<hbm>>
      tpu.wait_indirect_dma semaphore(%arg16 : memref<!tpu.dma_semaphore, #tpu.memory_space<semaphore_mem>>) src(%dma_wait3A_1193 : memref<802816x128xf32, #tpu.memory_space<hbm>>) dst(%arg11 : memref<128x128xf32, #tpu.memory_space<vmem>>)
      %broadcast_in_dim3A_1194 = arith.constant 0xFF800000 : f32
      %broadcast_in_dim3A_1195 = vector.broadcast %broadcast_in_dim3A_1194 : f32 to vector<16xf32>
      %swap3A_1196 = arith.constant 0 : index
      %swap3A_1197 = tpu.vector_load %arg12[%swap3A_1196] {strides = array<i32>} : memref<256xf32, #tpu.memory_space<vmem>>, vector<16xf32>,
      tpu.vector_store %arg12[%swap3A_1196], %broadcast_in_dim3A_1195 {strides = array<i32>} : memref<256xf32, #tpu.memory_space<vmem>>, vector<16xf32>,
      %broadcast_in_dim3A_1198 = arith.constant 0 : i32
      %broadcast_in_dim3A_1199 = vector.broadcast %broadcast_in_dim3A_1198 : i32 to vector<16xi32>
      %swap3A_1200 = arith.constant 0 : index
      %swap3A_1201 = tpu.vector_load %arg13[%swap3A_1200] {strides = array<i32>} : memref<256xi32, #tpu.memory_space<vmem>>, vector<16xi32>,
      tpu.vector_store %arg13[%swap3A_1200], %broadcast_in_dim3A_1199 {strides = array<i32>} : memref<256xi32, #tpu.memory_space<vmem>>, vector<16xi32>,
      %broadcast_in_dim3A_1202 = arith.constant 0xFF800000 : f32
      %broadcast_in_dim3A_1203 = vector.broadcast %broadcast_in_dim3A_1202 : f32 to vector<16xf32>
      %swap3A_1204 = arith.constant 16 : index
      %swap3A_1205 = tpu.vector_load %arg12[%swap3A_1204] {strides = array<i32>} : memref<256xf32, #tpu.memory_space<vmem>>, vector<16xf32>,
      tpu.vector_store %arg12[%swap3A_1204], %broadcast_in_dim3A_1203 {strides = array<i32>} : memref<256xf32, #tpu.memory_space<vmem>>, vector<16xf32>,
      %broadcast_in_dim3A_1206 = arith.constant 0 : i32
      %broadcast_in_dim3A_1207 = vector.broadcast %broadcast_in_dim3A_1206 : i32 to vector<16xi32>
      %swap3A_1208 = arith.constant 16 : index
      %swap3A_1209 = tpu.vector_load %arg13[%swap3A_1208] {strides = array<i32>} : memref<256xi32, #tpu.memory_space<vmem>>, vector<16xi32>,
      tpu.vector_store %arg13[%swap3A_1208], %broadcast_in_dim3A_1207 {strides = array<i32>} : memref<256xi32, #tpu.memory_space<vmem>>, vector<16xi32>,
      %broadcast_in_dim3A_1210 = arith.constant 0xFF800000 : f32
      %broadcast_in_dim3A_1211 = vector.broadcast %broadcast_in_dim3A_1210 : f32 to vector<16xf32>
      %swap3A_1212 = arith.constant 32 : index
      %swap3A_1213 = tpu.vector_load %arg12[%swap3A_1212] {strides = array<i32>} : memref<256xf32, #tpu.memory_space<vmem>>, vector<16xf32>,
      tpu.vector_store %arg12[%swap3A_1212], %broadcast_in_dim3A_1211 {strides = array<i32>} : memref<256xf32, #tpu.memory_space<vmem>>, vector<16xf32>,
      %broadcast_in_dim3A_1214 = arith.constant 0 : i32
      %broadcast_in_dim3A_1215 = vector.broadcast %broadcast_in_dim3A_1214 : i32 to vector<16xi32>
      %swap3A_1216 = arith.constant 32 : index
      %swap3A_1217 = tpu.vector_load %arg13[%swap3A_1216] {strides = array<i32>} : memref<256xi32, #tpu.memory_space<vmem>>, vector<16xi32>,
      tpu.vector_store %arg13[%swap3A_1216], %broadcast_in_dim3A_1215 {strides = array<i32>} : memref<256xi32, #tpu.memory_space<vmem>>, vector<16xi32>,
      %broadcast_in_dim3A_1218 = arith.constant 0xFF800000 : f32
      %broadcast_in_dim3A_1219 = vector.broadcast %broadcast_in_dim3A_1218 : f32 to vector<16xf32>
      %swap3A_1220 = arith.constant 48 : index
      %swap3A_1221 = tpu.vector_load %arg12[%swap3A_1220] {strides = array<i32>} : memref<256xf32, #tpu.memory_space<vmem>>, vector<16xf32>,
      tpu.vector_store %arg12[%swap3A_1220], %broadcast_in_dim3A_1219 {strides = array<i32>} : memref<256xf32, #tpu.memory_space<vmem>>, vector<16xf32>,
      %broadcast_in_dim3A_1222 = arith.constant 0 : i32
      %broadcast_in_dim3A_1223 = vector.broadcast %broadcast_in_dim3A_1222 : i32 to vector<16xi32>
      %swap3A_1224 = arith.constant 48 : index
      %swap3A_1225 = tpu.vector_load %arg13[%swap3A_1224] {strides = array<i32>} : memref<256xi32, #tpu.memory_space<vmem>>, vector<16xi32>,
      tpu.vector_store %arg13[%swap3A_1224], %broadcast_in_dim3A_1223 {strides = array<i32>} : memref<256xi32, #tpu.memory_space<vmem>>, vector<16xi32>,
      %broadcast_in_dim3A_1226 = arith.constant 0xFF800000 : f32
      %broadcast_in_dim3A_1227 = vector.broadcast %broadcast_in_dim3A_1226 : f32 to vector<16xf32>
      %swap3A_1228 = arith.constant 64 : index
      %swap3A_1229 = tpu.vector_load %arg12[%swap3A_1228] {strides = array<i32>} : memref<256xf32, #tpu.memory_space<vmem>>, vector<16xf32>,
      tpu.vector_store %arg12[%swap3A_1228], %broadcast_in_dim3A_1227 {strides = array<i32>} : memref<256xf32, #tpu.memory_space<vmem>>, vector<16xf32>,
      %broadcast_in_dim3A_1230 = arith.constant 0 : i32
      %broadcast_in_dim3A_1231 = vector.broadcast %broadcast_in_dim3A_1230 : i32 to vector<16xi32>
      %swap3A_1232 = arith.constant 64 : index
      %swap3A_1233 = tpu.vector_load %arg13[%swap3A_1232] {strides = array<i32>} : memref<256xi32, #tpu.memory_space<vmem>>, vector<16xi32>,
      tpu.vector_store %arg13[%swap3A_1232], %broadcast_in_dim3A_1231 {strides = array<i32>} : memref<256xi32, #tpu.memory_space<vmem>>, vector<16xi32>,
      %broadcast_in_dim3A_1234 = arith.constant 0xFF800000 : f32
      %broadcast_in_dim3A_1235 = vector.broadcast %broadcast_in_dim3A_1234 : f32 to vector<16xf32>
      %swap3A_1236 = arith.constant 80 : index
      %swap3A_1237 = tpu.vector_load %arg12[%swap3A_1236] {strides = array<i32>} : memref<256xf32, #tpu.memory_space<vmem>>, vector<16xf32>,
      tpu.vector_store %arg12[%swap3A_1236], %broadcast_in_dim3A_1235 {strides = array<i32>} : memref<256xf32, #tpu.memory_space<vmem>>, vector<16xf32>,
      %broadcast_in_dim3A_1238 = arith.constant 0 : i32
      %broadcast_in_dim3A_1239 = vector.broadcast %broadcast_in_dim3A_1238 : i32 to vector<16xi32>
      %swap3A_1240 = arith.constant 80 : index
      %swap3A_1241 = tpu.vector_load %arg13[%swap3A_1240] {strides = array<i32>} : memref<256xi32, #tpu.memory_space<vmem>>, vector<16xi32>,
      tpu.vector_store %arg13[%swap3A_1240], %broadcast_in_dim3A_1239 {strides = array<i32>} : memref<256xi32, #tpu.memory_space<vmem>>, vector<16xi32>,
      %broadcast_in_dim3A_1242 = arith.constant 0xFF800000 : f32
      %broadcast_in_dim3A_1243 = vector.broadcast %broadcast_in_dim3A_1242 : f32 to vector<16xf32>
      %swap3A_1244 = arith.constant 96 : index
      %swap3A_1245 = tpu.vector_load %arg12[%swap3A_1244] {strides = array<i32>} : memref<256xf32, #tpu.memory_space<vmem>>, vector<16xf32>,
      tpu.vector_store %arg12[%swap3A_1244], %broadcast_in_dim3A_1243 {strides = array<i32>} : memref<256xf32, #tpu.memory_space<vmem>>, vector<16xf32>,
      %broadcast_in_dim3A_1246 = arith.constant 0 : i32
      %broadcast_in_dim3A_1247 = vector.broadcast %broadcast_in_dim3A_1246 : i32 to vector<16xi32>
      %swap3A_1248 = arith.constant 96 : index
      %swap3A_1249 = tpu.vector_load %arg13[%swap3A_1248] {strides = array<i32>} : memref<256xi32, #tpu.memory_space<vmem>>, vector<16xi32>,
      tpu.vector_store %arg13[%swap3A_1248], %broadcast_in_dim3A_1247 {strides = array<i32>} : memref<256xi32, #tpu.memory_space<vmem>>, vector<16xi32>,
      %broadcast_in_dim3A_1250 = arith.constant 0xFF800000 : f32
      %broadcast_in_dim3A_1251 = vector.broadcast %broadcast_in_dim3A_1250 : f32 to vector<16xf32>
      %swap3A_1252 = arith.constant 112 : index
      %swap3A_1253 = tpu.vector_load %arg12[%swap3A_1252] {strides = array<i32>} : memref<256xf32, #tpu.memory_space<vmem>>, vector<16xf32>,
      tpu.vector_store %arg12[%swap3A_1252], %broadcast_in_dim3A_1251 {strides = array<i32>} : memref<256xf32, #tpu.memory_space<vmem>>, vector<16xf32>,
      %broadcast_in_dim3A_1254 = arith.constant 0 : i32
      %broadcast_in_dim3A_1255 = vector.broadcast %broadcast_in_dim3A_1254 : i32 to vector<16xi32>
      %swap3A_1256 = arith.constant 112 : index
      %swap3A_1257 = tpu.vector_load %arg13[%swap3A_1256] {strides = array<i32>} : memref<256xi32, #tpu.memory_space<vmem>>, vector<16xi32>,
      tpu.vector_store %arg13[%swap3A_1256], %broadcast_in_dim3A_1255 {strides = array<i32>} : memref<256xi32, #tpu.memory_space<vmem>>, vector<16xi32>,
      %broadcast_in_dim3A_1258 = arith.constant 0xFF800000 : f32
      %broadcast_in_dim3A_1259 = vector.broadcast %broadcast_in_dim3A_1258 : f32 to vector<16xf32>
      %swap3A_1260 = arith.constant 128 : index
      %swap3A_1261 = tpu.vector_load %arg12[%swap3A_1260] {strides = array<i32>} : memref<256xf32, #tpu.memory_space<vmem>>, vector<16xf32>,
      tpu.vector_store %arg12[%swap3A_1260], %broadcast_in_dim3A_1259 {strides = array<i32>} : memref<256xf32, #tpu.memory_space<vmem>>, vector<16xf32>,
      %broadcast_in_dim3A_1262 = arith.constant 0 : i32
      %broadcast_in_dim3A_1263 = vector.broadcast %broadcast_in_dim3A_1262 : i32 to vector<16xi32>
      %swap3A_1264 = arith.constant 128 : index
      %swap3A_1265 = tpu.vector_load %arg13[%swap3A_1264] {strides = array<i32>} : memref<256xi32, #tpu.memory_space<vmem>>, vector<16xi32>,
      tpu.vector_store %arg13[%swap3A_1264], %broadcast_in_dim3A_1263 {strides = array<i32>} : memref<256xi32, #tpu.memory_space<vmem>>, vector<16xi32>,
      %broadcast_in_dim3A_1266 = arith.constant 0xFF800000 : f32
      %broadcast_in_dim3A_1267 = vector.broadcast %broadcast_in_dim3A_1266 : f32 to vector<16xf32>
      %swap3A_1268 = arith.constant 144 : index
      %swap3A_1269 = tpu.vector_load %arg12[%swap3A_1268] {strides = array<i32>} : memref<256xf32, #tpu.memory_space<vmem>>, vector<16xf32>,
      tpu.vector_store %arg12[%swap3A_1268], %broadcast_in_dim3A_1267 {strides = array<i32>} : memref<256xf32, #tpu.memory_space<vmem>>, vector<16xf32>,
      %broadcast_in_dim3A_1270 = arith.constant 0 : i32
      %broadcast_in_dim3A_1271 = vector.broadcast %broadcast_in_dim3A_1270 : i32 to vector<16xi32>
      %swap3A_1272 = arith.constant 144 : index
      %swap3A_1273 = tpu.vector_load %arg13[%swap3A_1272] {strides = array<i32>} : memref<256xi32, #tpu.memory_space<vmem>>, vector<16xi32>,
      tpu.vector_store %arg13[%swap3A_1272], %broadcast_in_dim3A_1271 {strides = array<i32>} : memref<256xi32, #tpu.memory_space<vmem>>, vector<16xi32>,
      %broadcast_in_dim3A_1274 = arith.constant 0xFF800000 : f32
      %broadcast_in_dim3A_1275 = vector.broadcast %broadcast_in_dim3A_1274 : f32 to vector<16xf32>
      %swap3A_1276 = arith.constant 160 : index
      %swap3A_1277 = tpu.vector_load %arg12[%swap3A_1276] {strides = array<i32>} : memref<256xf32, #tpu.memory_space<vmem>>, vector<16xf32>,
      tpu.vector_store %arg12[%swap3A_1276], %broadcast_in_dim3A_1275 {strides = array<i32>} : memref<256xf32, #tpu.memory_space<vmem>>, vector<16xf32>,
      %broadcast_in_dim3A_1278 = arith.constant 0 : i32
      %broadcast_in_dim3A_1279 = vector.broadcast %broadcast_in_dim3A_1278 : i32 to vector<16xi32>
      %swap3A_1280 = arith.constant 160 : index
      %swap3A_1281 = tpu.vector_load %arg13[%swap3A_1280] {strides = array<i32>} : memref<256xi32, #tpu.memory_space<vmem>>, vector<16xi32>,
      tpu.vector_store %arg13[%swap3A_1280], %broadcast_in_dim3A_1279 {strides = array<i32>} : memref<256xi32, #tpu.memory_space<vmem>>, vector<16xi32>,
      %broadcast_in_dim3A_1282 = arith.constant 0xFF800000 : f32
      %broadcast_in_dim3A_1283 = vector.broadcast %broadcast_in_dim3A_1282 : f32 to vector<16xf32>
      %swap3A_1284 = arith.constant 176 : index
      %swap3A_1285 = tpu.vector_load %arg12[%swap3A_1284] {strides = array<i32>} : memref<256xf32, #tpu.memory_space<vmem>>, vector<16xf32>,
      tpu.vector_store %arg12[%swap3A_1284], %broadcast_in_dim3A_1283 {strides = array<i32>} : memref<256xf32, #tpu.memory_space<vmem>>, vector<16xf32>,
      %broadcast_in_dim3A_1286 = arith.constant 0 : i32
      %broadcast_in_dim3A_1287 = vector.broadcast %broadcast_in_dim3A_1286 : i32 to vector<16xi32>
      %swap3A_1288 = arith.constant 176 : index
      %swap3A_1289 = tpu.vector_load %arg13[%swap3A_1288] {strides = array<i32>} : memref<256xi32, #tpu.memory_space<vmem>>, vector<16xi32>,
      tpu.vector_store %arg13[%swap3A_1288], %broadcast_in_dim3A_1287 {strides = array<i32>} : memref<256xi32, #tpu.memory_space<vmem>>, vector<16xi32>,
      %broadcast_in_dim3A_1290 = arith.constant 0xFF800000 : f32
      %broadcast_in_dim3A_1291 = vector.broadcast %broadcast_in_dim3A_1290 : f32 to vector<16xf32>
      %swap3A_1292 = arith.constant 192 : index
      %swap3A_1293 = tpu.vector_load %arg12[%swap3A_1292] {strides = array<i32>} : memref<256xf32, #tpu.memory_space<vmem>>, vector<16xf32>,
      tpu.vector_store %arg12[%swap3A_1292], %broadcast_in_dim3A_1291 {strides = array<i32>} : memref<256xf32, #tpu.memory_space<vmem>>, vector<16xf32>,
      %broadcast_in_dim3A_1294 = arith.constant 0 : i32
      %broadcast_in_dim3A_1295 = vector.broadcast %broadcast_in_dim3A_1294 : i32 to vector<16xi32>
      %swap3A_1296 = arith.constant 192 : index
      %swap3A_1297 = tpu.vector_load %arg13[%swap3A_1296] {strides = array<i32>} : memref<256xi32, #tpu.memory_space<vmem>>, vector<16xi32>,
      tpu.vector_store %arg13[%swap3A_1296], %broadcast_in_dim3A_1295 {strides = array<i32>} : memref<256xi32, #tpu.memory_space<vmem>>, vector<16xi32>,
      %broadcast_in_dim3A_1298 = arith.constant 0xFF800000 : f32
      %broadcast_in_dim3A_1299 = vector.broadcast %broadcast_in_dim3A_1298 : f32 to vector<16xf32>
      %swap3A_1300 = arith.constant 208 : index
      %swap3A_1301 = tpu.vector_load %arg12[%swap3A_1300] {strides = array<i32>} : memref<256xf32, #tpu.memory_space<vmem>>, vector<16xf32>,
      tpu.vector_store %arg12[%swap3A_1300], %broadcast_in_dim3A_1299 {strides = array<i32>} : memref<256xf32, #tpu.memory_space<vmem>>, vector<16xf32>,
      %broadcast_in_dim3A_1302 = arith.constant 0 : i32
      %broadcast_in_dim3A_1303 = vector.broadcast %broadcast_in_dim3A_1302 : i32 to vector<16xi32>
      %swap3A_1304 = arith.constant 208 : index
      %swap3A_1305 = tpu.vector_load %arg13[%swap3A_1304] {strides = array<i32>} : memref<256xi32, #tpu.memory_space<vmem>>, vector<16xi32>,
      tpu.vector_store %arg13[%swap3A_1304], %broadcast_in_dim3A_1303 {strides = array<i32>} : memref<256xi32, #tpu.memory_space<vmem>>, vector<16xi32>,
      %broadcast_in_dim3A_1306 = arith.constant 0xFF800000 : f32
      %broadcast_in_dim3A_1307 = vector.broadcast %broadcast_in_dim3A_1306 : f32 to vector<16xf32>
      %swap3A_1308 = arith.constant 224 : index
      %swap3A_1309 = tpu.vector_load %arg12[%swap3A_1308] {strides = array<i32>} : memref<256xf32, #tpu.memory_space<vmem>>, vector<16xf32>,
      tpu.vector_store %arg12[%swap3A_1308], %broadcast_in_dim3A_1307 {strides = array<i32>} : memref<256xf32, #tpu.memory_space<vmem>>, vector<16xf32>,
      %broadcast_in_dim3A_1310 = arith.constant 0 : i32
      %broadcast_in_dim3A_1311 = vector.broadcast %broadcast_in_dim3A_1310 : i32 to vector<16xi32>
      %swap3A_1312 = arith.constant 224 : index
      %swap3A_1313 = tpu.vector_load %arg13[%swap3A_1312] {strides = array<i32>} : memref<256xi32, #tpu.memory_space<vmem>>, vector<16xi32>,
      tpu.vector_store %arg13[%swap3A_1312], %broadcast_in_dim3A_1311 {strides = array<i32>} : memref<256xi32, #tpu.memory_space<vmem>>, vector<16xi32>,
      %broadcast_in_dim3A_1314 = arith.constant 0xFF800000 : f32
      %broadcast_in_dim3A_1315 = vector.broadcast %broadcast_in_dim3A_1314 : f32 to vector<16xf32>
      %swap3A_1316 = arith.constant 240 : index
      %swap3A_1317 = tpu.vector_load %arg12[%swap3A_1316] {strides = array<i32>} : memref<256xf32, #tpu.memory_space<vmem>>, vector<16xf32>,
      tpu.vector_store %arg12[%swap3A_1316], %broadcast_in_dim3A_1315 {strides = array<i32>} : memref<256xf32, #tpu.memory_space<vmem>>, vector<16xf32>,
      %broadcast_in_dim3A_1318 = arith.constant 0 : i32
      %broadcast_in_dim3A_1319 = vector.broadcast %broadcast_in_dim3A_1318 : i32 to vector<16xi32>
      %swap3A_1320 = arith.constant 240 : index
      %swap3A_1321 = tpu.vector_load %arg13[%swap3A_1320] {strides = array<i32>} : memref<256xi32, #tpu.memory_space<vmem>>, vector<16xi32>,
      tpu.vector_store %arg13[%swap3A_1320], %broadcast_in_dim3A_1319 {strides = array<i32>} : memref<256xi32, #tpu.memory_space<vmem>>, vector<16xi32>,
      %broadcast_in_dim3A_1322 = arith.constant 0 : i32
      %broadcast_in_dim3A_1323 = vector.broadcast %broadcast_in_dim3A_1322 : i32 to vector<16xi32>
      %while3A = arith.constant 0 : i32
      %while3A_1324 = arith.subi %min3A_1125, %while3A : i32
      %while3A_1325 = arith.addi %while3A, %while3A_1324 : i32
      %while3A_1326 = arith.constant 1 : i32
      %while3A_1327 = arith.divsi %while3A_1324, %while3A_1326 : i32
      %while3A_1328 = arith.muli %while3A_1327, %while3A_1326 : i32
      %while3A_1329 = arith.addi %while3A, %while3A_1328 : i32
      %while3A_1330 = arith.constant 1 : i32
      %while3A_1331 = scf.for %while3A_1376 = %while3A to %while3A_1329 step %while3A_1330 iter_args(%while3A_1377 = %broadcast_in_dim3A_1323) -> (vector<16xi32>)  : i32 {
        %get3A_1378 = arith.index_cast %while3A_1376 : i32 to index
        %get3A_1379 = tpu.vector_load %arg9[%get3A_1378] {strides = array<i32>} : memref<144xi32, #tpu.memory_space<vmem>>, vector<16xi32>,
        %slice3A_1380 = vector.extract_strided_slice %get3A_1379 {offsets = [0], sizes = [1], strides = [1]} : vector<16xi32> to vector<1xi32>
        %squeeze3A_1381 = vector.extract %slice3A_1380[0] : i32 from vector<1xi32>
        %mul3A_1382 = arith.constant 128 : i32
        %mul3A_1383 = arith.muli %squeeze3A_1381, %mul3A_1382 : i32
        %broadcast_in_dim3A_1384 = vector.broadcast %mul3A_1383 : i32 to vector<16xi32>
        %get3A_1385 = arith.index_cast %while3A_1376 : i32 to index
        %get3A_1386 = arith.constant 0 : index
        %get3A_1387 = tpu.vector_load %arg11[%get3A_1385, %get3A_1386] {strides = array<i32>} : memref<128x128xf32, #tpu.memory_space<vmem>>, vector<16xf32>,
        %ge3A_1388 = arith.cmpf oge, %get3A_1387, %get3A_12 : vector<16xf32>
        %broadcast_in_dim3A_1389 = arith.constant 1 : i32
        %broadcast_in_dim3A_1390 = vector.broadcast %broadcast_in_dim3A_1389 : i32 to vector<16xi32>
        %masked_cumsum3A_1391 = tpu.scan <sum>, %broadcast_in_dim3A_1390 masked %ge3A_1388 : vector<16xi32>, vector<16xi1> -> vector<16xi32>
        %add3A_1392 = arith.addi %while3A_1377, %masked_cumsum3A_1391 : vector<16xi32>
        %broadcast_in_dim3A_1393 = arith.constant 1 : i32
        %broadcast_in_dim3A_1394 = vector.broadcast %broadcast_in_dim3A_1393 : i32 to vector<16xi32>
        %sub3A_1395 = arith.subi %add3A_1392, %broadcast_in_dim3A_1394 : vector<16xi32>
        %broadcast_in_dim3A_1396 = arith.constant 0 : i32
        %broadcast_in_dim3A_1397 = vector.broadcast %broadcast_in_dim3A_1396 : i32 to vector<16xi32>
        %max3A_1398 = arith.maxsi %sub3A_1395, %broadcast_in_dim3A_1397 : vector<16xi32>
        %broadcast_in_dim3A_1399 = arith.constant 255 : i32
        %broadcast_in_dim3A_1400 = vector.broadcast %broadcast_in_dim3A_1399 : i32 to vector<16xi32>
        %min3A_1401 = arith.minsi %max3A_1398, %broadcast_in_dim3A_1400 : vector<16xi32>
        %broadcast_in_dim3A_1402 = arith.constant 0 : i32
        %broadcast_in_dim3A_1403 = vector.broadcast %broadcast_in_dim3A_1402 : i32 to vector<16xi32>
        %add3A_1404 = arith.addi %broadcast_in_dim3A_1384, %broadcast_in_dim3A_1403 : vector<16xi32>
        %iota3A_1405 = tpu.iota {dimensions = array<i32: 0>} : vector<16xi32>
        %add3A_1406 = arith.addi %add3A_1404, %iota3A_1405 : vector<16xi32>
        tpu.vector_store_idx %arg12[%min3A_1401], %get3A_1387 masked %ge3A_1388 : memref<256xf32, #tpu.memory_space<vmem>>[vector<16xi32>], vector<16xf32>, vector<16xi1>
        tpu.vector_store_idx %arg13[%min3A_1401], %add3A_1406 masked %ge3A_1388 : memref<256xi32, #tpu.memory_space<vmem>>[vector<16xi32>], vector<16xi32>, vector<16xi1>
        %all_reduce_population_count3A_1407 = tpu.all_reduce %ge3A_1388 {dim = 0 : i64, kind = #tpu.reduction_kind<sum>} : vector<16xi1> -> vector<16xi32>
        %add3A_1408 = arith.addi %while3A_1377, %all_reduce_population_count3A_1407 : vector<16xi32>
        %get3A_1409 = arith.index_cast %while3A_1376 : i32 to index
        %get3A_1410 = arith.constant 16 : index
        %get3A_1411 = tpu.vector_load %arg11[%get3A_1409, %get3A_1410] {strides = array<i32>} : memref<128x128xf32, #tpu.memory_space<vmem>>, vector<16xf32>,
        %ge3A_1412 = arith.cmpf oge, %get3A_1411, %get3A_12 : vector<16xf32>
        %broadcast_in_dim3A_1413 = arith.constant 1 : i32
        %broadcast_in_dim3A_1414 = vector.broadcast %broadcast_in_dim3A_1413 : i32 to vector<16xi32>
        %masked_cumsum3A_1415 = tpu.scan <sum>, %broadcast_in_dim3A_1414 masked %ge3A_1412 : vector<16xi32>, vector<16xi1> -> vector<16xi32>
        %add3A_1416 = arith.addi %add3A_1408, %masked_cumsum3A_1415 : vector<16xi32>
        %broadcast_in_dim3A_1417 = arith.constant 1 : i32
        %broadcast_in_dim3A_1418 = vector.broadcast %broadcast_in_dim3A_1417 : i32 to vector<16xi32>
        %sub3A_1419 = arith.subi %add3A_1416, %broadcast_in_dim3A_1418 : vector<16xi32>
        %broadcast_in_dim3A_1420 = arith.constant 0 : i32
        %broadcast_in_dim3A_1421 = vector.broadcast %broadcast_in_dim3A_1420 : i32 to vector<16xi32>
        %max3A_1422 = arith.maxsi %sub3A_1419, %broadcast_in_dim3A_1421 : vector<16xi32>
        %broadcast_in_dim3A_1423 = arith.constant 255 : i32
        %broadcast_in_dim3A_1424 = vector.broadcast %broadcast_in_dim3A_1423 : i32 to vector<16xi32>
        %min3A_1425 = arith.minsi %max3A_1422, %broadcast_in_dim3A_1424 : vector<16xi32>
        %broadcast_in_dim3A_1426 = arith.constant 16 : i32
        %broadcast_in_dim3A_1427 = vector.broadcast %broadcast_in_dim3A_1426 : i32 to vector<16xi32>
        %add3A_1428 = arith.addi %broadcast_in_dim3A_1384, %broadcast_in_dim3A_1427 : vector<16xi32>
        %iota3A_1429 = tpu.iota {dimensions = array<i32: 0>} : vector<16xi32>
        %add3A_1430 = arith.addi %add3A_1428, %iota3A_1429 : vector<16xi32>
        tpu.vector_store_idx %arg12[%min3A_1425], %get3A_1411 masked %ge3A_1412 : memref<256xf32, #tpu.memory_space<vmem>>[vector<16xi32>], vector<16xf32>, vector<16xi1>
        tpu.vector_store_idx %arg13[%min3A_1425], %add3A_1430 masked %ge3A_1412 : memref<256xi32, #tpu.memory_space<vmem>>[vector<16xi32>], vector<16xi32>, vector<16xi1>
        %all_reduce_population_count3A_1431 = tpu.all_reduce %ge3A_1412 {dim = 0 : i64, kind = #tpu.reduction_kind<sum>} : vector<16xi1> -> vector<16xi32>
        %add3A_1432 = arith.addi %add3A_1408, %all_reduce_population_count3A_1431 : vector<16xi32>
        %get3A_1433 = arith.index_cast %while3A_1376 : i32 to index
        %get3A_1434 = arith.constant 32 : index
        %get3A_1435 = tpu.vector_load %arg11[%get3A_1433, %get3A_1434] {strides = array<i32>} : memref<128x128xf32, #tpu.memory_space<vmem>>, vector<16xf32>,
        %ge3A_1436 = arith.cmpf oge, %get3A_1435, %get3A_12 : vector<16xf32>
        %broadcast_in_dim3A_1437 = arith.constant 1 : i32
        %broadcast_in_dim3A_1438 = vector.broadcast %broadcast_in_dim3A_1437 : i32 to vector<16xi32>
        %masked_cumsum3A_1439 = tpu.scan <sum>, %broadcast_in_dim3A_1438 masked %ge3A_1436 : vector<16xi32>, vector<16xi1> -> vector<16xi32>
        %add3A_1440 = arith.addi %add3A_1432, %masked_cumsum3A_1439 : vector<16xi32>
        %broadcast_in_dim3A_1441 = arith.constant 1 : i32
        %broadcast_in_dim3A_1442 = vector.broadcast %broadcast_in_dim3A_1441 : i32 to vector<16xi32>
        %sub3A_1443 = arith.subi %add3A_1440, %broadcast_in_dim3A_1442 : vector<16xi32>
        %broadcast_in_dim3A_1444 = arith.constant 0 : i32
        %broadcast_in_dim3A_1445 = vector.broadcast %broadcast_in_dim3A_1444 : i32 to vector<16xi32>
        %max3A_1446 = arith.maxsi %sub3A_1443, %broadcast_in_dim3A_1445 : vector<16xi32>
        %broadcast_in_dim3A_1447 = arith.constant 255 : i32
        %broadcast_in_dim3A_1448 = vector.broadcast %broadcast_in_dim3A_1447 : i32 to vector<16xi32>
        %min3A_1449 = arith.minsi %max3A_1446, %broadcast_in_dim3A_1448 : vector<16xi32>
        %broadcast_in_dim3A_1450 = arith.constant 32 : i32
        %broadcast_in_dim3A_1451 = vector.broadcast %broadcast_in_dim3A_1450 : i32 to vector<16xi32>
        %add3A_1452 = arith.addi %broadcast_in_dim3A_1384, %broadcast_in_dim3A_1451 : vector<16xi32>
        %iota3A_1453 = tpu.iota {dimensions = array<i32: 0>} : vector<16xi32>
        %add3A_1454 = arith.addi %add3A_1452, %iota3A_1453 : vector<16xi32>
        tpu.vector_store_idx %arg12[%min3A_1449], %get3A_1435 masked %ge3A_1436 : memref<256xf32, #tpu.memory_space<vmem>>[vector<16xi32>], vector<16xf32>, vector<16xi1>
        tpu.vector_store_idx %arg13[%min3A_1449], %add3A_1454 masked %ge3A_1436 : memref<256xi32, #tpu.memory_space<vmem>>[vector<16xi32>], vector<16xi32>, vector<16xi1>
        %all_reduce_population_count3A_1455 = tpu.all_reduce %ge3A_1436 {dim = 0 : i64, kind = #tpu.reduction_kind<sum>} : vector<16xi1> -> vector<16xi32>
        %add3A_1456 = arith.addi %add3A_1432, %all_reduce_population_count3A_1455 : vector<16xi32>
        %get3A_1457 = arith.index_cast %while3A_1376 : i32 to index
        %get3A_1458 = arith.constant 48 : index
        %get3A_1459 = tpu.vector_load %arg11[%get3A_1457, %get3A_1458] {strides = array<i32>} : memref<128x128xf32, #tpu.memory_space<vmem>>, vector<16xf32>,
        %ge3A_1460 = arith.cmpf oge, %get3A_1459, %get3A_12 : vector<16xf32>
        %broadcast_in_dim3A_1461 = arith.constant 1 : i32
        %broadcast_in_dim3A_1462 = vector.broadcast %broadcast_in_dim3A_1461 : i32 to vector<16xi32>
        %masked_cumsum3A_1463 = tpu.scan <sum>, %broadcast_in_dim3A_1462 masked %ge3A_1460 : vector<16xi32>, vector<16xi1> -> vector<16xi32>
        %add3A_1464 = arith.addi %add3A_1456, %masked_cumsum3A_1463 : vector<16xi32>
        %broadcast_in_dim3A_1465 = arith.constant 1 : i32
        %broadcast_in_dim3A_1466 = vector.broadcast %broadcast_in_dim3A_1465 : i32 to vector<16xi32>
        %sub3A_1467 = arith.subi %add3A_1464, %broadcast_in_dim3A_1466 : vector<16xi32>
        %broadcast_in_dim3A_1468 = arith.constant 0 : i32
        %broadcast_in_dim3A_1469 = vector.broadcast %broadcast_in_dim3A_1468 : i32 to vector<16xi32>
        %max3A_1470 = arith.maxsi %sub3A_1467, %broadcast_in_dim3A_1469 : vector<16xi32>
        %broadcast_in_dim3A_1471 = arith.constant 255 : i32
        %broadcast_in_dim3A_1472 = vector.broadcast %broadcast_in_dim3A_1471 : i32 to vector<16xi32>
        %min3A_1473 = arith.minsi %max3A_1470, %broadcast_in_dim3A_1472 : vector<16xi32>
        %broadcast_in_dim3A_1474 = arith.constant 48 : i32
        %broadcast_in_dim3A_1475 = vector.broadcast %broadcast_in_dim3A_1474 : i32 to vector<16xi32>
        %add3A_1476 = arith.addi %broadcast_in_dim3A_1384, %broadcast_in_dim3A_1475 : vector<16xi32>
        %iota3A_1477 = tpu.iota {dimensions = array<i32: 0>} : vector<16xi32>
        %add3A_1478 = arith.addi %add3A_1476, %iota3A_1477 : vector<16xi32>
        tpu.vector_store_idx %arg12[%min3A_1473], %get3A_1459 masked %ge3A_1460 : memref<256xf32, #tpu.memory_space<vmem>>[vector<16xi32>], vector<16xf32>, vector<16xi1>
        tpu.vector_store_idx %arg13[%min3A_1473], %add3A_1478 masked %ge3A_1460 : memref<256xi32, #tpu.memory_space<vmem>>[vector<16xi32>], vector<16xi32>, vector<16xi1>
        %all_reduce_population_count3A_1479 = tpu.all_reduce %ge3A_1460 {dim = 0 : i64, kind = #tpu.reduction_kind<sum>} : vector<16xi1> -> vector<16xi32>
        %add3A_1480 = arith.addi %add3A_1456, %all_reduce_population_count3A_1479 : vector<16xi32>
        %get3A_1481 = arith.index_cast %while3A_1376 : i32 to index
        %get3A_1482 = arith.constant 64 : index
        %get3A_1483 = tpu.vector_load %arg11[%get3A_1481, %get3A_1482] {strides = array<i32>} : memref<128x128xf32, #tpu.memory_space<vmem>>, vector<16xf32>,
        %ge3A_1484 = arith.cmpf oge, %get3A_1483, %get3A_12 : vector<16xf32>
        %broadcast_in_dim3A_1485 = arith.constant 1 : i32
        %broadcast_in_dim3A_1486 = vector.broadcast %broadcast_in_dim3A_1485 : i32 to vector<16xi32>
        %masked_cumsum3A_1487 = tpu.scan <sum>, %broadcast_in_dim3A_1486 masked %ge3A_1484 : vector<16xi32>, vector<16xi1> -> vector<16xi32>
        %add3A_1488 = arith.addi %add3A_1480, %masked_cumsum3A_1487 : vector<16xi32>
        %broadcast_in_dim3A_1489 = arith.constant 1 : i32
        %broadcast_in_dim3A_1490 = vector.broadcast %broadcast_in_dim3A_1489 : i32 to vector<16xi32>
        %sub3A_1491 = arith.subi %add3A_1488, %broadcast_in_dim3A_1490 : vector<16xi32>
        %broadcast_in_dim3A_1492 = arith.constant 0 : i32
        %broadcast_in_dim3A_1493 = vector.broadcast %broadcast_in_dim3A_1492 : i32 to vector<16xi32>
        %max3A_1494 = arith.maxsi %sub3A_1491, %broadcast_in_dim3A_1493 : vector<16xi32>
        %broadcast_in_dim3A_1495 = arith.constant 255 : i32
        %broadcast_in_dim3A_1496 = vector.broadcast %broadcast_in_dim3A_1495 : i32 to vector<16xi32>
        %min3A_1497 = arith.minsi %max3A_1494, %broadcast_in_dim3A_1496 : vector<16xi32>
        %broadcast_in_dim3A_1498 = arith.constant 64 : i32
        %broadcast_in_dim3A_1499 = vector.broadcast %broadcast_in_dim3A_1498 : i32 to vector<16xi32>
        %add3A_1500 = arith.addi %broadcast_in_dim3A_1384, %broadcast_in_dim3A_1499 : vector<16xi32>
        %iota3A_1501 = tpu.iota {dimensions = array<i32: 0>} : vector<16xi32>
        %add3A_1502 = arith.addi %add3A_1500, %iota3A_1501 : vector<16xi32>
        tpu.vector_store_idx %arg12[%min3A_1497], %get3A_1483 masked %ge3A_1484 : memref<256xf32, #tpu.memory_space<vmem>>[vector<16xi32>], vector<16xf32>, vector<16xi1>
        tpu.vector_store_idx %arg13[%min3A_1497], %add3A_1502 masked %ge3A_1484 : memref<256xi32, #tpu.memory_space<vmem>>[vector<16xi32>], vector<16xi32>, vector<16xi1>
        %all_reduce_population_count3A_1503 = tpu.all_reduce %ge3A_1484 {dim = 0 : i64, kind = #tpu.reduction_kind<sum>} : vector<16xi1> -> vector<16xi32>
        %add3A_1504 = arith.addi %add3A_1480, %all_reduce_population_count3A_1503 : vector<16xi32>
        %get3A_1505 = arith.index_cast %while3A_1376 : i32 to index
        %get3A_1506 = arith.constant 80 : index
        %get3A_1507 = tpu.vector_load %arg11[%get3A_1505, %get3A_1506] {strides = array<i32>} : memref<128x128xf32, #tpu.memory_space<vmem>>, vector<16xf32>,
        %ge3A_1508 = arith.cmpf oge, %get3A_1507, %get3A_12 : vector<16xf32>
        %broadcast_in_dim3A_1509 = arith.constant 1 : i32
        %broadcast_in_dim3A_1510 = vector.broadcast %broadcast_in_dim3A_1509 : i32 to vector<16xi32>
        %masked_cumsum3A_1511 = tpu.scan <sum>, %broadcast_in_dim3A_1510 masked %ge3A_1508 : vector<16xi32>, vector<16xi1> -> vector<16xi32>
        %add3A_1512 = arith.addi %add3A_1504, %masked_cumsum3A_1511 : vector<16xi32>
        %broadcast_in_dim3A_1513 = arith.constant 1 : i32
        %broadcast_in_dim3A_1514 = vector.broadcast %broadcast_in_dim3A_1513 : i32 to vector<16xi32>
        %sub3A_1515 = arith.subi %add3A_1512, %broadcast_in_dim3A_1514 : vector<16xi32>
        %broadcast_in_dim3A_1516 = arith.constant 0 : i32
        %broadcast_in_dim3A_1517 = vector.broadcast %broadcast_in_dim3A_1516 : i32 to vector<16xi32>
        %max3A_1518 = arith.maxsi %sub3A_1515, %broadcast_in_dim3A_1517 : vector<16xi32>
        %broadcast_in_dim3A_1519 = arith.constant 255 : i32
        %broadcast_in_dim3A_1520 = vector.broadcast %broadcast_in_dim3A_1519 : i32 to vector<16xi32>
        %min3A_1521 = arith.minsi %max3A_1518, %broadcast_in_dim3A_1520 : vector<16xi32>
        %broadcast_in_dim3A_1522 = arith.constant 80 : i32
        %broadcast_in_dim3A_1523 = vector.broadcast %broadcast_in_dim3A_1522 : i32 to vector<16xi32>
        %add3A_1524 = arith.addi %broadcast_in_dim3A_1384, %broadcast_in_dim3A_1523 : vector<16xi32>
        %iota3A_1525 = tpu.iota {dimensions = array<i32: 0>} : vector<16xi32>
        %add3A_1526 = arith.addi %add3A_1524, %iota3A_1525 : vector<16xi32>
        tpu.vector_store_idx %arg12[%min3A_1521], %get3A_1507 masked %ge3A_1508 : memref<256xf32, #tpu.memory_space<vmem>>[vector<16xi32>], vector<16xf32>, vector<16xi1>
        tpu.vector_store_idx %arg13[%min3A_1521], %add3A_1526 masked %ge3A_1508 : memref<256xi32, #tpu.memory_space<vmem>>[vector<16xi32>], vector<16xi32>, vector<16xi1>
        %all_reduce_population_count3A_1527 = tpu.all_reduce %ge3A_1508 {dim = 0 : i64, kind = #tpu.reduction_kind<sum>} : vector<16xi1> -> vector<16xi32>
        %add3A_1528 = arith.addi %add3A_1504, %all_reduce_population_count3A_1527 : vector<16xi32>
        %get3A_1529 = arith.index_cast %while3A_1376 : i32 to index
        %get3A_1530 = arith.constant 96 : index
        %get3A_1531 = tpu.vector_load %arg11[%get3A_1529, %get3A_1530] {strides = array<i32>} : memref<128x128xf32, #tpu.memory_space<vmem>>, vector<16xf32>,
        %ge3A_1532 = arith.cmpf oge, %get3A_1531, %get3A_12 : vector<16xf32>
        %broadcast_in_dim3A_1533 = arith.constant 1 : i32
        %broadcast_in_dim3A_1534 = vector.broadcast %broadcast_in_dim3A_1533 : i32 to vector<16xi32>
        %masked_cumsum3A_1535 = tpu.scan <sum>, %broadcast_in_dim3A_1534 masked %ge3A_1532 : vector<16xi32>, vector<16xi1> -> vector<16xi32>
        %add3A_1536 = arith.addi %add3A_1528, %masked_cumsum3A_1535 : vector<16xi32>
        %broadcast_in_dim3A_1537 = arith.constant 1 : i32
        %broadcast_in_dim3A_1538 = vector.broadcast %broadcast_in_dim3A_1537 : i32 to vector<16xi32>
        %sub3A_1539 = arith.subi %add3A_1536, %broadcast_in_dim3A_1538 : vector<16xi32>
        %broadcast_in_dim3A_1540 = arith.constant 0 : i32
        %broadcast_in_dim3A_1541 = vector.broadcast %broadcast_in_dim3A_1540 : i32 to vector<16xi32>
        %max3A_1542 = arith.maxsi %sub3A_1539, %broadcast_in_dim3A_1541 : vector<16xi32>
        %broadcast_in_dim3A_1543 = arith.constant 255 : i32
        %broadcast_in_dim3A_1544 = vector.broadcast %broadcast_in_dim3A_1543 : i32 to vector<16xi32>
        %min3A_1545 = arith.minsi %max3A_1542, %broadcast_in_dim3A_1544 : vector<16xi32>
        %broadcast_in_dim3A_1546 = arith.constant 96 : i32
        %broadcast_in_dim3A_1547 = vector.broadcast %broadcast_in_dim3A_1546 : i32 to vector<16xi32>
        %add3A_1548 = arith.addi %broadcast_in_dim3A_1384, %broadcast_in_dim3A_1547 : vector<16xi32>
        %iota3A_1549 = tpu.iota {dimensions = array<i32: 0>} : vector<16xi32>
        %add3A_1550 = arith.addi %add3A_1548, %iota3A_1549 : vector<16xi32>
        tpu.vector_store_idx %arg12[%min3A_1545], %get3A_1531 masked %ge3A_1532 : memref<256xf32, #tpu.memory_space<vmem>>[vector<16xi32>], vector<16xf32>, vector<16xi1>
        tpu.vector_store_idx %arg13[%min3A_1545], %add3A_1550 masked %ge3A_1532 : memref<256xi32, #tpu.memory_space<vmem>>[vector<16xi32>], vector<16xi32>, vector<16xi1>
        %all_reduce_population_count3A_1551 = tpu.all_reduce %ge3A_1532 {dim = 0 : i64, kind = #tpu.reduction_kind<sum>} : vector<16xi1> -> vector<16xi32>
        %add3A_1552 = arith.addi %add3A_1528, %all_reduce_population_count3A_1551 : vector<16xi32>
        %get3A_1553 = arith.index_cast %while3A_1376 : i32 to index
        %get3A_1554 = arith.constant 112 : index
        %get3A_1555 = tpu.vector_load %arg11[%get3A_1553, %get3A_1554] {strides = array<i32>} : memref<128x128xf32, #tpu.memory_space<vmem>>, vector<16xf32>,
        %ge3A_1556 = arith.cmpf oge, %get3A_1555, %get3A_12 : vector<16xf32>
        %broadcast_in_dim3A_1557 = arith.constant 1 : i32
        %broadcast_in_dim3A_1558 = vector.broadcast %broadcast_in_dim3A_1557 : i32 to vector<16xi32>
        %masked_cumsum3A_1559 = tpu.scan <sum>, %broadcast_in_dim3A_1558 masked %ge3A_1556 : vector<16xi32>, vector<16xi1> -> vector<16xi32>
        %add3A_1560 = arith.addi %add3A_1552, %masked_cumsum3A_1559 : vector<16xi32>
        %broadcast_in_dim3A_1561 = arith.constant 1 : i32
        %broadcast_in_dim3A_1562 = vector.broadcast %broadcast_in_dim3A_1561 : i32 to vector<16xi32>
        %sub3A_1563 = arith.subi %add3A_1560, %broadcast_in_dim3A_1562 : vector<16xi32>
        %broadcast_in_dim3A_1564 = arith.constant 0 : i32
        %broadcast_in_dim3A_1565 = vector.broadcast %broadcast_in_dim3A_1564 : i32 to vector<16xi32>
        %max3A_1566 = arith.maxsi %sub3A_1563, %broadcast_in_dim3A_1565 : vector<16xi32>
        %broadcast_in_dim3A_1567 = arith.constant 255 : i32
        %broadcast_in_dim3A_1568 = vector.broadcast %broadcast_in_dim3A_1567 : i32 to vector<16xi32>
        %min3A_1569 = arith.minsi %max3A_1566, %broadcast_in_dim3A_1568 : vector<16xi32>
        %broadcast_in_dim3A_1570 = arith.constant 112 : i32
        %broadcast_in_dim3A_1571 = vector.broadcast %broadcast_in_dim3A_1570 : i32 to vector<16xi32>
        %add3A_1572 = arith.addi %broadcast_in_dim3A_1384, %broadcast_in_dim3A_1571 : vector<16xi32>
        %iota3A_1573 = tpu.iota {dimensions = array<i32: 0>} : vector<16xi32>
        %add3A_1574 = arith.addi %add3A_1572, %iota3A_1573 : vector<16xi32>
        tpu.vector_store_idx %arg12[%min3A_1569], %get3A_1555 masked %ge3A_1556 : memref<256xf32, #tpu.memory_space<vmem>>[vector<16xi32>], vector<16xf32>, vector<16xi1>
        tpu.vector_store_idx %arg13[%min3A_1569], %add3A_1574 masked %ge3A_1556 : memref<256xi32, #tpu.memory_space<vmem>>[vector<16xi32>], vector<16xi32>, vector<16xi1>
        %all_reduce_population_count3A_1575 = tpu.all_reduce %ge3A_1556 {dim = 0 : i64, kind = #tpu.reduction_kind<sum>} : vector<16xi1> -> vector<16xi32>
        %add3A_1576 = arith.addi %add3A_1552, %all_reduce_population_count3A_1575 : vector<16xi32>
        scf.yield %add3A_1576 : vector<16xi32>
      }
      %while3A_1332 = arith.constant 1 : i32
      %while3A_1333 = scf.for %while3A_1376 = %while3A_1329 to %while3A_1325 step %while3A_1332 iter_args(%while3A_1377 = %while3A_1331) -> (vector<16xi32>)  : i32 {
        %get3A_1378 = arith.index_cast %while3A_1376 : i32 to index
        %get3A_1379 = tpu.vector_load %arg9[%get3A_1378] {strides = array<i32>} : memref<144xi32, #tpu.memory_space<vmem>>, vector<16xi32>,
        %slice3A_1380 = vector.extract_strided_slice %get3A_1379 {offsets = [0], sizes = [1], strides = [1]} : vector<16xi32> to vector<1xi32>
        %squeeze3A_1381 = vector.extract %slice3A_1380[0] : i32 from vector<1xi32>
        %mul3A_1382 = arith.constant 128 : i32
        %mul3A_1383 = arith.muli %squeeze3A_1381, %mul3A_1382 : i32
        %broadcast_in_dim3A_1384 = vector.broadcast %mul3A_1383 : i32 to vector<16xi32>
        %get3A_1385 = arith.index_cast %while3A_1376 : i32 to index
        %get3A_1386 = arith.constant 0 : index
        %get3A_1387 = tpu.vector_load %arg11[%get3A_1385, %get3A_1386] {strides = array<i32>} : memref<128x128xf32, #tpu.memory_space<vmem>>, vector<16xf32>,
        %ge3A_1388 = arith.cmpf oge, %get3A_1387, %get3A_12 : vector<16xf32>
        %broadcast_in_dim3A_1389 = arith.constant 1 : i32
        %broadcast_in_dim3A_1390 = vector.broadcast %broadcast_in_dim3A_1389 : i32 to vector<16xi32>
        %masked_cumsum3A_1391 = tpu.scan <sum>, %broadcast_in_dim3A_1390 masked %ge3A_1388 : vector<16xi32>, vector<16xi1> -> vector<16xi32>
        %add3A_1392 = arith.addi %while3A_1377, %masked_cumsum3A_1391 : vector<16xi32>
        %broadcast_in_dim3A_1393 = arith.constant 1 : i32
        %broadcast_in_dim3A_1394 = vector.broadcast %broadcast_in_dim3A_1393 : i32 to vector<16xi32>
        %sub3A_1395 = arith.subi %add3A_1392, %broadcast_in_dim3A_1394 : vector<16xi32>
        %broadcast_in_dim3A_1396 = arith.constant 0 : i32
        %broadcast_in_dim3A_1397 = vector.broadcast %broadcast_in_dim3A_1396 : i32 to vector<16xi32>
        %max3A_1398 = arith.maxsi %sub3A_1395, %broadcast_in_dim3A_1397 : vector<16xi32>
        %broadcast_in_dim3A_1399 = arith.constant 255 : i32
        %broadcast_in_dim3A_1400 = vector.broadcast %broadcast_in_dim3A_1399 : i32 to vector<16xi32>
        %min3A_1401 = arith.minsi %max3A_1398, %broadcast_in_dim3A_1400 : vector<16xi32>
        %broadcast_in_dim3A_1402 = arith.constant 0 : i32
        %broadcast_in_dim3A_1403 = vector.broadcast %broadcast_in_dim3A_1402 : i32 to vector<16xi32>
        %add3A_1404 = arith.addi %broadcast_in_dim3A_1384, %broadcast_in_dim3A_1403 : vector<16xi32>
        %iota3A_1405 = tpu.iota {dimensions = array<i32: 0>} : vector<16xi32>
        %add3A_1406 = arith.addi %add3A_1404, %iota3A_1405 : vector<16xi32>
        tpu.vector_store_idx %arg12[%min3A_1401], %get3A_1387 masked %ge3A_1388 : memref<256xf32, #tpu.memory_space<vmem>>[vector<16xi32>], vector<16xf32>, vector<16xi1>
        tpu.vector_store_idx %arg13[%min3A_1401], %add3A_1406 masked %ge3A_1388 : memref<256xi32, #tpu.memory_space<vmem>>[vector<16xi32>], vector<16xi32>, vector<16xi1>
        %all_reduce_population_count3A_1407 = tpu.all_reduce %ge3A_1388 {dim = 0 : i64, kind = #tpu.reduction_kind<sum>} : vector<16xi1> -> vector<16xi32>
        %add3A_1408 = arith.addi %while3A_1377, %all_reduce_population_count3A_1407 : vector<16xi32>
        %get3A_1409 = arith.index_cast %while3A_1376 : i32 to index
        %get3A_1410 = arith.constant 16 : index
        %get3A_1411 = tpu.vector_load %arg11[%get3A_1409, %get3A_1410] {strides = array<i32>} : memref<128x128xf32, #tpu.memory_space<vmem>>, vector<16xf32>,
        %ge3A_1412 = arith.cmpf oge, %get3A_1411, %get3A_12 : vector<16xf32>
        %broadcast_in_dim3A_1413 = arith.constant 1 : i32
        %broadcast_in_dim3A_1414 = vector.broadcast %broadcast_in_dim3A_1413 : i32 to vector<16xi32>
        %masked_cumsum3A_1415 = tpu.scan <sum>, %broadcast_in_dim3A_1414 masked %ge3A_1412 : vector<16xi32>, vector<16xi1> -> vector<16xi32>
        %add3A_1416 = arith.addi %add3A_1408, %masked_cumsum3A_1415 : vector<16xi32>
        %broadcast_in_dim3A_1417 = arith.constant 1 : i32
        %broadcast_in_dim3A_1418 = vector.broadcast %broadcast_in_dim3A_1417 : i32 to vector<16xi32>
        %sub3A_1419 = arith.subi %add3A_1416, %broadcast_in_dim3A_1418 : vector<16xi32>
        %broadcast_in_dim3A_1420 = arith.constant 0 : i32
        %broadcast_in_dim3A_1421 = vector.broadcast %broadcast_in_dim3A_1420 : i32 to vector<16xi32>
        %max3A_1422 = arith.maxsi %sub3A_1419, %broadcast_in_dim3A_1421 : vector<16xi32>
        %broadcast_in_dim3A_1423 = arith.constant 255 : i32
        %broadcast_in_dim3A_1424 = vector.broadcast %broadcast_in_dim3A_1423 : i32 to vector<16xi32>
        %min3A_1425 = arith.minsi %max3A_1422, %broadcast_in_dim3A_1424 : vector<16xi32>
        %broadcast_in_dim3A_1426 = arith.constant 16 : i32
        %broadcast_in_dim3A_1427 = vector.broadcast %broadcast_in_dim3A_1426 : i32 to vector<16xi32>
        %add3A_1428 = arith.addi %broadcast_in_dim3A_1384, %broadcast_in_dim3A_1427 : vector<16xi32>
        %iota3A_1429 = tpu.iota {dimensions = array<i32: 0>} : vector<16xi32>
        %add3A_1430 = arith.addi %add3A_1428, %iota3A_1429 : vector<16xi32>
        tpu.vector_store_idx %arg12[%min3A_1425], %get3A_1411 masked %ge3A_1412 : memref<256xf32, #tpu.memory_space<vmem>>[vector<16xi32>], vector<16xf32>, vector<16xi1>
        tpu.vector_store_idx %arg13[%min3A_1425], %add3A_1430 masked %ge3A_1412 : memref<256xi32, #tpu.memory_space<vmem>>[vector<16xi32>], vector<16xi32>, vector<16xi1>
        %all_reduce_population_count3A_1431 = tpu.all_reduce %ge3A_1412 {dim = 0 : i64, kind = #tpu.reduction_kind<sum>} : vector<16xi1> -> vector<16xi32>
        %add3A_1432 = arith.addi %add3A_1408, %all_reduce_population_count3A_1431 : vector<16xi32>
        %get3A_1433 = arith.index_cast %while3A_1376 : i32 to index
        %get3A_1434 = arith.constant 32 : index
        %get3A_1435 = tpu.vector_load %arg11[%get3A_1433, %get3A_1434] {strides = array<i32>} : memref<128x128xf32, #tpu.memory_space<vmem>>, vector<16xf32>,
        %ge3A_1436 = arith.cmpf oge, %get3A_1435, %get3A_12 : vector<16xf32>
        %broadcast_in_dim3A_1437 = arith.constant 1 : i32
        %broadcast_in_dim3A_1438 = vector.broadcast %broadcast_in_dim3A_1437 : i32 to vector<16xi32>
        %masked_cumsum3A_1439 = tpu.scan <sum>, %broadcast_in_dim3A_1438 masked %ge3A_1436 : vector<16xi32>, vector<16xi1> -> vector<16xi32>
        %add3A_1440 = arith.addi %add3A_1432, %masked_cumsum3A_1439 : vector<16xi32>
        %broadcast_in_dim3A_1441 = arith.constant 1 : i32
        %broadcast_in_dim3A_1442 = vector.broadcast %broadcast_in_dim3A_1441 : i32 to vector<16xi32>
        %sub3A_1443 = arith.subi %add3A_1440, %broadcast_in_dim3A_1442 : vector<16xi32>
        %broadcast_in_dim3A_1444 = arith.constant 0 : i32
        %broadcast_in_dim3A_1445 = vector.broadcast %broadcast_in_dim3A_1444 : i32 to vector<16xi32>
        %max3A_1446 = arith.maxsi %sub3A_1443, %broadcast_in_dim3A_1445 : vector<16xi32>
        %broadcast_in_dim3A_1447 = arith.constant 255 : i32
        %broadcast_in_dim3A_1448 = vector.broadcast %broadcast_in_dim3A_1447 : i32 to vector<16xi32>
        %min3A_1449 = arith.minsi %max3A_1446, %broadcast_in_dim3A_1448 : vector<16xi32>
        %broadcast_in_dim3A_1450 = arith.constant 32 : i32
        %broadcast_in_dim3A_1451 = vector.broadcast %broadcast_in_dim3A_1450 : i32 to vector<16xi32>
        %add3A_1452 = arith.addi %broadcast_in_dim3A_1384, %broadcast_in_dim3A_1451 : vector<16xi32>
        %iota3A_1453 = tpu.iota {dimensions = array<i32: 0>} : vector<16xi32>
        %add3A_1454 = arith.addi %add3A_1452, %iota3A_1453 : vector<16xi32>
        tpu.vector_store_idx %arg12[%min3A_1449], %get3A_1435 masked %ge3A_1436 : memref<256xf32, #tpu.memory_space<vmem>>[vector<16xi32>], vector<16xf32>, vector<16xi1>
        tpu.vector_store_idx %arg13[%min3A_1449], %add3A_1454 masked %ge3A_1436 : memref<256xi32, #tpu.memory_space<vmem>>[vector<16xi32>], vector<16xi32>, vector<16xi1>
        %all_reduce_population_count3A_1455 = tpu.all_reduce %ge3A_1436 {dim = 0 : i64, kind = #tpu.reduction_kind<sum>} : vector<16xi1> -> vector<16xi32>
        %add3A_1456 = arith.addi %add3A_1432, %all_reduce_population_count3A_1455 : vector<16xi32>
        %get3A_1457 = arith.index_cast %while3A_1376 : i32 to index
        %get3A_1458 = arith.constant 48 : index
        %get3A_1459 = tpu.vector_load %arg11[%get3A_1457, %get3A_1458] {strides = array<i32>} : memref<128x128xf32, #tpu.memory_space<vmem>>, vector<16xf32>,
        %ge3A_1460 = arith.cmpf oge, %get3A_1459, %get3A_12 : vector<16xf32>
        %broadcast_in_dim3A_1461 = arith.constant 1 : i32
        %broadcast_in_dim3A_1462 = vector.broadcast %broadcast_in_dim3A_1461 : i32 to vector<16xi32>
        %masked_cumsum3A_1463 = tpu.scan <sum>, %broadcast_in_dim3A_1462 masked %ge3A_1460 : vector<16xi32>, vector<16xi1> -> vector<16xi32>
        %add3A_1464 = arith.addi %add3A_1456, %masked_cumsum3A_1463 : vector<16xi32>
        %broadcast_in_dim3A_1465 = arith.constant 1 : i32
        %broadcast_in_dim3A_1466 = vector.broadcast %broadcast_in_dim3A_1465 : i32 to vector<16xi32>
        %sub3A_1467 = arith.subi %add3A_1464, %broadcast_in_dim3A_1466 : vector<16xi32>
        %broadcast_in_dim3A_1468 = arith.constant 0 : i32
        %broadcast_in_dim3A_1469 = vector.broadcast %broadcast_in_dim3A_1468 : i32 to vector<16xi32>
        %max3A_1470 = arith.maxsi %sub3A_1467, %broadcast_in_dim3A_1469 : vector<16xi32>
        %broadcast_in_dim3A_1471 = arith.constant 255 : i32
        %broadcast_in_dim3A_1472 = vector.broadcast %broadcast_in_dim3A_1471 : i32 to vector<16xi32>
        %min3A_1473 = arith.minsi %max3A_1470, %broadcast_in_dim3A_1472 : vector<16xi32>
        %broadcast_in_dim3A_1474 = arith.constant 48 : i32
        %broadcast_in_dim3A_1475 = vector.broadcast %broadcast_in_dim3A_1474 : i32 to vector<16xi32>
        %add3A_1476 = arith.addi %broadcast_in_dim3A_1384, %broadcast_in_dim3A_1475 : vector<16xi32>
        %iota3A_1477 = tpu.iota {dimensions = array<i32: 0>} : vector<16xi32>
        %add3A_1478 = arith.addi %add3A_1476, %iota3A_1477 : vector<16xi32>
        tpu.vector_store_idx %arg12[%min3A_1473], %get3A_1459 masked %ge3A_1460 : memref<256xf32, #tpu.memory_space<vmem>>[vector<16xi32>], vector<16xf32>, vector<16xi1>
        tpu.vector_store_idx %arg13[%min3A_1473], %add3A_1478 masked %ge3A_1460 : memref<256xi32, #tpu.memory_space<vmem>>[vector<16xi32>], vector<16xi32>, vector<16xi1>
        %all_reduce_population_count3A_1479 = tpu.all_reduce %ge3A_1460 {dim = 0 : i64, kind = #tpu.reduction_kind<sum>} : vector<16xi1> -> vector<16xi32>
        %add3A_1480 = arith.addi %add3A_1456, %all_reduce_population_count3A_1479 : vector<16xi32>
        %get3A_1481 = arith.index_cast %while3A_1376 : i32 to index
        %get3A_1482 = arith.constant 64 : index
        %get3A_1483 = tpu.vector_load %arg11[%get3A_1481, %get3A_1482] {strides = array<i32>} : memref<128x128xf32, #tpu.memory_space<vmem>>, vector<16xf32>,
        %ge3A_1484 = arith.cmpf oge, %get3A_1483, %get3A_12 : vector<16xf32>
        %broadcast_in_dim3A_1485 = arith.constant 1 : i32
        %broadcast_in_dim3A_1486 = vector.broadcast %broadcast_in_dim3A_1485 : i32 to vector<16xi32>
        %masked_cumsum3A_1487 = tpu.scan <sum>, %broadcast_in_dim3A_1486 masked %ge3A_1484 : vector<16xi32>, vector<16xi1> -> vector<16xi32>
        %add3A_1488 = arith.addi %add3A_1480, %masked_cumsum3A_1487 : vector<16xi32>
        %broadcast_in_dim3A_1489 = arith.constant 1 : i32
        %broadcast_in_dim3A_1490 = vector.broadcast %broadcast_in_dim3A_1489 : i32 to vector<16xi32>
        %sub3A_1491 = arith.subi %add3A_1488, %broadcast_in_dim3A_1490 : vector<16xi32>
        %broadcast_in_dim3A_1492 = arith.constant 0 : i32
        %broadcast_in_dim3A_1493 = vector.broadcast %broadcast_in_dim3A_1492 : i32 to vector<16xi32>
        %max3A_1494 = arith.maxsi %sub3A_1491, %broadcast_in_dim3A_1493 : vector<16xi32>
        %broadcast_in_dim3A_1495 = arith.constant 255 : i32
        %broadcast_in_dim3A_1496 = vector.broadcast %broadcast_in_dim3A_1495 : i32 to vector<16xi32>
        %min3A_1497 = arith.minsi %max3A_1494, %broadcast_in_dim3A_1496 : vector<16xi32>
        %broadcast_in_dim3A_1498 = arith.constant 64 : i32
        %broadcast_in_dim3A_1499 = vector.broadcast %broadcast_in_dim3A_1498 : i32 to vector<16xi32>
        %add3A_1500 = arith.addi %broadcast_in_dim3A_1384, %broadcast_in_dim3A_1499 : vector<16xi32>
        %iota3A_1501 = tpu.iota {dimensions = array<i32: 0>} : vector<16xi32>
        %add3A_1502 = arith.addi %add3A_1500, %iota3A_1501 : vector<16xi32>
        tpu.vector_store_idx %arg12[%min3A_1497], %get3A_1483 masked %ge3A_1484 : memref<256xf32, #tpu.memory_space<vmem>>[vector<16xi32>], vector<16xf32>, vector<16xi1>
        tpu.vector_store_idx %arg13[%min3A_1497], %add3A_1502 masked %ge3A_1484 : memref<256xi32, #tpu.memory_space<vmem>>[vector<16xi32>], vector<16xi32>, vector<16xi1>
        %all_reduce_population_count3A_1503 = tpu.all_reduce %ge3A_1484 {dim = 0 : i64, kind = #tpu.reduction_kind<sum>} : vector<16xi1> -> vector<16xi32>
        %add3A_1504 = arith.addi %add3A_1480, %all_reduce_population_count3A_1503 : vector<16xi32>
        %get3A_1505 = arith.index_cast %while3A_1376 : i32 to index
        %get3A_1506 = arith.constant 80 : index
        %get3A_1507 = tpu.vector_load %arg11[%get3A_1505, %get3A_1506] {strides = array<i32>} : memref<128x128xf32, #tpu.memory_space<vmem>>, vector<16xf32>,
        %ge3A_1508 = arith.cmpf oge, %get3A_1507, %get3A_12 : vector<16xf32>
        %broadcast_in_dim3A_1509 = arith.constant 1 : i32
        %broadcast_in_dim3A_1510 = vector.broadcast %broadcast_in_dim3A_1509 : i32 to vector<16xi32>
        %masked_cumsum3A_1511 = tpu.scan <sum>, %broadcast_in_dim3A_1510 masked %ge3A_1508 : vector<16xi32>, vector<16xi1> -> vector<16xi32>
        %add3A_1512 = arith.addi %add3A_1504, %masked_cumsum3A_1511 : vector<16xi32>
        %broadcast_in_dim3A_1513 = arith.constant 1 : i32
        %broadcast_in_dim3A_1514 = vector.broadcast %broadcast_in_dim3A_1513 : i32 to vector<16xi32>
        %sub3A_1515 = arith.subi %add3A_1512, %broadcast_in_dim3A_1514 : vector<16xi32>
        %broadcast_in_dim3A_1516 = arith.constant 0 : i32
        %broadcast_in_dim3A_1517 = vector.broadcast %broadcast_in_dim3A_1516 : i32 to vector<16xi32>
        %max3A_1518 = arith.maxsi %sub3A_1515, %broadcast_in_dim3A_1517 : vector<16xi32>
        %broadcast_in_dim3A_1519 = arith.constant 255 : i32
        %broadcast_in_dim3A_1520 = vector.broadcast %broadcast_in_dim3A_1519 : i32 to vector<16xi32>
        %min3A_1521 = arith.minsi %max3A_1518, %broadcast_in_dim3A_1520 : vector<16xi32>
        %broadcast_in_dim3A_1522 = arith.constant 80 : i32
        %broadcast_in_dim3A_1523 = vector.broadcast %broadcast_in_dim3A_1522 : i32 to vector<16xi32>
        %add3A_1524 = arith.addi %broadcast_in_dim3A_1384, %broadcast_in_dim3A_1523 : vector<16xi32>
        %iota3A_1525 = tpu.iota {dimensions = array<i32: 0>} : vector<16xi32>
        %add3A_1526 = arith.addi %add3A_1524, %iota3A_1525 : vector<16xi32>
        tpu.vector_store_idx %arg12[%min3A_1521], %get3A_1507 masked %ge3A_1508 : memref<256xf32, #tpu.memory_space<vmem>>[vector<16xi32>], vector<16xf32>, vector<16xi1>
        tpu.vector_store_idx %arg13[%min3A_1521], %add3A_1526 masked %ge3A_1508 : memref<256xi32, #tpu.memory_space<vmem>>[vector<16xi32>], vector<16xi32>, vector<16xi1>
        %all_reduce_population_count3A_1527 = tpu.all_reduce %ge3A_1508 {dim = 0 : i64, kind = #tpu.reduction_kind<sum>} : vector<16xi1> -> vector<16xi32>
        %add3A_1528 = arith.addi %add3A_1504, %all_reduce_population_count3A_1527 : vector<16xi32>
        %get3A_1529 = arith.index_cast %while3A_1376 : i32 to index
        %get3A_1530 = arith.constant 96 : index
        %get3A_1531 = tpu.vector_load %arg11[%get3A_1529, %get3A_1530] {strides = array<i32>} : memref<128x128xf32, #tpu.memory_space<vmem>>, vector<16xf32>,
        %ge3A_1532 = arith.cmpf oge, %get3A_1531, %get3A_12 : vector<16xf32>
        %broadcast_in_dim3A_1533 = arith.constant 1 : i32
        %broadcast_in_dim3A_1534 = vector.broadcast %broadcast_in_dim3A_1533 : i32 to vector<16xi32>
        %masked_cumsum3A_1535 = tpu.scan <sum>, %broadcast_in_dim3A_1534 masked %ge3A_1532 : vector<16xi32>, vector<16xi1> -> vector<16xi32>
        %add3A_1536 = arith.addi %add3A_1528, %masked_cumsum3A_1535 : vector<16xi32>
        %broadcast_in_dim3A_1537 = arith.constant 1 : i32
        %broadcast_in_dim3A_1538 = vector.broadcast %broadcast_in_dim3A_1537 : i32 to vector<16xi32>
        %sub3A_1539 = arith.subi %add3A_1536, %broadcast_in_dim3A_1538 : vector<16xi32>
        %broadcast_in_dim3A_1540 = arith.constant 0 : i32
        %broadcast_in_dim3A_1541 = vector.broadcast %broadcast_in_dim3A_1540 : i32 to vector<16xi32>
        %max3A_1542 = arith.maxsi %sub3A_1539, %broadcast_in_dim3A_1541 : vector<16xi32>
        %broadcast_in_dim3A_1543 = arith.constant 255 : i32
        %broadcast_in_dim3A_1544 = vector.broadcast %broadcast_in_dim3A_1543 : i32 to vector<16xi32>
        %min3A_1545 = arith.minsi %max3A_1542, %broadcast_in_dim3A_1544 : vector<16xi32>
        %broadcast_in_dim3A_1546 = arith.constant 96 : i32
        %broadcast_in_dim3A_1547 = vector.broadcast %broadcast_in_dim3A_1546 : i32 to vector<16xi32>
        %add3A_1548 = arith.addi %broadcast_in_dim3A_1384, %broadcast_in_dim3A_1547 : vector<16xi32>
        %iota3A_1549 = tpu.iota {dimensions = array<i32: 0>} : vector<16xi32>
        %add3A_1550 = arith.addi %add3A_1548, %iota3A_1549 : vector<16xi32>
        tpu.vector_store_idx %arg12[%min3A_1545], %get3A_1531 masked %ge3A_1532 : memref<256xf32, #tpu.memory_space<vmem>>[vector<16xi32>], vector<16xf32>, vector<16xi1>
        tpu.vector_store_idx %arg13[%min3A_1545], %add3A_1550 masked %ge3A_1532 : memref<256xi32, #tpu.memory_space<vmem>>[vector<16xi32>], vector<16xi32>, vector<16xi1>
        %all_reduce_population_count3A_1551 = tpu.all_reduce %ge3A_1532 {dim = 0 : i64, kind = #tpu.reduction_kind<sum>} : vector<16xi1> -> vector<16xi32>
        %add3A_1552 = arith.addi %add3A_1528, %all_reduce_population_count3A_1551 : vector<16xi32>
        %get3A_1553 = arith.index_cast %while3A_1376 : i32 to index
        %get3A_1554 = arith.constant 112 : index
        %get3A_1555 = tpu.vector_load %arg11[%get3A_1553, %get3A_1554] {strides = array<i32>} : memref<128x128xf32, #tpu.memory_space<vmem>>, vector<16xf32>,
        %ge3A_1556 = arith.cmpf oge, %get3A_1555, %get3A_12 : vector<16xf32>
        %broadcast_in_dim3A_1557 = arith.constant 1 : i32
        %broadcast_in_dim3A_1558 = vector.broadcast %broadcast_in_dim3A_1557 : i32 to vector<16xi32>
        %masked_cumsum3A_1559 = tpu.scan <sum>, %broadcast_in_dim3A_1558 masked %ge3A_1556 : vector<16xi32>, vector<16xi1> -> vector<16xi32>
        %add3A_1560 = arith.addi %add3A_1552, %masked_cumsum3A_1559 : vector<16xi32>
        %broadcast_in_dim3A_1561 = arith.constant 1 : i32
        %broadcast_in_dim3A_1562 = vector.broadcast %broadcast_in_dim3A_1561 : i32 to vector<16xi32>
        %sub3A_1563 = arith.subi %add3A_1560, %broadcast_in_dim3A_1562 : vector<16xi32>
        %broadcast_in_dim3A_1564 = arith.constant 0 : i32
        %broadcast_in_dim3A_1565 = vector.broadcast %broadcast_in_dim3A_1564 : i32 to vector<16xi32>
        %max3A_1566 = arith.maxsi %sub3A_1563, %broadcast_in_dim3A_1565 : vector<16xi32>
        %broadcast_in_dim3A_1567 = arith.constant 255 : i32
        %broadcast_in_dim3A_1568 = vector.broadcast %broadcast_in_dim3A_1567 : i32 to vector<16xi32>
        %min3A_1569 = arith.minsi %max3A_1566, %broadcast_in_dim3A_1568 : vector<16xi32>
        %broadcast_in_dim3A_1570 = arith.constant 112 : i32
        %broadcast_in_dim3A_1571 = vector.broadcast %broadcast_in_dim3A_1570 : i32 to vector<16xi32>
        %add3A_1572 = arith.addi %broadcast_in_dim3A_1384, %broadcast_in_dim3A_1571 : vector<16xi32>
        %iota3A_1573 = tpu.iota {dimensions = array<i32: 0>} : vector<16xi32>
        %add3A_1574 = arith.addi %add3A_1572, %iota3A_1573 : vector<16xi32>
        tpu.vector_store_idx %arg12[%min3A_1569], %get3A_1555 masked %ge3A_1556 : memref<256xf32, #tpu.memory_space<vmem>>[vector<16xi32>], vector<16xf32>, vector<16xi1>
        tpu.vector_store_idx %arg13[%min3A_1569], %add3A_1574 masked %ge3A_1556 : memref<256xi32, #tpu.memory_space<vmem>>[vector<16xi32>], vector<16xi32>, vector<16xi1>
        %all_reduce_population_count3A_1575 = tpu.all_reduce %ge3A_1556 {dim = 0 : i64, kind = #tpu.reduction_kind<sum>} : vector<16xi1> -> vector<16xi32>
        %add3A_1576 = arith.addi %add3A_1552, %all_reduce_population_count3A_1575 : vector<16xi32>
        scf.yield %add3A_1576 : vector<16xi32>
      }
      %dma_start3A_1334 = arith.constant 0 : i32
      %dma_start3A_1335 = tpu.memref_slice %arg14[%dma_start3A_1334] : memref<256xi32, #tpu.memory_space<vmem>> -> memref<128xi32, #tpu.memory_space<vmem>>
      %dma_start3A_1336 = arith.constant 0 : i32
      %dma_start3A_1337 = tpu.memref_slice %arg13[%dma_start3A_1336] : memref<256xi32, #tpu.memory_space<vmem>> -> memref<128xi32, #tpu.memory_space<vmem>>
      %dma_start3A_1338 = arith.constant 0 : i32
      %dma_start3A_1339 = tpu.memref_slice %arg4[%dma_start3A_1338] : memref<100000xi32, #tpu.memory_space<hbm>> -> memref<100000xi32, #tpu.memory_space<hbm>>
      tpu.enqueue_indirect_dma source(%dma_start3A_1339 : memref<100000xi32, #tpu.memory_space<hbm>>) target(%dma_start3A_1335 : memref<128xi32, #tpu.memory_space<vmem>>) offsets(%dma_start3A_1337 : memref<128xi32, #tpu.memory_space<vmem>>) semaphore(%arg16 : memref<!tpu.dma_semaphore, #tpu.memory_space<semaphore_mem>>)
      %dma_start3A_1340 = arith.constant 128 : i32
      %dma_start3A_1341 = tpu.memref_slice %arg14[%dma_start3A_1340] : memref<256xi32, #tpu.memory_space<vmem>> -> memref<128xi32, #tpu.memory_space<vmem>>
      %dma_start3A_1342 = arith.constant 128 : i32
      %dma_start3A_1343 = tpu.memref_slice %arg13[%dma_start3A_1342] : memref<256xi32, #tpu.memory_space<vmem>> -> memref<128xi32, #tpu.memory_space<vmem>>
      %dma_start3A_1344 = arith.constant 0 : i32
      %dma_start3A_1345 = tpu.memref_slice %arg4[%dma_start3A_1344] : memref<100000xi32, #tpu.memory_space<hbm>> -> memref<100000xi32, #tpu.memory_space<hbm>>
      tpu.enqueue_indirect_dma source(%dma_start3A_1345 : memref<100000xi32, #tpu.memory_space<hbm>>) target(%dma_start3A_1341 : memref<128xi32, #tpu.memory_space<vmem>>) offsets(%dma_start3A_1343 : memref<128xi32, #tpu.memory_space<vmem>>) semaphore(%arg16 : memref<!tpu.dma_semaphore, #tpu.memory_space<semaphore_mem>>)
      %mul3A_1346 = arith.constant 256 : i32
      %mul3A_1347 = arith.muli %add3A_9, %mul3A_1346 : i32
      %dma_start3A_1348 = tpu.memref_slice %arg5[%mul3A_1347] : memref<262144xf32, #tpu.memory_space<hbm>> -> memref<256xf32, #tpu.memory_space<hbm>>
      %dma_start3A_1349 = tpu.memref_slice %arg5[%mul3A_1347] : memref<262144xf32, #tpu.memory_space<hbm>> -> memref<256xf32, #tpu.memory_space<hbm>>
      tpu.enqueue_dma source(%arg12 : memref<256xf32, #tpu.memory_space<vmem>>) target(%dma_start3A_1349 : memref<256xf32, #tpu.memory_space<hbm>>) target_semaphore(%arg16 : memref<!tpu.dma_semaphore, #tpu.memory_space<semaphore_mem>>)
      %mul3A_1350 = arith.constant 256 : i32
      %mul3A_1351 = arith.muli %add3A_9, %mul3A_1350 : i32
      %dma_start3A_1352 = tpu.memref_slice %arg6[%mul3A_1351] : memref<262144xi32, #tpu.memory_space<hbm>> -> memref<256xi32, #tpu.memory_space<hbm>>
      %dma_start3A_1353 = tpu.memref_slice %arg6[%mul3A_1351] : memref<262144xi32, #tpu.memory_space<hbm>> -> memref<256xi32, #tpu.memory_space<hbm>>
      tpu.enqueue_dma source(%arg13 : memref<256xi32, #tpu.memory_space<vmem>>) target(%dma_start3A_1353 : memref<256xi32, #tpu.memory_space<hbm>>) target_semaphore(%arg16 : memref<!tpu.dma_semaphore, #tpu.memory_space<semaphore_mem>>)
      %dma_wait3A_1354 = arith.constant 0 : i32
      %dma_wait3A_1355 = tpu.memref_slice %arg14[%dma_wait3A_1354] : memref<256xi32, #tpu.memory_space<vmem>> -> memref<128xi32, #tpu.memory_space<vmem>>
      %dma_wait3A_1356 = arith.constant 0 : i32
      %dma_wait3A_1357 = tpu.memref_slice %arg13[%dma_wait3A_1356] : memref<256xi32, #tpu.memory_space<vmem>> -> memref<128xi32, #tpu.memory_space<vmem>>
      %dma_wait3A_1358 = arith.constant 0 : i32
      %dma_wait3A_1359 = tpu.memref_slice %arg4[%dma_wait3A_1358] : memref<100000xi32, #tpu.memory_space<hbm>> -> memref<100000xi32, #tpu.memory_space<hbm>>
      tpu.wait_indirect_dma semaphore(%arg16 : memref<!tpu.dma_semaphore, #tpu.memory_space<semaphore_mem>>) src(%dma_wait3A_1359 : memref<100000xi32, #tpu.memory_space<hbm>>) dst(%dma_wait3A_1355 : memref<128xi32, #tpu.memory_space<vmem>>)
      %dma_wait3A_1360 = arith.constant 128 : i32
      %dma_wait3A_1361 = tpu.memref_slice %arg14[%dma_wait3A_1360] : memref<256xi32, #tpu.memory_space<vmem>> -> memref<128xi32, #tpu.memory_space<vmem>>
      %dma_wait3A_1362 = arith.constant 128 : i32
      %dma_wait3A_1363 = tpu.memref_slice %arg13[%dma_wait3A_1362] : memref<256xi32, #tpu.memory_space<vmem>> -> memref<128xi32, #tpu.memory_space<vmem>>
      %dma_wait3A_1364 = arith.constant 0 : i32
      %dma_wait3A_1365 = tpu.memref_slice %arg4[%dma_wait3A_1364] : memref<100000xi32, #tpu.memory_space<hbm>> -> memref<100000xi32, #tpu.memory_space<hbm>>
      tpu.wait_indirect_dma semaphore(%arg16 : memref<!tpu.dma_semaphore, #tpu.memory_space<semaphore_mem>>) src(%dma_wait3A_1365 : memref<100000xi32, #tpu.memory_space<hbm>>) dst(%dma_wait3A_1361 : memref<128xi32, #tpu.memory_space<vmem>>)
      %mul3A_1366 = arith.constant 256 : i32
      %mul3A_1367 = arith.muli %add3A_9, %mul3A_1366 : i32
      %dma_start3A_1368 = tpu.memref_slice %arg7[%mul3A_1367] : memref<262144xi32, #tpu.memory_space<hbm>> -> memref<256xi32, #tpu.memory_space<hbm>>
      %dma_start3A_1369 = tpu.memref_slice %arg7[%mul3A_1367] : memref<262144xi32, #tpu.memory_space<hbm>> -> memref<256xi32, #tpu.memory_space<hbm>>
      tpu.enqueue_dma source(%arg14 : memref<256xi32, #tpu.memory_space<vmem>>) target(%dma_start3A_1369 : memref<256xi32, #tpu.memory_space<hbm>>) target_semaphore(%arg16 : memref<!tpu.dma_semaphore, #tpu.memory_space<semaphore_mem>>)
      %dma_wait3A_1370 = tpu.memref_slice %arg5[%mul3A_1347] : memref<262144xf32, #tpu.memory_space<hbm>> -> memref<256xf32, #tpu.memory_space<hbm>>
      %dma_wait3A_1371 = tpu.memref_slice %arg5[%mul3A_1347] : memref<262144xf32, #tpu.memory_space<hbm>> -> memref<256xf32, #tpu.memory_space<hbm>>
      tpu.wait_dma2 semaphore(%arg16 : memref<!tpu.dma_semaphore, #tpu.memory_space<semaphore_mem>>) src(%arg12 : memref<256xf32, #tpu.memory_space<vmem>>) dst(%dma_wait3A_1371 : memref<256xf32, #tpu.memory_space<hbm>>)
      %dma_wait3A_1372 = tpu.memref_slice %arg6[%mul3A_1351] : memref<262144xi32, #tpu.memory_space<hbm>> -> memref<256xi32, #tpu.memory_space<hbm>>
      %dma_wait3A_1373 = tpu.memref_slice %arg6[%mul3A_1351] : memref<262144xi32, #tpu.memory_space<hbm>> -> memref<256xi32, #tpu.memory_space<hbm>>
      tpu.wait_dma2 semaphore(%arg16 : memref<!tpu.dma_semaphore, #tpu.memory_space<semaphore_mem>>) src(%arg13 : memref<256xi32, #tpu.memory_space<vmem>>) dst(%dma_wait3A_1373 : memref<256xi32, #tpu.memory_space<hbm>>)
      %dma_wait3A_1374 = tpu.memref_slice %arg7[%mul3A_1367] : memref<262144xi32, #tpu.memory_space<hbm>> -> memref<256xi32, #tpu.memory_space<hbm>>
      %dma_wait3A_1375 = tpu.memref_slice %arg7[%mul3A_1367] : memref<262144xi32, #tpu.memory_space<hbm>> -> memref<256xi32, #tpu.memory_space<hbm>>
      tpu.wait_dma2 semaphore(%arg16 : memref<!tpu.dma_semaphore, #tpu.memory_space<semaphore_mem>>) src(%arg14 : memref<256xi32, #tpu.memory_space<vmem>>) dst(%dma_wait3A_1375 : memref<256xi32, #tpu.memory_space<hbm>>)
    }
    %scan3A_7 = arith.constant 32 : i32
    return
  }
}

module attributes {stable_mosaic.version = 14 : i64} {
  func.func @_score_body(%arg0: i32, %arg1: memref<1024x256xf32, #tpu.memory_space<vmem>>, %arg2: memref<256x128xf32, #tpu.memory_space<vmem>>, %arg3: memref<2048x128xf32, #tpu.memory_space<vmem>>, %arg4: memref<1024x2048xf32, #tpu.memory_space<vmem>>, %arg5: memref<1x1024x16xf32, #tpu.memory_space<vmem>>, %arg6: memref<1024x128xf32, #tpu.memory_space<vmem>>) attributes {dimension_semantics = [#tpu.dimension_semantics<arbitrary>], iteration_bounds = array<i64: 49>, scalar_prefetch = 0 : i64, scratch_operands = 1 : i64, tpu.core_type = #tpu.core_type<tc>, window_params = [{pipeline_mode = #tpu.pipeline_mode<synchronous>, transform_indices = @transform_0, window_bounds = array<i64: 1024, 256>}, {pipeline_mode = #tpu.pipeline_mode<synchronous>, transform_indices = @transform_1, window_bounds = array<i64: 256, 128>}, {transform_indices = @transform_2, window_bounds = array<i64: 2048, 128>}, {transform_indices = @transform_3, window_bounds = array<i64: 1024, 2048>}, {transform_indices = @transform_4, window_bounds = array<i64: 1, 1024, 16>}]} {
    %eq3A = arith.constant 0 : i32
    %eq3A_0 = arith.cmpi eq, %arg0, %eq3A : i32
    %convert_element_type3A = arith.extui %eq3A_0 : i1 to i32
    %cond3A = arith.constant 0 : i32
    %cond3A_1 = arith.cmpi ne, %convert_element_type3A, %cond3A : i32
    scf.if %cond3A_1 {
      %get3A_22 = arith.constant 0 : index
      %get3A_23 = arith.constant 0 : index
      %get3A_24 = vector.load %arg1[%get3A_22, %get3A_23] : memref<1024x256xf32, #tpu.memory_space<vmem>>, vector<1024x256xf32>
      %get3A_25 = arith.constant 0 : index
      %get3A_26 = arith.constant 0 : index
      %get3A_27 = vector.load %arg2[%get3A_25, %get3A_26] : memref<256x128xf32, #tpu.memory_space<vmem>>, vector<256x128xf32>
      %dot_general3A_28 = arith.constant dense<0.000000e+00> : vector<1024x128xf32>
      %dot_general3A_29 = tpu.matmul %get3A_24, %get3A_27, %dot_general3A_28 {dimension_numbers = #tpu.dot_dimension_numbers<[1], [0], [0], [1], [0, 0, 1, 1], [], []>, transpose_lhs_hint = false} : vector<1024x256xf32>, vector<256x128xf32>, vector<1024x128xf32> -> vector<1024x128xf32>
      %swap3A_30 = arith.constant 0 : index
      %swap3A_31 = arith.constant 0 : index
      %swap3A_32 = vector.load %arg6[%swap3A_30, %swap3A_31] : memref<1024x128xf32, #tpu.memory_space<vmem>>, vector<1024x128xf32>
      tpu.vector_store %arg6[%swap3A_30, %swap3A_31], %dot_general3A_29 {strides = array<i32>} : memref<1024x128xf32, #tpu.memory_space<vmem>>, vector<1024x128xf32>,
    } else {
    }
    %get3A = arith.constant 0 : index
    %get3A_2 = arith.constant 0 : index
    %get3A_3 = vector.load %arg6[%get3A, %get3A_2] : memref<1024x128xf32, #tpu.memory_space<vmem>>, vector<1024x128xf32>
    %get3A_4 = arith.constant 0 : index
    %get3A_5 = arith.constant 0 : index
    %get3A_6 = vector.load %arg3[%get3A_4, %get3A_5] : memref<2048x128xf32, #tpu.memory_space<vmem>>, vector<2048x128xf32>
    %dot_general3A = arith.constant dense<0.000000e+00> : vector<1024x2048xf32>
    %dot_general3A_7 = tpu.matmul %get3A_3, %get3A_6, %dot_general3A {dimension_numbers = #tpu.dot_dimension_numbers<[1], [1], [0], [0], [0, 0, 1, 0], [], []>, transpose_lhs_hint = false} : vector<1024x128xf32>, vector<2048x128xf32>, vector<1024x2048xf32> -> vector<1024x2048xf32>
    %mul3A = arith.constant 2048 : i32
    %mul3A_8 = arith.muli %arg0, %mul3A : i32
    %iota3A = tpu.iota {dimensions = array<i32: 1>} : vector<1x2048xi32>
    %add3A = vector.broadcast %mul3A_8 : i32 to vector<1x2048xi32>
    %add3A_9 = arith.addi %add3A, %iota3A : vector<1x2048xi32>
    %ge3A = arith.constant 100000 : i32
    %ge3A_10 = vector.broadcast %ge3A : i32 to vector<1x2048xi32>
    %ge3A_11 = arith.cmpi sge, %add3A_9, %ge3A_10 : vector<1x2048xi32>
    %jit3A = arith.constant 0xFF800000 : f32
    %broadcast_in_dim3A = vector.shape_cast %ge3A_11 : vector<1x2048xi1> to vector<1x2048xi1>
    %broadcast_in_dim3A_12 = vector.broadcast %broadcast_in_dim3A : vector<1x2048xi1> to vector<1024x2048xi1>
    %broadcast_in_dim3A_13 = vector.broadcast %jit3A : f32 to vector<1024x2048xf32>
    %select_n3A = arith.select %broadcast_in_dim3A_12, %broadcast_in_dim3A_13, %dot_general3A_7 : vector<1024x2048xi1>, vector<1024x2048xf32>
    %swap3A = arith.constant 0 : index
    %swap3A_14 = arith.constant 0 : index
    %swap3A_15 = vector.load %arg4[%swap3A, %swap3A_14] : memref<1024x2048xf32, #tpu.memory_space<vmem>>, vector<1024x2048xf32>
    tpu.vector_store %arg4[%swap3A, %swap3A_14], %select_n3A {strides = array<i32>} : memref<1024x2048xf32, #tpu.memory_space<vmem>>, vector<1024x2048xf32>,
    %reshape3A = vector.shape_cast %select_n3A : vector<1024x2048xf32> to vector<1024x16x128xf32>
    %reduce_max3A = arith.constant dense<0xFF800000> : vector<1024x16xf32>
    %reduce_max3A_16 = vector.multi_reduction <maximumf>, %reshape3A, %reduce_max3A [2] : vector<1024x16x128xf32> to vector<1024x16xf32>
    %broadcast_in_dim3A_17 = vector.shape_cast %reduce_max3A_16 : vector<1024x16xf32> to vector<1x1024x16xf32>
    %swap3A_18 = arith.constant 0 : index
    %swap3A_19 = arith.constant 0 : index
    %swap3A_20 = arith.constant 0 : index
    %swap3A_21 = vector.load %arg5[%swap3A_18, %swap3A_19, %swap3A_20] : memref<1x1024x16xf32, #tpu.memory_space<vmem>>, vector<1x1024x16xf32>
    tpu.vector_store %arg5[%swap3A_18, %swap3A_19, %swap3A_20], %broadcast_in_dim3A_17 {strides = array<i32>} : memref<1x1024x16xf32, #tpu.memory_space<vmem>>, vector<1x1024x16xf32>,
    return
  }
  func.func @transform_0(%arg0: i32) -> (i32, i32) {
    %c0_i32 = arith.constant 0 : i32
    %c0_i32_0 = arith.constant 0 : i32
    %c0_i32_1 = arith.constant 0 : i32
    return %c0_i32, %c0_i32_0 : i32, i32
  }
  func.func @transform_1(%arg0: i32) -> (i32, i32) {
    %c0_i32 = arith.constant 0 : i32
    %c0_i32_0 = arith.constant 0 : i32
    %c0_i32_1 = arith.constant 0 : i32
    return %c0_i32, %c0_i32_0 : i32, i32
  }
  func.func @transform_2(%arg0: i32) -> (i32, i32) {
    %c0_i32 = arith.constant 0 : i32
    %c0_i32_0 = arith.constant 0 : i32
    return %arg0, %c0_i32 : i32, i32
  }
  func.func @transform_3(%arg0: i32) -> (i32, i32) {
    %c0_i32 = arith.constant 0 : i32
    %c0_i32_0 = arith.constant 0 : i32
    return %c0_i32, %arg0 : i32, i32
  }
  func.func @transform_4(%arg0: i32) -> (i32, i32, i32) {
    %c0_i32 = arith.constant 0 : i32
    %c0_i32_0 = arith.constant 0 : i32
    %c0_i32_1 = arith.constant 0 : i32
    return %arg0, %c0_i32, %c0_i32_0 : i32, i32, i32
  }
}

module attributes {stable_mosaic.version = 14 : i64} {
  func.func @_thresh_body(%arg0: memref<1024x784xf32, #tpu.memory_space<vmem>>, %arg1: memref<1024x16xf32, #tpu.memory_space<vmem>>) attributes {dimension_semantics = [], scalar_prefetch = 0 : i64, scratch_operands = 0 : i64, tpu.core_type = #tpu.core_type<tc>} {
    %get3A = arith.constant 0 : index
    %get3A_0 = arith.constant 0 : index
    %get3A_1 = vector.load %arg0[%get3A, %get3A_0] : memref<1024x784xf32, #tpu.memory_space<vmem>>, vector<1024x784xf32>
    %scan3A = arith.constant 0 : i32
    %scan3A_2 = arith.constant 99 : i32
    %scan3A_3 = arith.addi %scan3A, %scan3A_2 : i32
    %scan3A_4 = arith.constant 1 : i32
    %scan3A_5 = scf.for %scan3A_11 = %scan3A to %scan3A_3 step %scan3A_4 iter_args(%scan3A_12 = %get3A_1) -> (vector<1024x784xf32>)  : i32 {
      %reduce_max3A_13 = arith.constant dense<0xFF800000> : vector<1024xf32>
      %reduce_max3A_14 = vector.multi_reduction <maximumf>, %scan3A_12, %reduce_max3A_13 [1] : vector<1024x784xf32> to vector<1024xf32>
      %broadcast_in_dim3A_15 = vector.shape_cast %reduce_max3A_14 : vector<1024xf32> to vector<1024x1xf32>
      %ge3A = vector.broadcast %broadcast_in_dim3A_15 : vector<1024x1xf32> to vector<1024x784xf32>
      %ge3A_16 = arith.cmpf oge, %scan3A_12, %ge3A : vector<1024x784xf32>
      %jit3A = arith.constant 0xFF800000 : f32
      %broadcast_in_dim3A_17 = vector.broadcast %jit3A : f32 to vector<1024x784xf32>
      %select_n3A = arith.select %ge3A_16, %broadcast_in_dim3A_17, %scan3A_12 : vector<1024x784xi1>, vector<1024x784xf32>
      scf.yield %select_n3A : vector<1024x784xf32>
    }
    %reduce_max3A = arith.constant dense<0xFF800000> : vector<1024xf32>
    %reduce_max3A_6 = vector.multi_reduction <maximumf>, %scan3A_5, %reduce_max3A [1] : vector<1024x784xf32> to vector<1024xf32>
    %broadcast_in_dim3A = vector.shape_cast %reduce_max3A_6 : vector<1024xf32> to vector<1024x1xf32>
    %broadcast_in_dim3A_7 = vector.shape_cast %broadcast_in_dim3A : vector<1024x1xf32> to vector<1024x1xf32>
    %broadcast_in_dim3A_8 = vector.broadcast %broadcast_in_dim3A_7 : vector<1024x1xf32> to vector<1024x16xf32>
    %swap3A = arith.constant 0 : index
    %swap3A_9 = arith.constant 0 : index
    %swap3A_10 = vector.load %arg1[%swap3A, %swap3A_9] : memref<1024x16xf32, #tpu.memory_space<vmem>>, vector<1024x16xf32>
    tpu.vector_store %arg1[%swap3A, %swap3A_9], %broadcast_in_dim3A_8 {strides = array<i32>} : memref<1024x16xf32, #tpu.memory_space<vmem>>, vector<1024x16xf32>,
    return
  }
}

module attributes {stable_mosaic.version = 14 : i64} {
  func.func @_select_body(%arg0: memref<1024x256xf32, #tpu.memory_space<vmem>>, %arg1: memref<1024x256xi32, #tpu.memory_space<vmem>>, %arg2: memref<1024x256xi32, #tpu.memory_space<vmem>>, %arg3: memref<1024x128xi32, #tpu.memory_space<vmem>>) attributes {dimension_semantics = [], scalar_prefetch = 0 : i64, scratch_operands = 0 : i64, tpu.core_type = #tpu.core_type<tc>} {
    %get3A = arith.constant 0 : index
    %get3A_0 = arith.constant 0 : index
    %get3A_1 = vector.load %arg0[%get3A, %get3A_0] : memref<1024x256xf32, #tpu.memory_space<vmem>>, vector<1024x256xf32>
    %get3A_2 = arith.constant 0 : index
    %get3A_3 = arith.constant 0 : index
    %get3A_4 = vector.load %arg1[%get3A_2, %get3A_3] : memref<1024x256xi32, #tpu.memory_space<vmem>>, vector<1024x256xi32>
    %get3A_5 = arith.constant 0 : index
    %get3A_6 = arith.constant 0 : index
    %get3A_7 = vector.load %arg2[%get3A_5, %get3A_6] : memref<1024x256xi32, #tpu.memory_space<vmem>>, vector<1024x256xi32>
    %iota3A = tpu.iota {dimensions = array<i32: 1>} : vector<1024x128xi32>
    %broadcast_in_dim3A = arith.constant 0 : i32
    %broadcast_in_dim3A_8 = vector.broadcast %broadcast_in_dim3A : i32 to vector<1024x128xi32>
    %scan3A = arith.constant 2147483647 : i32
    %scan3A_9 = arith.constant 0 : i32
    %scan3A_10 = arith.constant 100 : i32
    %scan3A_11 = arith.addi %scan3A_9, %scan3A_10 : i32
    %scan3A_12 = arith.constant 1 : i32
    %scan3A_13:2 = scf.for %scan3A_17 = %scan3A_9 to %scan3A_11 step %scan3A_12 iter_args(%scan3A_18 = %get3A_1, %scan3A_19 = %broadcast_in_dim3A_8) -> (vector<1024x256xf32>, vector<1024x128xi32>)  : i32 {
      %reduce_max3A = arith.constant dense<0xFF800000> : vector<1024xf32>
      %reduce_max3A_20 = vector.multi_reduction <maximumf>, %scan3A_18, %reduce_max3A [1] : vector<1024x256xf32> to vector<1024xf32>
      %broadcast_in_dim3A_21 = vector.shape_cast %reduce_max3A_20 : vector<1024xf32> to vector<1024x1xf32>
      %ge3A = vector.broadcast %broadcast_in_dim3A_21 : vector<1024x1xf32> to vector<1024x256xf32>
      %ge3A_22 = arith.cmpf oge, %scan3A_18, %ge3A : vector<1024x256xf32>
      %broadcast_in_dim3A_23 = vector.broadcast %scan3A : i32 to vector<1024x256xi32>
      %select_n3A = arith.select %ge3A_22, %get3A_4, %broadcast_in_dim3A_23 : vector<1024x256xi1>, vector<1024x256xi32>
      %reduce_min3A = arith.constant dense<2147483647> : vector<1024xi32>
      %reduce_min3A_24 = vector.multi_reduction <minsi>, %select_n3A, %reduce_min3A [1] : vector<1024x256xi32> to vector<1024xi32>
      %broadcast_in_dim3A_25 = vector.shape_cast %reduce_min3A_24 : vector<1024xi32> to vector<1024x1xi32>
      %eq3A = vector.broadcast %broadcast_in_dim3A_25 : vector<1024x1xi32> to vector<1024x256xi32>
      %eq3A_26 = arith.cmpi eq, %get3A_4, %eq3A : vector<1024x256xi32>
      %and3A = arith.andi %ge3A_22, %eq3A_26 : vector<1024x256xi1>
      %jit3A = arith.constant 0 : i32
      %broadcast_in_dim3A_27 = vector.broadcast %jit3A : i32 to vector<1024x256xi32>
      %select_n3A_28 = arith.select %and3A, %get3A_7, %broadcast_in_dim3A_27 : vector<1024x256xi1>, vector<1024x256xi32>
      %reduce_sum3A = arith.constant dense<0> : vector<1024xi32>
      %reduce_sum3A_29 = vector.multi_reduction <add>, %select_n3A_28, %reduce_sum3A [1] : vector<1024x256xi32> to vector<1024xi32>
      %broadcast_in_dim3A_30 = vector.shape_cast %reduce_sum3A_29 : vector<1024xi32> to vector<1024x1xi32>
      %eq3A_31 = vector.broadcast %scan3A_17 : i32 to vector<1024x128xi32>
      %eq3A_32 = arith.cmpi eq, %iota3A, %eq3A_31 : vector<1024x128xi32>
      %jit3A_33 = arith.constant 0 : i32
      %broadcast_in_dim3A_34 = vector.shape_cast %broadcast_in_dim3A_30 : vector<1024x1xi32> to vector<1024x1xi32>
      %broadcast_in_dim3A_35 = vector.broadcast %broadcast_in_dim3A_34 : vector<1024x1xi32> to vector<1024x128xi32>
      %broadcast_in_dim3A_36 = vector.broadcast %jit3A_33 : i32 to vector<1024x128xi32>
      %select_n3A_37 = arith.select %eq3A_32, %broadcast_in_dim3A_35, %broadcast_in_dim3A_36 : vector<1024x128xi1>, vector<1024x128xi32>
      %add3A = arith.addi %scan3A_19, %select_n3A_37 : vector<1024x128xi32>
      %jit3A_38 = arith.constant 0xFF800000 : f32
      %broadcast_in_dim3A_39 = vector.broadcast %jit3A_38 : f32 to vector<1024x256xf32>
      %select_n3A_40 = arith.select %and3A, %broadcast_in_dim3A_39, %scan3A_18 : vector<1024x256xi1>, vector<1024x256xf32>
      scf.yield %select_n3A_40, %add3A : vector<1024x256xf32>, vector<1024x128xi32>
    }
    %scan3A_14 = arith.constant 100 : i32
    %swap3A = arith.constant 0 : index
    %swap3A_15 = arith.constant 0 : index
    %swap3A_16 = vector.load %arg3[%swap3A, %swap3A_15] : memref<1024x128xi32, #tpu.memory_space<vmem>>, vector<1024x128xi32>
    tpu.vector_store %arg3[%swap3A, %swap3A_15], %scan3A_13#1 {strides = array<i32>} : memref<1024x128xi32, #tpu.memory_space<vmem>>, vector<1024x128xi32>,
    return
  }
}

</mosaic_0001>

<sc_bundles>
// kernel: kernel.6.cloned.1.call-start
scs
__scs_entry_jumppad:
0x0: {  	(pc) =	sbr.rel $0x88, $3  }
0x1: {  	(tag) =	ssettag $0x0;
	lr =	simm.s32 $0x1  }
0x2: {  	[smem:$0x3F9D] =	sst lr;
	_ =	strace $0xD0000000  }
0x3: {  	_ = 	snop  }
0x4: {  	_ = 	snop  }
0x5: {  	_ = 	snop  }
0x6: {  	_ = 	snop  }
0x7: {  	_ = 	snop  }
__scs_overlays_trampoline_lowered:
0x8: {  	[smem:$0x3FAC] =	sst s0  }
0x9: {  	[smem:$0x3FAD] =	sst s1  }
0xa: {  	[smem:$0x3FAE] =	sst s2  }
0xb: {  	[smem:$0x3FAF] =	sst s3  }
0xc: {  	[smem:$0x3FB0] =	sst s4  }
0xd: {  	[smem:$0x3FB1] =	sst s5  }
0xe: {  	[smem:$0x3FB2] =	sst s6  }
0xf: {  	[smem:$0x3FB3] =	sst s7  }
0x10: {  	[smem:$0x3FB4] =	sst s8  }
0x11: {  	[smem:$0x3FB5] =	sst s9;
	s0 =	simm.s32 @!p0 $0x0  }
0x12: {  	s1 =	sld [smem:$0x3F9B];
	s0 =	simm.s32 @p0 $0x1  }
0x13: {  	[smem:$0x3FB6] =	sst s0;
	s0 =	simm.s32 @!p1 $0x0  }
0x14: {  	s2 =	sld [smem:$0x3F9A];
	s0 =	simm.s32 @p1 $0x1  }
0x15: {  	[smem:$0x3FB7] =	sst s0;
	s0 =	simm.s32 @!p2 $0x0  }
0x16: {  	s3 =	sld [smem:$0x3FDB];
	s0 =	simm.s32 @p2 $0x1  }
0x17: {  	s4 =	simm.s32 $0x1BF5;
	[smem:$0x3FB9] =	sst s0  }
0x18: {  	s0 =	sld [smem:$0x3F9C];
	_ =	swait.ge [sflag:s4], $0x0  }
0x19: {  	s7 =	sld [smem:$0x3F9D]  }
0x1a: {  	s8 =	sadd.s32 $0xFFFFE003, lr  }
0x1b: {  	s9 =	sadd.s32 $0xFFFFFEF7, lr;
	s5 =	simm.s32 $0xFFFFFFFF;
	p2 =	slt.u32 s8, $0xFFFFF086  }
0x1c: {  	p1 =	slt.u32 s9, $0xF7A;
	s5 =	simm.s32 @!p2 $0x0  }
0x1d: {  	s5 =	simm.s32 @p1 $0x1;
	p0 =	seq.s32 s7, s2  }
0x1e: {  	s7 =	smul.u32 @!p0 $0xF7A, s2;
	p2 =	seq.s32 @!p0 s5, $0x0  }
0x1f: {  	s9 =	smul.u32 $0xF7A, s1;
	s8 =	simm.s32 @!p0 $0x1BF5;
	p2 =	por !p2, p0  }
0x20: {  	[sflag:s8] =	ssyncset.s32 @!p0 $0xFFFFF086;
	s6 =	sadd.s32 @!p0 s3, s7;
	s7 =	simm.s32 @!p0 $0x108  }
0x21: {  	s3 =	sadd.s32 s3, s9;
	s6 =	sadd.s32 @!p0 $0x88, s6;
	s7 =	simm.s32 @p2 $0x1082  }
0x22: {  	[simem:s7], [sflag:s8] =	dma.local @!p0 [hbm:s6], $0xF7A  }
0x23: {  	s9 =	sor.u32 $0xD0000000, s2;
	s6 =	simm.s32 $0x108;
	_ =	swait.ge @!p0 [sflag:s8], $0x0  }
0x24: {  	s3 =	sadd.s32 $0x88, s3;
	s6 =	simm.s32 @!p1 $0x1082;
	[sflag:s4] =	ssyncset.s32 $0xFFFFF086  }
0x25: {  	[simem:s6], [sflag:s4] =	dma.local [hbm:s3], $0xF7A  }
0x26: {  	[smem:$0x3F9D] =	sst s1;
	(tag) =	ssettag s2;
	_ =	strace s9  }
0x27: {  	s1 =	sld [smem:$0x3FAD]  }
0x28: {  	s2 =	sld [smem:$0x3FAE]  }
0x29: {  	s4 =	sld [smem:$0x3FB0]  }
0x2a: {  	p0 =	seq.s32 s5, $0x0;
	s5 =	sld [smem:$0x3FB1]  }
0x2b: {  	s6 =	sld [smem:$0x3FB2]  }
0x2c: {  	s7 =	sld [smem:$0x3FB3]  }
0x2d: {  	s3 =	simm.s32 $0x108;
	s8 =	sld [smem:$0x3FB4]  }
0x2e: {  	s3 =	simm.s32 @!p0 $0x1082;
	s9 =	sld [smem:$0x3FB5]  }
0x2f: {  	lr =	sadd.s32 s0, s3;
	s0 =	sld [smem:$0x3FAC]  }
0x30: {  	s3 =	sld [smem:$0x3FAF]  }
0x31: {  	[smem:$0x3FB8] =	sst s10  }
0x32: {  	s10 =	sld [smem:$0x3FB6];
	_ =	sdelay $0x3  }
0x33: {  	p0 =	seq.s32 s10, $0x1;
	s10 =	sld [smem:$0x3FB8];
	_ =	sdelay $0x3  }
0x34: {  	[smem:$0x3FB8] =	sst s10  }
0x35: {  	s10 =	sld [smem:$0x3FB7];
	_ =	sdelay $0x3  }
0x36: {  	p1 =	seq.s32 s10, $0x1;
	s10 =	sld [smem:$0x3FB8];
	_ =	sdelay $0x3  }
0x37: {  	[smem:$0x3FB8] =	sst s10  }
0x38: {  	s10 =	sld [smem:$0x3FB9]  }
0x39: {  	_ = 	snop;
	(pc) =	sbr.ind lr, $3  }
0x3a: {  	_ = 	snop  }
0x3b: {  	_ = 	snop  }
0x3c: {  	p2 =	seq.s32 s10, $0x1;
	s10 =	sld [smem:$0x3FB8]  }
0x3d: {  	_ =	shalt  }
0x3e: {  	_ =	shalt  }
0x3f: {  	_ =	shalt  }
0x40: {  	_ =	shalt  }
0x41: {  	_ =	shalt  }
0x42: {  	_ =	shalt  }
0x43: {  	_ =	shalt  }
0x44: {  	_ =	shalt  }
0x45: {  	_ =	shalt  }
0x46: {  	_ =	shalt  }
0x47: {  	_ =	shalt  }
0x48: {  	_ =	shalt  }
0x49: {  	_ =	shalt  }
0x4a: {  	_ =	shalt  }
0x4b: {  	_ =	shalt  }
0x4c: {  	_ =	shalt  }
0x4d: {  	_ =	shalt  }
0x4e: {  	_ =	shalt  }
0x4f: {  	_ =	shalt  }
0x50: {  	_ =	shalt  }
0x51: {  	_ =	shalt  }
0x52: {  	_ =	shalt  }
0x53: {  	_ =	shalt  }
0x54: {  	_ =	shalt  }
0x55: {  	_ =	shalt  }
0x56: {  	_ =	shalt  }
0x57: {  	_ =	shalt  }
0x58: {  	_ =	shalt  }
0x59: {  	_ =	shalt  }
0x5a: {  	_ =	shalt  }
0x5b: {  	_ =	shalt  }
0x5c: {  	_ =	shalt  }
0x5d: {  	_ =	shalt  }
0x5e: {  	_ =	shalt  }
0x5f: {  	_ =	shalt  }
0x60: {  	_ =	shalt  }
0x61: {  	_ =	shalt  }
0x62: {  	_ =	shalt  }
0x63: {  	_ =	shalt  }
0x64: {  	_ =	shalt  }
0x65: {  	_ =	shalt  }
0x66: {  	_ =	shalt  }
0x67: {  	_ =	shalt  }
0x68: {  	_ =	shalt  }
0x69: {  	_ =	shalt  }
0x6a: {  	_ =	shalt  }
0x6b: {  	_ =	shalt  }
0x6c: {  	_ =	shalt  }
0x6d: {  	_ =	shalt  }
0x6e: {  	_ =	shalt  }
0x6f: {  	_ =	shalt  }
0x70: {  	_ =	shalt  }
0x71: {  	_ =	shalt  }
0x72: {  	_ =	shalt  }
0x73: {  	_ =	shalt  }
0x74: {  	_ =	shalt  }
0x75: {  	_ =	shalt  }
0x76: {  	_ =	shalt  }
0x77: {  	_ =	shalt  }
0x78: {  	_ =	shalt  }
0x79: {  	_ =	shalt  }
0x7a: {  	_ =	shalt  }
0x7b: {  	_ =	shalt  }
0x7c: {  	_ =	shalt  }
0x7d: {  	_ =	shalt  }
0x7e: {  	_ =	shalt  }
0x7f: {  	_ =	shalt  }
0x80: {  	_ =	shalt  }
0x81: {  	_ =	shalt  }
0x82: {  	_ =	shalt  }
0x83: {  	_ =	shalt  }
0x84: {  	_ =	shalt  }
0x85: {  	_ =	shalt  }
0x86: {  	_ =	shalt  }
0x87: {  	_ =	shalt  }
.Lfunc_end0:
.L_simem_size_0:
called_computation_lowered:
.L_overlay_start_0:
0x88: {  	s2 =	sld [smem:$0x3FD9]  }
0x89: {  	s3 =	sld [smem:$0x3FFE];
	_ =	sdelay $0x1  }
0x8a: {  	s1 =	srdreg.scid  }
0x8b: {  	s0 =	sand.u32 $0x1, s1  }
0x8c: {  	s17 =	sshll.u32 s0, $0xA;
	s2 =	sadd.s32 s3, s2  }
0x8d: {  	s2 =	sadd.s32 s2, s17  }
0x8e: {  	[smem:$0x3FC4] =	sst s2  }
0x8f: {  	_ = 	snop  }
0x90: {  	s2 =	sld [smem:$0x3FC6];
	(tm) =	ssettm $0x1  }
0x91: {  	s18 =	sld [smem:$0x3FFB];
	_ =	sdelay $0x3  }
0x92: {  	_ =	strace s18  }
0x93: {  	s3 =	sld [smem:$0x3FFC];
	_ =	sdelay $0x3  }
0x94: {  	_ =	strace s3  }
0x95: {  	s3 =	sld [smem:$0x3FFD];
	_ =	sdelay $0x3  }
0x96: {  	_ =	strace s3  }
0x97: {  	_ =	strace $0x8FFFFFFF  }
0x98: {  	s19 =	sld [smem:$0x3FDB];
	_ =	sdelay $0x1  }
0x99: {  	s4 =	simm.s32 $_scs_section_size  }
0x9a: {  	s5 =	simm.s32 $_size__tile_overlayer_lowered;
	s6 =	simm.s32 $_tile_overlayer_lowered  }
0x9b: {  	s22 =	simm.s32 $0x1BFF;
	s21 =	sshll.u32 s6, $0x1;
	s3 =	sadd.s32 s4, s19  }
0x9c: {  	s7 =	simm.s32 $0x0;
	s20 =	sshll.u32 s5, $0x1;
	s5 =	sadd.s32 s21, s3  }
0x9d: {  	[timem:s7], [sflag:s22] =	dma.local [hbm:s5], s20  }
0x9e: {  	_ =	swait.ge [sflag:s22], s20  }
0x9f: {  	s4 =	ssub.s32 $0x0, s20;
	[sflag:s22] =	ssyncset.done $0x0  }
0xa0: {  	[sflag:s22] =	ssyncadd.s32 s4;
	_ =	sdelay $0x1  }
0xa1: {  	s23 =	simm.s32 $0x1B8B  }
0xa2: {  	_ =	swait.ge [sflag:s23], $0x1  }
0xa3: {  	[sflag:s23] =	ssyncset.done $0x0  }
0xa4: {  	s25 =	simm.s32 $0x1B8E;
	s24 =	sld [smem:$0x3FFE];
	[sflag:s23] =	ssyncadd.s32 $0xFFFFFFFF  }
0xa5: {  	s26 =	simm.s32 $execute0_lowered;
	[smem:$0x3FD2] =	sst s25  }
0xa6: {  	s5 =	sshll.u32 s26, $0x1;
	_ =	strace $0x80000046;
	[dreg:$0x1] =	wrdreg $0xFFFFFFFF  }
0xa7: {  	s28 =	simm.s32 $_size_execute0_lowered;
	s3 =	sadd.s32 s3, s5;
	[dreg:$0x0] =	wrdreg $0x0  }
0xa8: {  	s5 =	sshll.u32 s28, $0x1;
	[dreg:$0x2] =	wrdreg s3  }
0xa9: {  	[dreg:$0x3] =	wrdreg s5  }
0xaa: {  	[dreg:$0x4] =	wrdreg $0xC0  }
0xab: {  	_ =	task [dreg:s7], $0x5FFFF  }
0xac: {  	[dreg:$0x1] =	wrdreg $0xFFFFFFFF  }
0xad: {  	[dreg:$0x0] =	wrdreg $0x60  }
0xae: {  	[dreg:$0x2] =	wrdreg s24  }
0xaf: {  	[dreg:$0x3] =	wrdreg s2  }
0xb0: {  	[dreg:$0x4] =	wrdreg $0x9  }
0xb1: {  	_ =	task.clear_ibuf [dreg:s7], $0x5FFFF;
	_ =	strace $0x90000046  }
0xb2: {  	s29 =	simm.s32 $0x9;
	_ =	strace $0x80000048  }
0xb3: {  	_ =	swait.ge [sflag:s29], $0x1  }
0xb4: {  	[sflag:s29] =	ssyncadd.s32 $0xFFFFFFFF  }
0xb5: {  	_ =	strace $0x90000048  }
0xb6: {  	_ =	sfence  }
0xb7: {  	s30 =	sld [smem:$0x0];
	_ =	sdelay $0x2  }
0xb8: {  	s31 =	sshll.u32 s1, $0xD;
	s1 =	sshrl.u32 s1, $0x2  }
0xb9: {  	s3 =	sand.u32 $0x4000, s31;
	s1 =	sadd.s32 s1, s30  }
0xba: {  	s0 =	sor.u32 s3, s0;
	s1 =	sshll.u32 s1, $0x11  }
0xbb: {  	s0 =	sor.u32 s1, s0  }
0xbc: {  	s0 =	sadd.s32 $0x8F2B, s0  }
0xbd: {  	[sflag:s0] =	ssyncadd.remote.s32 $0x1  }
0xbe: {  	_ =	sfence.sel $0xFFFF  }
0xbf: {  	[dreg:$0x0] =	wrdreg $0xFFFFFFFF;
	(pc) =	sbr.abs _section_cstart, $3  }
0xc0: {  	[dreg:$0x1] =	wrdreg $0xFFFFFFFF  }
0xc1: {  	_ =	task.clear_ibuf [dreg:s7], $0x2FFFF;
	_ =	strace $0x9FFFFFFF  }
0xc2: {  	(tm) =	ssettm $0x7FFFFFFF  }
0xc3: {  	_ =	shalt  }
tec
execute0_lowered:
.L_overlay_start_1:
0x0: {  	(tag) =	ssettag $0x1  }
0x1: {  	v0 =	vlaneseq.u32  }
0x2: {  	v1 =	vimm.s32 $0x30F;
	v2 =	vimm.s32 $0x1;
	v51 =	vimm.f32 $-Inf  }
0x3: {  	v3 =	vor.u32 $0x10, v0;
	v4 =	vor.u32 $0x20, v0;
	v5 =	vor.u32 $0x30, v0  }
0x4: {  	v6 =	vor.u32 $0x40, v0;
	v7 =	vor.u32 $0x50, v0;
	v8 =	vor.u32 $0x60, v0  }
0x5: {  	v9 =	vor.u32 $0x70, v0;
	v10 =	vor.u32 $0x80, v0;
	v11 =	vor.u32 $0x90, v0  }
0x6: {  	s8 =	rddreg [dreg:$0x0];
	v12 =	vor.u32 $0xA0, v0;
	v13 =	vor.u32 $0xB0, v0;
	v14 =	vor.u32 $0xC0, v0  }
0x7: {  	s1 =	rddreg [dreg:$0x1];
	v15 =	vor.u32 $0xD0, v0;
	v16 =	vor.u32 $0xE0, v0;
	v17 =	vor.u32 $0xF0, v0  }
0x8: {  	s0 =	rddreg [dreg:$0x2];
	v18 =	vor.u32 $0x100, v0;
	v19 =	vor.u32 $0x110, v0;
	v20 =	vor.u32 $0x120, v0  }
0x9: {  	s2 =	simm.s32 $0x0;
	s6 =	srdreg.scid;
	s13 =	simm.s32 $0x480;
	v21 =	vor.u32 $0x130, v0;
	v22 =	vor.u32 $0x140, v0;
	v23 =	vor.u32 $0x150, v0  }
0xa: {  	s14 =	simm.s32 $0x500;
	s15 =	simm.s32 $0x1;
	s16 =	simm.s32 $0x4500;
	v24 =	vor.u32 $0x160, v0;
	v25 =	vor.u32 $0x170, v0;
	v26 =	vor.u32 $0x180, v0  }
0xb: {  	s17 =	simm.s32 $0x4600;
	s18 =	simm.s32 $0x4700;
	s19 =	simm.s32 $0x4680;
	v27 =	vor.u32 $0x190, v0;
	v28 =	vor.u32 $0x1A0, v0;
	v29 =	vor.u32 $0x1B0, v0  }
0xc: {  	s20 =	simm.s32 $0x4780;
	s21 =	simm.s32 $0x0;
	[smem:$0x7FF] =	sst s2;
	v30 =	vor.u32 $0x1C0, v0;
	v31 =	vor.u32 $0x1D0, v0;
	v32 =	vor.u32 $0x1E0, v0  }
0xd: {  	s3 =	sadd.s32 $0xE8D000, s8;
	s4 =	sadd.s32 $0x1000, s8;
	s5 =	sadd.s32 $0x2A000, s8;
	v33 =	vor.u32 $0x1F0, v0;
	v34 =	vor.u32 $0x200, v0;
	v35 =	vor.u32 $0x210, v0  }
.Ltmp0:
0xe: {  	s9 =	sand.u32 $0x1, s6;
	s7 =	sadd.s32 $0x1A000, s8;
	v36 =	vor.u32 $0x220, v0;
	v37 =	vor.u32 $0x230, v0;
	v38 =	vor.u32 $0x240, v0;
	(pc) =	sbr.rel .LBB2_1-.Ltmp0, $4  }
0xf: {  	s6 =	stileid.u32;
	s8 =	sadd.s32 $0x22000, s8;
	v39 =	vor.u32 $0x250, v0;
	v40 =	vor.u32 $0x260, v0;
	v41 =	vor.u32 $0x270, v0;
	s10 =	ssub.s32 $0x2, s9  }
0x10: {  	v42 =	vor.u32 $0x280, v0;
	v43 =	vor.u32 $0x290, v0;
	v44 =	vor.u32 $0x2A0, v0;
	s12 =	sshll.u32 s6, $0x6;
	s9 =	sshll.u32 s9, $0x5;
	s11 =	sshrl.u32 s10, $0x1  }
0x11: {  	v45 =	vor.u32 $0x2B0, v0;
	v46 =	vor.u32 $0x2C0, v0;
	v47 =	vor.u32 $0x2D0, v0;
	_ =	strace $0x80000047;
	s9 =	sor.u32 s9, s12;
	s10 =	ssub.s32 s10, s11  }
0x12: {  	v48 =	vor.u32 $0x2E0, v0;
	v49 =	vor.u32 $0x2F0, v0;
	v50 =	vor.u32 $0x300, v0;
	s12 =	simm.s32 $0x80;
	s11 =	simm.s32 $0x2;
	s10 =	smax.u32 s10, $0x1  }
.LBB2_6:
0x13: {  	s21 =	sadd.s32 $0x1, s21  }
0x14: {  	p0 =	sne.s32 s21, s10  }
.Ltmp1:
0x15: {  	_ = 	snop;
	(pc) =	sbr.rel @!p0 .LBB2_7-.Ltmp1, $1  }
0x16: {  	_ =	sdelay $0x3  }
.LBB2_1:
.Ltmp2:
0x17: {  	(pc) =	sbr.rel .LBB2_2-.Ltmp2, $2  }
0x18: {  	_ =	sdelay $0x2  }
0x19: {  	s22 =	simm.s32 $0x0  }
.LBB2_5:
0x1a: {  	[tilespmem:s18], [sflag:$0x1] =	stream.indirect.gather [hbm4b:s1+s12], $0x1, s17, s12, $0xb8;
	[tilespmem:$0x4880] =	vst v63  }
0x1b: {  	s23 =	sshll.u32 s23, $0x5  }
0x1c: {  	[tilespmem:s20], [sflag:$0x1] =	stream.indirect.gather [hbm4b:s1+s12], $0x1, s19, s12, $0xb8;
	[tilespmem:$0x4880] =	vst v63  }
0x1d: {  	s24 =	sadd.s32 s5, s23  }
0x1e: {  	[hbm4b:s24+s2] =	stream.linear.scatter [tilespmem:s16], [sflag:$0x1], $0x100, $0x38;
	[tilespmem:$0x4880] =	vst v63  }
0x1f: {  	s31 =	sadd.s32 s7, s23  }
0x20: {  	[hbm4b:s31+s2] =	stream.linear.scatter [tilespmem:s17], [sflag:$0x1], $0x100, $0x38;
	[tilespmem:$0x4880] =	vst v63  }
0x21: {  	_ =	swait.ge [sflag:s15], $0x80  }
0x22: {  	[sflag:s15] =	ssyncset.done $0x0  }
0x23: {  	[sflag:s15] =	ssyncadd.s32 $0xFFFFFF80  }
0x24: {  	_ =	swait.ge [sflag:s15], $0x80  }
0x25: {  	[sflag:s15] =	ssyncset.done $0x0  }
0x26: {  	s23 =	sadd.s32 s8, s23;
	[sflag:s15] =	ssyncadd.s32 $0xFFFFFF80  }
0x27: {  	[hbm4b:s23+s2] =	stream.linear.scatter [tilespmem:s18], [sflag:$0x1], $0x100, $0x38;
	[tilespmem:$0x4880] =	vst v63  }
0x28: {  	_ =	swait.ge [sflag:s15], $0x100  }
0x29: {  	[sflag:s15] =	ssyncset.done $0x0  }
0x2a: {  	s22 =	sadd.s32 $0x1, s22;
	[sflag:s15] =	ssyncadd.s32 $0xFFFFFF00  }
0x2b: {  	p0 =	sne.s32 s22, $0x20;
	_ =	swait.ge [sflag:s15], $0x100  }
.Ltmp3:
0x2c: {  	[sflag:s15] =	ssyncset.done $0x0;
	(pc) =	sbr.rel @!p0 .LBB2_6-.Ltmp3, $4  }
0x2d: {  	[sflag:s15] =	ssyncadd.s32 $0xFFFFFF00  }
0x2e: {  	_ =	swait.ge [sflag:s15], $0x100  }
0x2f: {  	[sflag:s15] =	ssyncset.done $0x0  }
0x30: {  	[sflag:s15] =	ssyncadd.s32 $0xFFFFFF00  }
.LBB2_2:
0x31: {  	s23 =	sadd.s32 s9, s22  }
0x32: {  	s24 =	smul.u32 $0x64, s23;
	_ =	sdelay $0x1  }
0x33: {  	s24 =	sadd.s32 s4, s24  }
0x34: {  	[tilespmem:s2], [sflag:$0x2] =	stream.linear.gather [hbm4b:s24+s2], $0x320, $0x38;
	[tilespmem:$0x4880] =	vst v63  }
0x35: {  	_ =	swait.ge [sflag:s11], $0x320  }
0x36: {  	[sflag:s11] =	ssyncset.done $0x0  }
0x37: {  	[sflag:s11] =	ssyncadd.s32 $0xFFFFFCE0  }
0x38: {  	v52 =	vld [tilespmem:$0x310]  }
0x39: {  	v53 =	vld [tilespmem:$0x0];
	_ =	sdelay $0x4  }
0x3a: {  	vm0 =	vge.f32 v53, v52  }
0x3b: {  	(xrf0) =	vadd.scan.msk.s32 vm0, v2;
	_ =	sdelay $0x5  }
0x3c: {  	[tilespmem:$0x380] =	vst v1;
	v58, _, _ =	vpop (xrf0)  }
0x3d: {  	[tilespmem:$0x390] =	vst v1;
	v53 =	vadd.s32 $0xFFFFFFFF, v58  }
0x3e: {  	[tilespmem:$0x3A0] =	vst v1;
	vm1 =	vgt.s32 v53, $0x0  }
0x3f: {  	[tilespmem:$0x3B0] =	vst v1;
	v53 =	vnsel vm1, $0x0, v53  }
0x40: {  	[tilespmem:$0x3C0] =	vst v1;
	v53 =	vmin.u32 v53, $0x7F  }
0x41: {  	[tilespmem:$0x3D0] =	vst v1  }
0x42: {  	[tilespmem:$0x3E0] =	vst v1  }
0x43: {  	[tilespmem:$0x3F0] =	vst v1  }
0x44: {  	s24 =	simm.s32 $0x380;
	[tilespmem:$0x400] =	vst v1  }
0x45: {  	[tilespmem:v53+s24+$0x0] =	vst.idx.msk vm0, v0  }
0x46: {  	v53 =	vld [tilespmem:$0x10];
	_ =	sdelay $0x4  }
0x47: {  	vm4 =	vge.f32 v53, v52  }
0x48: {  	(xrf0) =	vadd.scan.msk.s32 vm4, v2;
	_ =	sdelay $0x4  }
0x49: {  	v59 =	vmpcnt.ones.xlane vm0  }
0x4a: {  	v54, _, _ =	vpop (xrf0)  }
0x4b: {  	v54 =	vadd.s32 v54, v59  }
0x4c: {  	v54 =	vadd.s32 $0xFFFFFFFF, v54  }
0x4d: {  	vm5 =	vgt.s32 v54, $0x0  }
0x4e: {  	v54 =	vnsel vm5, $0x0, v54  }
0x4f: {  	v54 =	vmin.u32 v54, $0x7F;
	_ =	sdelay $0x4  }
0x50: {  	[tilespmem:v54+s24+$0x0] =	vst.idx.msk vm4, v3  }
0x51: {  	v54 =	vld [tilespmem:$0x20];
	_ =	sdelay $0x4  }
0x52: {  	vm6 =	vge.f32 v54, v52  }
0x53: {  	(xrf0) =	vadd.scan.msk.s32 vm6, v2;
	_ =	sdelay $0x3  }
0x54: {  	v60 =	vmpcnt.ones.xlane vm4;
	_ =	sdelay $0x1  }
0x55: {  	v53 =	vadd.s32 v59, v60;
	v61, _, _ =	vpop (xrf0)  }
0x56: {  	v54 =	vadd.s32 v61, v53  }
0x57: {  	v54 =	vadd.s32 $0xFFFFFFFF, v54  }
0x58: {  	vm7 =	vgt.s32 v54, $0x0  }
0x59: {  	v54 =	vnsel vm7, $0x0, v54  }
0x5a: {  	v54 =	vmin.u32 v54, $0x7F;
	_ =	sdelay $0x4  }
0x5b: {  	[tilespmem:v54+s24+$0x0] =	vst.idx.msk vm6, v4  }
0x5c: {  	v54 =	vld [tilespmem:$0x30];
	_ =	sdelay $0x4  }
0x5d: {  	vm8 =	vge.f32 v54, v52  }
0x5e: {  	(xrf0) =	vadd.scan.msk.s32 vm8, v2;
	_ =	sdelay $0x3  }
0x5f: {  	v62 =	vmpcnt.ones.xlane vm6;
	_ =	sdelay $0x1  }
0x60: {  	v53 =	vadd.s32 v53, v62;
	v63, _, _ =	vpop (xrf0)  }
0x61: {  	v54 =	vadd.s32 v63, v53  }
0x62: {  	v54 =	vadd.s32 $0xFFFFFFFF, v54  }
0x63: {  	vm9 =	vgt.s32 v54, $0x0  }
0x64: {  	v54 =	vnsel vm9, $0x0, v54  }
0x65: {  	v54 =	vmin.u32 v54, $0x7F;
	_ =	sdelay $0x4  }
0x66: {  	[tilespmem:v54+s24+$0x0] =	vst.idx.msk vm8, v5  }
0x67: {  	v54 =	vld [tilespmem:$0x40];
	_ =	sdelay $0x4  }
0x68: {  	vm10 =	vge.f32 v54, v52  }
0x69: {  	(xrf0) =	vadd.scan.msk.s32 vm10, v2;
	_ =	sdelay $0x3  }
0x6a: {  	v57 =	vmpcnt.ones.xlane vm8;
	_ =	sdelay $0x1  }
0x6b: {  	v53 =	vadd.s32 v53, v57;
	v58, _, _ =	vpop (xrf0)  }
0x6c: {  	v54 =	vadd.s32 v58, v53  }
0x6d: {  	v54 =	vadd.s32 $0xFFFFFFFF, v54  }
0x6e: {  	vm11 =	vgt.s32 v54, $0x0  }
0x6f: {  	v54 =	vnsel vm11, $0x0, v54  }
0x70: {  	v54 =	vmin.u32 v54, $0x7F;
	_ =	sdelay $0x4  }
0x71: {  	[tilespmem:v54+s24+$0x0] =	vst.idx.msk vm10, v6  }
0x72: {  	v54 =	vld [tilespmem:$0x50];
	_ =	sdelay $0x4  }
0x73: {  	vm12 =	vge.f32 v54, v52  }
0x74: {  	(xrf0) =	vadd.scan.msk.s32 vm12, v2;
	_ =	sdelay $0x3  }
0x75: {  	v59 =	vmpcnt.ones.xlane vm10;
	_ =	sdelay $0x1  }
0x76: {  	v53 =	vadd.s32 v53, v59;
	v60, _, _ =	vpop (xrf0)  }
0x77: {  	v54 =	vadd.s32 v60, v53  }
0x78: {  	v54 =	vadd.s32 $0xFFFFFFFF, v54  }
0x79: {  	vm13 =	vgt.s32 v54, $0x0  }
0x7a: {  	v54 =	vnsel vm13, $0x0, v54  }
0x7b: {  	v54 =	vmin.u32 v54, $0x7F;
	_ =	sdelay $0x4  }
0x7c: {  	[tilespmem:v54+s24+$0x0] =	vst.idx.msk vm12, v7  }
0x7d: {  	v54 =	vld [tilespmem:$0x60];
	_ =	sdelay $0x4  }
0x7e: {  	vm14 =	vge.f32 v54, v52  }
0x7f: {  	(xrf0) =	vadd.scan.msk.s32 vm14, v2;
	_ =	sdelay $0x3  }
0x80: {  	v61 =	vmpcnt.ones.xlane vm12;
	_ =	sdelay $0x1  }
0x81: {  	v53 =	vadd.s32 v53, v61;
	v62, _, _ =	vpop (xrf0)  }
0x82: {  	v54 =	vadd.s32 v62, v53  }
0x83: {  	v54 =	vadd.s32 $0xFFFFFFFF, v54  }
0x84: {  	vm15 =	vgt.s32 v54, $0x0  }
0x85: {  	v54 =	vnsel vm15, $0x0, v54  }
0x86: {  	v54 =	vmin.u32 v54, $0x7F;
	_ =	sdelay $0x4  }
0x87: {  	[tilespmem:v54+s24+$0x0] =	vst.idx.msk vm14, v8  }
0x88: {  	v54 =	vld [tilespmem:$0x70];
	_ =	sdelay $0x4  }
0x89: {  	vm4 =	vge.f32 v54, v52  }
0x8a: {  	(xrf0) =	vadd.scan.msk.s32 vm4, v2;
	_ =	sdelay $0x3  }
0x8b: {  	v63 =	vmpcnt.ones.xlane vm14;
	_ =	sdelay $0x1  }
0x8c: {  	v53 =	vadd.s32 v53, v63;
	v57, _, _ =	vpop (xrf0)  }
0x8d: {  	v54 =	vadd.s32 v57, v53  }
0x8e: {  	v54 =	vadd.s32 $0xFFFFFFFF, v54  }
0x8f: {  	vm5 =	vgt.s32 v54, $0x0  }
0x90: {  	v54 =	vnsel vm5, $0x0, v54  }
0x91: {  	v54 =	vmin.u32 v54, $0x7F;
	_ =	sdelay $0x4  }
0x92: {  	[tilespmem:v54+s24+$0x0] =	vst.idx.msk vm4, v9  }
0x93: {  	v54 =	vld [tilespmem:$0x80];
	_ =	sdelay $0x4  }
0x94: {  	vm6 =	vge.f32 v54, v52  }
0x95: {  	(xrf0) =	vadd.scan.msk.s32 vm6, v2;
	_ =	sdelay $0x3  }
0x96: {  	v58 =	vmpcnt.ones.xlane vm4;
	_ =	sdelay $0x1  }
0x97: {  	v53 =	vadd.s32 v53, v58;
	v59, _, _ =	vpop (xrf0)  }
0x98: {  	v54 =	vadd.s32 v59, v53  }
0x99: {  	v54 =	vadd.s32 $0xFFFFFFFF, v54  }
0x9a: {  	vm7 =	vgt.s32 v54, $0x0  }
0x9b: {  	v54 =	vnsel vm7, $0x0, v54  }
0x9c: {  	v54 =	vmin.u32 v54, $0x7F;
	_ =	sdelay $0x4  }
0x9d: {  	[tilespmem:v54+s24+$0x0] =	vst.idx.msk vm6, v10  }
0x9e: {  	v54 =	vld [tilespmem:$0x90];
	_ =	sdelay $0x4  }
0x9f: {  	vm8 =	vge.f32 v54, v52  }
0xa0: {  	(xrf0) =	vadd.scan.msk.s32 vm8, v2;
	_ =	sdelay $0x3  }
0xa1: {  	v60 =	vmpcnt.ones.xlane vm6;
	_ =	sdelay $0x1  }
0xa2: {  	v53 =	vadd.s32 v53, v60;
	v61, _, _ =	vpop (xrf0)  }
0xa3: {  	v54 =	vadd.s32 v61, v53  }
0xa4: {  	v54 =	vadd.s32 $0xFFFFFFFF, v54  }
0xa5: {  	vm9 =	vgt.s32 v54, $0x0  }
0xa6: {  	v54 =	vnsel vm9, $0x0, v54  }
0xa7: {  	v54 =	vmin.u32 v54, $0x7F;
	_ =	sdelay $0x4  }
0xa8: {  	[tilespmem:v54+s24+$0x0] =	vst.idx.msk vm8, v11  }
0xa9: {  	v54 =	vld [tilespmem:$0xA0];
	_ =	sdelay $0x4  }
0xaa: {  	vm10 =	vge.f32 v54, v52  }
0xab: {  	(xrf0) =	vadd.scan.msk.s32 vm10, v2;
	_ =	sdelay $0x3  }
0xac: {  	v62 =	vmpcnt.ones.xlane vm8;
	_ =	sdelay $0x1  }
0xad: {  	v53 =	vadd.s32 v53, v62;
	v63, _, _ =	vpop (xrf0)  }
0xae: {  	v54 =	vadd.s32 v63, v53  }
0xaf: {  	v54 =	vadd.s32 $0xFFFFFFFF, v54  }
0xb0: {  	vm11 =	vgt.s32 v54, $0x0  }
0xb1: {  	v54 =	vnsel vm11, $0x0, v54  }
0xb2: {  	v54 =	vmin.u32 v54, $0x7F;
	_ =	sdelay $0x4  }
0xb3: {  	[tilespmem:v54+s24+$0x0] =	vst.idx.msk vm10, v12  }
0xb4: {  	v54 =	vld [tilespmem:$0xB0];
	_ =	sdelay $0x4  }
0xb5: {  	vm12 =	vge.f32 v54, v52  }
0xb6: {  	(xrf0) =	vadd.scan.msk.s32 vm12, v2;
	_ =	sdelay $0x3  }
0xb7: {  	v57 =	vmpcnt.ones.xlane vm10;
	_ =	sdelay $0x1  }
0xb8: {  	v53 =	vadd.s32 v53, v57;
	v58, _, _ =	vpop (xrf0)  }
0xb9: {  	v54 =	vadd.s32 v58, v53  }
0xba: {  	v54 =	vadd.s32 $0xFFFFFFFF, v54  }
0xbb: {  	vm13 =	vgt.s32 v54, $0x0  }
0xbc: {  	v54 =	vnsel vm13, $0x0, v54  }
0xbd: {  	v54 =	vmin.u32 v54, $0x7F;
	_ =	sdelay $0x4  }
0xbe: {  	[tilespmem:v54+s24+$0x0] =	vst.idx.msk vm12, v13  }
0xbf: {  	v54 =	vld [tilespmem:$0xC0];
	_ =	sdelay $0x4  }
0xc0: {  	vm14 =	vge.f32 v54, v52  }
0xc1: {  	(xrf0) =	vadd.scan.msk.s32 vm14, v2;
	_ =	sdelay $0x3  }
0xc2: {  	v59 =	vmpcnt.ones.xlane vm12;
	_ =	sdelay $0x1  }
0xc3: {  	v53 =	vadd.s32 v53, v59;
	v60, _, _ =	vpop (xrf0)  }
0xc4: {  	v54 =	vadd.s32 v60, v53  }
0xc5: {  	v54 =	vadd.s32 $0xFFFFFFFF, v54  }
0xc6: {  	vm15 =	vgt.s32 v54, $0x0  }
0xc7: {  	v54 =	vnsel vm15, $0x0, v54  }
0xc8: {  	v54 =	vmin.u32 v54, $0x7F;
	_ =	sdelay $0x4  }
0xc9: {  	[tilespmem:v54+s24+$0x0] =	vst.idx.msk vm14, v14  }
0xca: {  	v54 =	vld [tilespmem:$0xD0];
	_ =	sdelay $0x4  }
0xcb: {  	vm4 =	vge.f32 v54, v52  }
0xcc: {  	(xrf0) =	vadd.scan.msk.s32 vm4, v2;
	_ =	sdelay $0x3  }
0xcd: {  	v61 =	vmpcnt.ones.xlane vm14;
	_ =	sdelay $0x1  }
0xce: {  	v53 =	vadd.s32 v53, v61;
	v62, _, _ =	vpop (xrf0)  }
0xcf: {  	v54 =	vadd.s32 v62, v53  }
0xd0: {  	v54 =	vadd.s32 $0xFFFFFFFF, v54  }
0xd1: {  	vm5 =	vgt.s32 v54, $0x0  }
0xd2: {  	v54 =	vnsel vm5, $0x0, v54  }
0xd3: {  	v54 =	vmin.u32 v54, $0x7F;
	_ =	sdelay $0x4  }
0xd4: {  	[tilespmem:v54+s24+$0x0] =	vst.idx.msk vm4, v15  }
0xd5: {  	v54 =	vld [tilespmem:$0xE0];
	_ =	sdelay $0x4  }
0xd6: {  	vm6 =	vge.f32 v54, v52  }
0xd7: {  	(xrf0) =	vadd.scan.msk.s32 vm6, v2;
	_ =	sdelay $0x3  }
0xd8: {  	v63 =	vmpcnt.ones.xlane vm4;
	_ =	sdelay $0x1  }
0xd9: {  	v53 =	vadd.s32 v53, v63;
	v57, _, _ =	vpop (xrf0)  }
0xda: {  	v54 =	vadd.s32 v57, v53  }
0xdb: {  	v54 =	vadd.s32 $0xFFFFFFFF, v54  }
0xdc: {  	vm7 =	vgt.s32 v54, $0x0  }
0xdd: {  	v54 =	vnsel vm7, $0x0, v54  }
0xde: {  	v54 =	vmin.u32 v54, $0x7F;
	_ =	sdelay $0x4  }
0xdf: {  	[tilespmem:v54+s24+$0x0] =	vst.idx.msk vm6, v16  }
0xe0: {  	v54 =	vld [tilespmem:$0xF0];
	_ =	sdelay $0x4  }
0xe1: {  	vm8 =	vge.f32 v54, v52  }
0xe2: {  	(xrf0) =	vadd.scan.msk.s32 vm8, v2;
	_ =	sdelay $0x3  }
0xe3: {  	v58 =	vmpcnt.ones.xlane vm6;
	_ =	sdelay $0x1  }
0xe4: {  	v53 =	vadd.s32 v53, v58;
	v59, _, _ =	vpop (xrf0)  }
0xe5: {  	v54 =	vadd.s32 v59, v53  }
0xe6: {  	v54 =	vadd.s32 $0xFFFFFFFF, v54  }
0xe7: {  	vm9 =	vgt.s32 v54, $0x0  }
0xe8: {  	v54 =	vnsel vm9, $0x0, v54  }
0xe9: {  	v54 =	vmin.u32 v54, $0x7F;
	_ =	sdelay $0x4  }
0xea: {  	[tilespmem:v54+s24+$0x0] =	vst.idx.msk vm8, v17  }
0xeb: {  	v54 =	vld [tilespmem:$0x100];
	_ =	sdelay $0x4  }
0xec: {  	vm10 =	vge.f32 v54, v52  }
0xed: {  	(xrf0) =	vadd.scan.msk.s32 vm10, v2;
	_ =	sdelay $0x3  }
0xee: {  	v60 =	vmpcnt.ones.xlane vm8;
	_ =	sdelay $0x1  }
0xef: {  	v53 =	vadd.s32 v53, v60;
	v61, _, _ =	vpop (xrf0)  }
0xf0: {  	v54 =	vadd.s32 v61, v53  }
0xf1: {  	v54 =	vadd.s32 $0xFFFFFFFF, v54  }
0xf2: {  	vm11 =	vgt.s32 v54, $0x0  }
0xf3: {  	v54 =	vnsel vm11, $0x0, v54  }
0xf4: {  	v54 =	vmin.u32 v54, $0x7F;
	_ =	sdelay $0x4  }
0xf5: {  	[tilespmem:v54+s24+$0x0] =	vst.idx.msk vm10, v18  }
0xf6: {  	v54 =	vld [tilespmem:$0x110];
	_ =	sdelay $0x4  }
0xf7: {  	vm12 =	vge.f32 v54, v52  }
0xf8: {  	(xrf0) =	vadd.scan.msk.s32 vm12, v2;
	_ =	sdelay $0x3  }
0xf9: {  	v62 =	vmpcnt.ones.xlane vm10;
	_ =	sdelay $0x1  }
0xfa: {  	v53 =	vadd.s32 v53, v62;
	v63, _, _ =	vpop (xrf0)  }
0xfb: {  	v54 =	vadd.s32 v63, v53  }
0xfc: {  	v54 =	vadd.s32 $0xFFFFFFFF, v54  }
0xfd: {  	vm13 =	vgt.s32 v54, $0x0  }
0xfe: {  	v54 =	vnsel vm13, $0x0, v54  }
0xff: {  	v54 =	vmin.u32 v54, $0x7F;
	_ =	sdelay $0x4  }
0x100: {  	[tilespmem:v54+s24+$0x0] =	vst.idx.msk vm12, v19  }
0x101: {  	v54 =	vld [tilespmem:$0x120];
	_ =	sdelay $0x4  }
0x102: {  	vm14 =	vge.f32 v54, v52  }
0x103: {  	(xrf0) =	vadd.scan.msk.s32 vm14, v2;
	_ =	sdelay $0x3  }
0x104: {  	v57 =	vmpcnt.ones.xlane vm12;
	_ =	sdelay $0x1  }
0x105: {  	v53 =	vadd.s32 v53, v57;
	v58, _, _ =	vpop (xrf0)  }
0x106: {  	v54 =	vadd.s32 v58, v53  }
0x107: {  	v54 =	vadd.s32 $0xFFFFFFFF, v54  }
0x108: {  	vm15 =	vgt.s32 v54, $0x0  }
0x109: {  	v54 =	vnsel vm15, $0x0, v54  }
0x10a: {  	v54 =	vmin.u32 v54, $0x7F;
	_ =	sdelay $0x4  }
0x10b: {  	[tilespmem:v54+s24+$0x0] =	vst.idx.msk vm14, v20  }
0x10c: {  	v54 =	vld [tilespmem:$0x130];
	_ =	sdelay $0x4  }
0x10d: {  	vm4 =	vge.f32 v54, v52  }
0x10e: {  	(xrf0) =	vadd.scan.msk.s32 vm4, v2;
	_ =	sdelay $0x3  }
0x10f: {  	v59 =	vmpcnt.ones.xlane vm14;
	_ =	sdelay $0x1  }
0x110: {  	v53 =	vadd.s32 v53, v59;
	v60, _, _ =	vpop (xrf0)  }
0x111: {  	v54 =	vadd.s32 v60, v53  }
0x112: {  	v54 =	vadd.s32 $0xFFFFFFFF, v54  }
0x113: {  	vm5 =	vgt.s32 v54, $0x0  }
0x114: {  	v54 =	vnsel vm5, $0x0, v54  }
0x115: {  	v54 =	vmin.u32 v54, $0x7F;
	_ =	sdelay $0x4  }
0x116: {  	[tilespmem:v54+s24+$0x0] =	vst.idx.msk vm4, v21  }
0x117: {  	v54 =	vld [tilespmem:$0x140];
	_ =	sdelay $0x4  }
0x118: {  	vm6 =	vge.f32 v54, v52  }
0x119: {  	(xrf0) =	vadd.scan.msk.s32 vm6, v2;
	_ =	sdelay $0x3  }
0x11a: {  	v61 =	vmpcnt.ones.xlane vm4;
	_ =	sdelay $0x1  }
0x11b: {  	v53 =	vadd.s32 v53, v61;
	v62, _, _ =	vpop (xrf0)  }
0x11c: {  	v54 =	vadd.s32 v62, v53  }
0x11d: {  	v54 =	vadd.s32 $0xFFFFFFFF, v54  }
0x11e: {  	vm7 =	vgt.s32 v54, $0x0  }
0x11f: {  	v54 =	vnsel vm7, $0x0, v54  }
0x120: {  	v54 =	vmin.u32 v54, $0x7F;
	_ =	sdelay $0x4  }
0x121: {  	[tilespmem:v54+s24+$0x0] =	vst.idx.msk vm6, v22  }
0x122: {  	v54 =	vld [tilespmem:$0x150];
	_ =	sdelay $0x4  }
0x123: {  	vm8 =	vge.f32 v54, v52  }
0x124: {  	(xrf0) =	vadd.scan.msk.s32 vm8, v2;
	_ =	sdelay $0x3  }
0x125: {  	v63 =	vmpcnt.ones.xlane vm6;
	_ =	sdelay $0x1  }
0x126: {  	v53 =	vadd.s32 v53, v63;
	v57, _, _ =	vpop (xrf0)  }
0x127: {  	v54 =	vadd.s32 v57, v53  }
0x128: {  	v54 =	vadd.s32 $0xFFFFFFFF, v54  }
0x129: {  	vm9 =	vgt.s32 v54, $0x0  }
0x12a: {  	v54 =	vnsel vm9, $0x0, v54  }
0x12b: {  	v54 =	vmin.u32 v54, $0x7F;
	_ =	sdelay $0x4  }
0x12c: {  	[tilespmem:v54+s24+$0x0] =	vst.idx.msk vm8, v23  }
0x12d: {  	v54 =	vld [tilespmem:$0x160];
	_ =	sdelay $0x4  }
0x12e: {  	vm10 =	vge.f32 v54, v52  }
0x12f: {  	(xrf0) =	vadd.scan.msk.s32 vm10, v2;
	_ =	sdelay $0x3  }
0x130: {  	v58 =	vmpcnt.ones.xlane vm8;
	_ =	sdelay $0x1  }
0x131: {  	v53 =	vadd.s32 v53, v58;
	v59, _, _ =	vpop (xrf0)  }
0x132: {  	v54 =	vadd.s32 v59, v53  }
0x133: {  	v54 =	vadd.s32 $0xFFFFFFFF, v54  }
0x134: {  	vm11 =	vgt.s32 v54, $0x0  }
0x135: {  	v54 =	vnsel vm11, $0x0, v54  }
0x136: {  	v54 =	vmin.u32 v54, $0x7F;
	_ =	sdelay $0x4  }
0x137: {  	[tilespmem:v54+s24+$0x0] =	vst.idx.msk vm10, v24  }
0x138: {  	v54 =	vld [tilespmem:$0x170];
	_ =	sdelay $0x4  }
0x139: {  	vm12 =	vge.f32 v54, v52  }
0x13a: {  	(xrf0) =	vadd.scan.msk.s32 vm12, v2;
	_ =	sdelay $0x3  }
0x13b: {  	v60 =	vmpcnt.ones.xlane vm10;
	_ =	sdelay $0x1  }
0x13c: {  	v53 =	vadd.s32 v53, v60;
	v61, _, _ =	vpop (xrf0)  }
0x13d: {  	v54 =	vadd.s32 v61, v53  }
0x13e: {  	v54 =	vadd.s32 $0xFFFFFFFF, v54  }
0x13f: {  	vm13 =	vgt.s32 v54, $0x0  }
0x140: {  	v54 =	vnsel vm13, $0x0, v54  }
0x141: {  	v54 =	vmin.u32 v54, $0x7F;
	_ =	sdelay $0x4  }
0x142: {  	[tilespmem:v54+s24+$0x0] =	vst.idx.msk vm12, v25  }
0x143: {  	v54 =	vld [tilespmem:$0x180];
	_ =	sdelay $0x4  }
0x144: {  	vm14 =	vge.f32 v54, v52  }
0x145: {  	(xrf0) =	vadd.scan.msk.s32 vm14, v2;
	_ =	sdelay $0x3  }
0x146: {  	v62 =	vmpcnt.ones.xlane vm12;
	_ =	sdelay $0x1  }
0x147: {  	v53 =	vadd.s32 v53, v62;
	v63, _, _ =	vpop (xrf0)  }
0x148: {  	v54 =	vadd.s32 v63, v53  }
0x149: {  	v54 =	vadd.s32 $0xFFFFFFFF, v54  }
0x14a: {  	vm15 =	vgt.s32 v54, $0x0  }
0x14b: {  	v54 =	vnsel vm15, $0x0, v54  }
0x14c: {  	v54 =	vmin.u32 v54, $0x7F;
	_ =	sdelay $0x4  }
0x14d: {  	[tilespmem:v54+s24+$0x0] =	vst.idx.msk vm14, v26  }
0x14e: {  	v54 =	vld [tilespmem:$0x190];
	_ =	sdelay $0x4  }
0x14f: {  	vm4 =	vge.f32 v54, v52  }
0x150: {  	(xrf0) =	vadd.scan.msk.s32 vm4, v2;
	_ =	sdelay $0x3  }
0x151: {  	v57 =	vmpcnt.ones.xlane vm14;
	_ =	sdelay $0x1  }
0x152: {  	v53 =	vadd.s32 v53, v57;
	v58, _, _ =	vpop (xrf0)  }
0x153: {  	v54 =	vadd.s32 v58, v53  }
0x154: {  	v54 =	vadd.s32 $0xFFFFFFFF, v54  }
0x155: {  	vm5 =	vgt.s32 v54, $0x0  }
0x156: {  	v54 =	vnsel vm5, $0x0, v54  }
0x157: {  	v54 =	vmin.u32 v54, $0x7F;
	_ =	sdelay $0x4  }
0x158: {  	[tilespmem:v54+s24+$0x0] =	vst.idx.msk vm4, v27  }
0x159: {  	v54 =	vld [tilespmem:$0x1A0];
	_ =	sdelay $0x4  }
0x15a: {  	vm6 =	vge.f32 v54, v52  }
0x15b: {  	(xrf0) =	vadd.scan.msk.s32 vm6, v2;
	_ =	sdelay $0x3  }
0x15c: {  	v59 =	vmpcnt.ones.xlane vm4;
	_ =	sdelay $0x1  }
0x15d: {  	v53 =	vadd.s32 v53, v59;
	v60, _, _ =	vpop (xrf0)  }
0x15e: {  	v54 =	vadd.s32 v60, v53  }
0x15f: {  	v54 =	vadd.s32 $0xFFFFFFFF, v54  }
0x160: {  	vm7 =	vgt.s32 v54, $0x0  }
0x161: {  	v54 =	vnsel vm7, $0x0, v54  }
0x162: {  	v54 =	vmin.u32 v54, $0x7F;
	_ =	sdelay $0x4  }
0x163: {  	[tilespmem:v54+s24+$0x0] =	vst.idx.msk vm6, v28  }
0x164: {  	v54 =	vld [tilespmem:$0x1B0];
	_ =	sdelay $0x4  }
0x165: {  	vm8 =	vge.f32 v54, v52  }
0x166: {  	(xrf0) =	vadd.scan.msk.s32 vm8, v2;
	_ =	sdelay $0x3  }
0x167: {  	v61 =	vmpcnt.ones.xlane vm6;
	_ =	sdelay $0x1  }
0x168: {  	v53 =	vadd.s32 v53, v61;
	v62, _, _ =	vpop (xrf0)  }
0x169: {  	v54 =	vadd.s32 v62, v53  }
0x16a: {  	v54 =	vadd.s32 $0xFFFFFFFF, v54  }
0x16b: {  	vm9 =	vgt.s32 v54, $0x0  }
0x16c: {  	v54 =	vnsel vm9, $0x0, v54  }
0x16d: {  	v54 =	vmin.u32 v54, $0x7F;
	_ =	sdelay $0x4  }
0x16e: {  	[tilespmem:v54+s24+$0x0] =	vst.idx.msk vm8, v29  }
0x16f: {  	v54 =	vld [tilespmem:$0x1C0];
	_ =	sdelay $0x4  }
0x170: {  	vm10 =	vge.f32 v54, v52  }
0x171: {  	(xrf0) =	vadd.scan.msk.s32 vm10, v2;
	_ =	sdelay $0x3  }
0x172: {  	v63 =	vmpcnt.ones.xlane vm8;
	_ =	sdelay $0x1  }
0x173: {  	v53 =	vadd.s32 v53, v63;
	v57, _, _ =	vpop (xrf0)  }
0x174: {  	v54 =	vadd.s32 v57, v53  }
0x175: {  	v54 =	vadd.s32 $0xFFFFFFFF, v54  }
0x176: {  	vm11 =	vgt.s32 v54, $0x0  }
0x177: {  	v54 =	vnsel vm11, $0x0, v54  }
0x178: {  	v54 =	vmin.u32 v54, $0x7F;
	_ =	sdelay $0x4  }
0x179: {  	[tilespmem:v54+s24+$0x0] =	vst.idx.msk vm10, v30  }
0x17a: {  	v54 =	vld [tilespmem:$0x1D0];
	_ =	sdelay $0x4  }
0x17b: {  	vm12 =	vge.f32 v54, v52  }
0x17c: {  	(xrf0) =	vadd.scan.msk.s32 vm12, v2;
	_ =	sdelay $0x3  }
0x17d: {  	v58 =	vmpcnt.ones.xlane vm10;
	_ =	sdelay $0x1  }
0x17e: {  	v53 =	vadd.s32 v53, v58;
	v59, _, _ =	vpop (xrf0)  }
0x17f: {  	v54 =	vadd.s32 v59, v53  }
0x180: {  	v54 =	vadd.s32 $0xFFFFFFFF, v54  }
0x181: {  	vm13 =	vgt.s32 v54, $0x0  }
0x182: {  	v54 =	vnsel vm13, $0x0, v54  }
0x183: {  	v54 =	vmin.u32 v54, $0x7F;
	_ =	sdelay $0x4  }
0x184: {  	[tilespmem:v54+s24+$0x0] =	vst.idx.msk vm12, v31  }
0x185: {  	v54 =	vld [tilespmem:$0x1E0];
	_ =	sdelay $0x4  }
0x186: {  	vm14 =	vge.f32 v54, v52  }
0x187: {  	(xrf0) =	vadd.scan.msk.s32 vm14, v2;
	_ =	sdelay $0x3  }
0x188: {  	v60 =	vmpcnt.ones.xlane vm12;
	_ =	sdelay $0x1  }
0x189: {  	v53 =	vadd.s32 v53, v60;
	v61, _, _ =	vpop (xrf0)  }
0x18a: {  	v54 =	vadd.s32 v61, v53  }
0x18b: {  	v54 =	vadd.s32 $0xFFFFFFFF, v54  }
0x18c: {  	vm15 =	vgt.s32 v54, $0x0  }
0x18d: {  	v54 =	vnsel vm15, $0x0, v54  }
0x18e: {  	v54 =	vmin.u32 v54, $0x7F;
	_ =	sdelay $0x4  }
0x18f: {  	[tilespmem:v54+s24+$0x0] =	vst.idx.msk vm14, v32  }
0x190: {  	v54 =	vld [tilespmem:$0x1F0];
	_ =	sdelay $0x4  }
0x191: {  	vm4 =	vge.f32 v54, v52  }
0x192: {  	(xrf0) =	vadd.scan.msk.s32 vm4, v2;
	_ =	sdelay $0x3  }
0x193: {  	v62 =	vmpcnt.ones.xlane vm14;
	_ =	sdelay $0x1  }
0x194: {  	v53 =	vadd.s32 v53, v62;
	v63, _, _ =	vpop (xrf0)  }
0x195: {  	v54 =	vadd.s32 v63, v53  }
0x196: {  	v54 =	vadd.s32 $0xFFFFFFFF, v54  }
0x197: {  	vm5 =	vgt.s32 v54, $0x0  }
0x198: {  	v54 =	vnsel vm5, $0x0, v54  }
0x199: {  	v54 =	vmin.u32 v54, $0x7F;
	_ =	sdelay $0x4  }
0x19a: {  	[tilespmem:v54+s24+$0x0] =	vst.idx.msk vm4, v33  }
0x19b: {  	v54 =	vld [tilespmem:$0x200];
	_ =	sdelay $0x4  }
0x19c: {  	vm6 =	vge.f32 v54, v52  }
0x19d: {  	(xrf0) =	vadd.scan.msk.s32 vm6, v2;
	_ =	sdelay $0x3  }
0x19e: {  	v57 =	vmpcnt.ones.xlane vm4;
	_ =	sdelay $0x1  }
0x19f: {  	v53 =	vadd.s32 v53, v57;
	v58, _, _ =	vpop (xrf0)  }
0x1a0: {  	v54 =	vadd.s32 v58, v53  }
0x1a1: {  	v54 =	vadd.s32 $0xFFFFFFFF, v54  }
0x1a2: {  	vm7 =	vgt.s32 v54, $0x0  }
0x1a3: {  	v54 =	vnsel vm7, $0x0, v54  }
0x1a4: {  	v54 =	vmin.u32 v54, $0x7F;
	_ =	sdelay $0x4  }
0x1a5: {  	[tilespmem:v54+s24+$0x0] =	vst.idx.msk vm6, v34  }
0x1a6: {  	v54 =	vld [tilespmem:$0x210];
	_ =	sdelay $0x4  }
0x1a7: {  	vm8 =	vge.f32 v54, v52  }
0x1a8: {  	(xrf0) =	vadd.scan.msk.s32 vm8, v2;
	_ =	sdelay $0x3  }
0x1a9: {  	v59 =	vmpcnt.ones.xlane vm6;
	_ =	sdelay $0x1  }
0x1aa: {  	v53 =	vadd.s32 v53, v59;
	v60, _, _ =	vpop (xrf0)  }
0x1ab: {  	v54 =	vadd.s32 v60, v53  }
0x1ac: {  	v54 =	vadd.s32 $0xFFFFFFFF, v54  }
0x1ad: {  	vm9 =	vgt.s32 v54, $0x0  }
0x1ae: {  	v54 =	vnsel vm9, $0x0, v54  }
0x1af: {  	v54 =	vmin.u32 v54, $0x7F;
	_ =	sdelay $0x4  }
0x1b0: {  	[tilespmem:v54+s24+$0x0] =	vst.idx.msk vm8, v35  }
0x1b1: {  	v54 =	vld [tilespmem:$0x220];
	_ =	sdelay $0x4  }
0x1b2: {  	vm10 =	vge.f32 v54, v52  }
0x1b3: {  	(xrf0) =	vadd.scan.msk.s32 vm10, v2;
	_ =	sdelay $0x3  }
0x1b4: {  	v61 =	vmpcnt.ones.xlane vm8;
	_ =	sdelay $0x1  }
0x1b5: {  	v53 =	vadd.s32 v53, v61;
	v62, _, _ =	vpop (xrf0)  }
0x1b6: {  	v54 =	vadd.s32 v62, v53  }
0x1b7: {  	v54 =	vadd.s32 $0xFFFFFFFF, v54  }
0x1b8: {  	vm11 =	vgt.s32 v54, $0x0  }
0x1b9: {  	v54 =	vnsel vm11, $0x0, v54  }
0x1ba: {  	v54 =	vmin.u32 v54, $0x7F;
	_ =	sdelay $0x4  }
0x1bb: {  	[tilespmem:v54+s24+$0x0] =	vst.idx.msk vm10, v36  }
0x1bc: {  	v54 =	vld [tilespmem:$0x230];
	_ =	sdelay $0x4  }
0x1bd: {  	vm12 =	vge.f32 v54, v52  }
0x1be: {  	(xrf0) =	vadd.scan.msk.s32 vm12, v2;
	_ =	sdelay $0x3  }
0x1bf: {  	v63 =	vmpcnt.ones.xlane vm10;
	_ =	sdelay $0x1  }
0x1c0: {  	v53 =	vadd.s32 v53, v63;
	v57, _, _ =	vpop (xrf0)  }
0x1c1: {  	v54 =	vadd.s32 v57, v53  }
0x1c2: {  	v54 =	vadd.s32 $0xFFFFFFFF, v54  }
0x1c3: {  	vm13 =	vgt.s32 v54, $0x0  }
0x1c4: {  	v54 =	vnsel vm13, $0x0, v54  }
0x1c5: {  	v54 =	vmin.u32 v54, $0x7F;
	_ =	sdelay $0x4  }
0x1c6: {  	[tilespmem:v54+s24+$0x0] =	vst.idx.msk vm12, v37  }
0x1c7: {  	v54 =	vld [tilespmem:$0x240];
	_ =	sdelay $0x4  }
0x1c8: {  	vm14 =	vge.f32 v54, v52  }
0x1c9: {  	(xrf0) =	vadd.scan.msk.s32 vm14, v2;
	_ =	sdelay $0x3  }
0x1ca: {  	v58 =	vmpcnt.ones.xlane vm12;
	_ =	sdelay $0x1  }
0x1cb: {  	v53 =	vadd.s32 v53, v58;
	v59, _, _ =	vpop (xrf0)  }
0x1cc: {  	v54 =	vadd.s32 v59, v53  }
0x1cd: {  	v54 =	vadd.s32 $0xFFFFFFFF, v54  }
0x1ce: {  	vm15 =	vgt.s32 v54, $0x0  }
0x1cf: {  	v54 =	vnsel vm15, $0x0, v54  }
0x1d0: {  	v54 =	vmin.u32 v54, $0x7F;
	_ =	sdelay $0x4  }
0x1d1: {  	[tilespmem:v54+s24+$0x0] =	vst.idx.msk vm14, v38  }
0x1d2: {  	v54 =	vld [tilespmem:$0x250];
	_ =	sdelay $0x4  }
0x1d3: {  	vm4 =	vge.f32 v54, v52  }
0x1d4: {  	(xrf0) =	vadd.scan.msk.s32 vm4, v2;
	_ =	sdelay $0x3  }
0x1d5: {  	v60 =	vmpcnt.ones.xlane vm14;
	_ =	sdelay $0x1  }
0x1d6: {  	v53 =	vadd.s32 v53, v60;
	v61, _, _ =	vpop (xrf0)  }
0x1d7: {  	v54 =	vadd.s32 v61, v53  }
0x1d8: {  	v54 =	vadd.s32 $0xFFFFFFFF, v54  }
0x1d9: {  	vm5 =	vgt.s32 v54, $0x0  }
0x1da: {  	v54 =	vnsel vm5, $0x0, v54  }
0x1db: {  	v54 =	vmin.u32 v54, $0x7F;
	_ =	sdelay $0x4  }
0x1dc: {  	[tilespmem:v54+s24+$0x0] =	vst.idx.msk vm4, v39  }
0x1dd: {  	v54 =	vld [tilespmem:$0x260];
	_ =	sdelay $0x4  }
0x1de: {  	vm6 =	vge.f32 v54, v52  }
0x1df: {  	(xrf0) =	vadd.scan.msk.s32 vm6, v2;
	_ =	sdelay $0x3  }
0x1e0: {  	v62 =	vmpcnt.ones.xlane vm4;
	_ =	sdelay $0x1  }
0x1e1: {  	v53 =	vadd.s32 v53, v62;
	v63, _, _ =	vpop (xrf0)  }
0x1e2: {  	v54 =	vadd.s32 v63, v53  }
0x1e3: {  	v54 =	vadd.s32 $0xFFFFFFFF, v54  }
0x1e4: {  	vm7 =	vgt.s32 v54, $0x0  }
0x1e5: {  	v54 =	vnsel vm7, $0x0, v54  }
0x1e6: {  	v54 =	vmin.u32 v54, $0x7F;
	_ =	sdelay $0x4  }
0x1e7: {  	[tilespmem:v54+s24+$0x0] =	vst.idx.msk vm6, v40  }
0x1e8: {  	v54 =	vld [tilespmem:$0x270];
	_ =	sdelay $0x4  }
0x1e9: {  	vm8 =	vge.f32 v54, v52  }
0x1ea: {  	(xrf0) =	vadd.scan.msk.s32 vm8, v2;
	_ =	sdelay $0x3  }
0x1eb: {  	v57 =	vmpcnt.ones.xlane vm6;
	_ =	sdelay $0x1  }
0x1ec: {  	v53 =	vadd.s32 v53, v57;
	v58, _, _ =	vpop (xrf0)  }
0x1ed: {  	v54 =	vadd.s32 v58, v53  }
0x1ee: {  	v54 =	vadd.s32 $0xFFFFFFFF, v54  }
0x1ef: {  	vm9 =	vgt.s32 v54, $0x0  }
0x1f0: {  	v54 =	vnsel vm9, $0x0, v54  }
0x1f1: {  	v54 =	vmin.u32 v54, $0x7F;
	_ =	sdelay $0x4  }
0x1f2: {  	[tilespmem:v54+s24+$0x0] =	vst.idx.msk vm8, v41  }
0x1f3: {  	v54 =	vld [tilespmem:$0x280];
	_ =	sdelay $0x4  }
0x1f4: {  	vm10 =	vge.f32 v54, v52  }
0x1f5: {  	(xrf0) =	vadd.scan.msk.s32 vm10, v2;
	_ =	sdelay $0x3  }
0x1f6: {  	v59 =	vmpcnt.ones.xlane vm8;
	_ =	sdelay $0x1  }
0x1f7: {  	v53 =	vadd.s32 v53, v59;
	v60, _, _ =	vpop (xrf0)  }
0x1f8: {  	v54 =	vadd.s32 v60, v53  }
0x1f9: {  	v54 =	vadd.s32 $0xFFFFFFFF, v54  }
0x1fa: {  	vm11 =	vgt.s32 v54, $0x0  }
0x1fb: {  	v54 =	vnsel vm11, $0x0, v54  }
0x1fc: {  	v54 =	vmin.u32 v54, $0x7F;
	_ =	sdelay $0x4  }
0x1fd: {  	[tilespmem:v54+s24+$0x0] =	vst.idx.msk vm10, v42  }
0x1fe: {  	v54 =	vld [tilespmem:$0x290];
	_ =	sdelay $0x4  }
0x1ff: {  	vm12 =	vge.f32 v54, v52  }
0x200: {  	(xrf0) =	vadd.scan.msk.s32 vm12, v2;
	_ =	sdelay $0x3  }
0x201: {  	v61 =	vmpcnt.ones.xlane vm10;
	_ =	sdelay $0x1  }
0x202: {  	v53 =	vadd.s32 v53, v61;
	v62, _, _ =	vpop (xrf0)  }
0x203: {  	v54 =	vadd.s32 v62, v53  }
0x204: {  	v54 =	vadd.s32 $0xFFFFFFFF, v54  }
0x205: {  	vm13 =	vgt.s32 v54, $0x0  }
0x206: {  	v54 =	vnsel vm13, $0x0, v54  }
0x207: {  	v54 =	vmin.u32 v54, $0x7F;
	_ =	sdelay $0x4  }
0x208: {  	[tilespmem:v54+s24+$0x0] =	vst.idx.msk vm12, v43  }
0x209: {  	v54 =	vld [tilespmem:$0x2A0];
	_ =	sdelay $0x4  }
0x20a: {  	vm14 =	vge.f32 v54, v52  }
0x20b: {  	(xrf0) =	vadd.scan.msk.s32 vm14, v2;
	_ =	sdelay $0x3  }
0x20c: {  	v63 =	vmpcnt.ones.xlane vm12;
	_ =	sdelay $0x1  }
0x20d: {  	v53 =	vadd.s32 v53, v63;
	v57, _, _ =	vpop (xrf0)  }
0x20e: {  	v54 =	vadd.s32 v57, v53  }
0x20f: {  	v54 =	vadd.s32 $0xFFFFFFFF, v54  }
0x210: {  	vm15 =	vgt.s32 v54, $0x0  }
0x211: {  	v54 =	vnsel vm15, $0x0, v54  }
0x212: {  	v54 =	vmin.u32 v54, $0x7F;
	_ =	sdelay $0x4  }
0x213: {  	[tilespmem:v54+s24+$0x0] =	vst.idx.msk vm14, v44  }
0x214: {  	v54 =	vld [tilespmem:$0x2B0];
	_ =	sdelay $0x4  }
0x215: {  	vm4 =	vge.f32 v54, v52  }
0x216: {  	(xrf0) =	vadd.scan.msk.s32 vm4, v2;
	_ =	sdelay $0x3  }
0x217: {  	v58 =	vmpcnt.ones.xlane vm14;
	_ =	sdelay $0x1  }
0x218: {  	v53 =	vadd.s32 v53, v58;
	v59, _, _ =	vpop (xrf0)  }
0x219: {  	v54 =	vadd.s32 v59, v53  }
0x21a: {  	v54 =	vadd.s32 $0xFFFFFFFF, v54  }
0x21b: {  	vm5 =	vgt.s32 v54, $0x0  }
0x21c: {  	v54 =	vnsel vm5, $0x0, v54  }
0x21d: {  	v54 =	vmin.u32 v54, $0x7F;
	_ =	sdelay $0x4  }
0x21e: {  	[tilespmem:v54+s24+$0x0] =	vst.idx.msk vm4, v45  }
0x21f: {  	v54 =	vld [tilespmem:$0x2C0];
	_ =	sdelay $0x4  }
0x220: {  	vm6 =	vge.f32 v54, v52  }
0x221: {  	(xrf0) =	vadd.scan.msk.s32 vm6, v2;
	_ =	sdelay $0x3  }
0x222: {  	v60 =	vmpcnt.ones.xlane vm4;
	_ =	sdelay $0x1  }
0x223: {  	v53 =	vadd.s32 v53, v60;
	v61, _, _ =	vpop (xrf0)  }
0x224: {  	v54 =	vadd.s32 v61, v53  }
0x225: {  	v54 =	vadd.s32 $0xFFFFFFFF, v54  }
0x226: {  	vm7 =	vgt.s32 v54, $0x0  }
0x227: {  	v54 =	vnsel vm7, $0x0, v54  }
0x228: {  	v54 =	vmin.u32 v54, $0x7F;
	_ =	sdelay $0x4  }
0x229: {  	[tilespmem:v54+s24+$0x0] =	vst.idx.msk vm6, v46  }
0x22a: {  	v54 =	vld [tilespmem:$0x2D0];
	_ =	sdelay $0x4  }
0x22b: {  	vm8 =	vge.f32 v54, v52  }
0x22c: {  	(xrf0) =	vadd.scan.msk.s32 vm8, v2;
	_ =	sdelay $0x3  }
0x22d: {  	v62 =	vmpcnt.ones.xlane vm6;
	_ =	sdelay $0x1  }
0x22e: {  	v53 =	vadd.s32 v53, v62;
	v63, _, _ =	vpop (xrf0)  }
0x22f: {  	v54 =	vadd.s32 v63, v53  }
0x230: {  	v54 =	vadd.s32 $0xFFFFFFFF, v54  }
0x231: {  	vm9 =	vgt.s32 v54, $0x0  }
0x232: {  	v54 =	vnsel vm9, $0x0, v54  }
0x233: {  	v54 =	vmin.u32 v54, $0x7F;
	_ =	sdelay $0x4  }
0x234: {  	[tilespmem:v54+s24+$0x0] =	vst.idx.msk vm8, v47  }
0x235: {  	v54 =	vld [tilespmem:$0x2E0];
	_ =	sdelay $0x4  }
0x236: {  	vm10 =	vge.f32 v54, v52  }
0x237: {  	(xrf0) =	vadd.scan.msk.s32 vm10, v2;
	_ =	sdelay $0x3  }
0x238: {  	v57 =	vmpcnt.ones.xlane vm8;
	_ =	sdelay $0x1  }
0x239: {  	v53 =	vadd.s32 v53, v57;
	v58, _, _ =	vpop (xrf0)  }
0x23a: {  	v54 =	vadd.s32 v58, v53  }
0x23b: {  	v54 =	vadd.s32 $0xFFFFFFFF, v54  }
0x23c: {  	vm11 =	vgt.s32 v54, $0x0  }
0x23d: {  	v54 =	vnsel vm11, $0x0, v54  }
0x23e: {  	v54 =	vmin.u32 v54, $0x7F;
	_ =	sdelay $0x4  }
0x23f: {  	[tilespmem:v54+s24+$0x0] =	vst.idx.msk vm10, v48  }
0x240: {  	v54 =	vld [tilespmem:$0x2F0];
	_ =	sdelay $0x4  }
0x241: {  	vm12 =	vge.f32 v54, v52  }
0x242: {  	(xrf0) =	vadd.scan.msk.s32 vm12, v2;
	_ =	sdelay $0x3  }
0x243: {  	v59 =	vmpcnt.ones.xlane vm10;
	_ =	sdelay $0x1  }
0x244: {  	v53 =	vadd.s32 v53, v59;
	v60, _, _ =	vpop (xrf0)  }
0x245: {  	v54 =	vadd.s32 v60, v53  }
0x246: {  	v54 =	vadd.s32 $0xFFFFFFFF, v54  }
0x247: {  	vm13 =	vgt.s32 v54, $0x0  }
0x248: {  	v54 =	vnsel vm13, $0x0, v54  }
0x249: {  	v54 =	vmin.u32 v54, $0x7F;
	_ =	sdelay $0x4  }
0x24a: {  	[tilespmem:v54+s24+$0x0] =	vst.idx.msk vm12, v49  }
0x24b: {  	v54 =	vld [tilespmem:$0x300];
	_ =	sdelay $0x4  }
0x24c: {  	vm14 =	vge.f32 v54, v52  }
0x24d: {  	(xrf0) =	vadd.scan.msk.s32 vm14, v2;
	_ =	sdelay $0x3  }
0x24e: {  	v61 =	vmpcnt.ones.xlane vm12;
	_ =	sdelay $0x1  }
0x24f: {  	v53 =	vadd.s32 v53, v61;
	v62, _, _ =	vpop (xrf0)  }
0x250: {  	v54 =	vadd.s32 v62, v53  }
0x251: {  	v54 =	vadd.s32 $0xFFFFFFFF, v54  }
0x252: {  	vm15 =	vgt.s32 v54, $0x0  }
0x253: {  	v54 =	vnsel vm15, $0x0, v54  }
0x254: {  	v54 =	vmin.u32 v54, $0x7F  }
0x255: {  	v55 =	vmpcnt.ones.xlane vm14;
	_ =	sdelay $0x1  }
0x256: {  	v53 =	vadd.s32 v53, v55  }
0x257: {  	(v2sf) =	vpush v53, $0x0  }
0x258: {  	[tilespmem:v54+s24+$0x0] =	vst.idx.msk vm14, v50  }
0x259: {  	v54 =	vld [tilespmem:$0x380]  }
0x25a: {  	v63 =	vld [tilespmem:$0x390]  }
0x25b: {  	v56 =	vld [tilespmem:$0x3A0]  }
0x25c: {  	s25 =	smul.u32 $0x310, s23;
	v57 =	vld [tilespmem:$0x3B0]  }
0x25d: {  	v58 =	vld [tilespmem:$0x3C0]  }
0x25e: {  	[tilespmem:$0x4800] =	vst v53;
	v55 =	vld [tilespmem:$0x3E0];
	v60 =	vadd.s32 s25, v54  }
0x25f: {  	v54 =	vld [tilespmem:$0x3D0];
	v61 =	vadd.s32 s25, v63;
	[tilespmem:$0x480] =	vst v60  }
0x260: {  	v62 =	vadd.s32 s25, v56;
	v63 =	vld [tilespmem:$0x3F0];
	[tilespmem:$0x490] =	vst v61  }
0x261: {  	v59 =	vadd.s32 s25, v57;
	[tilespmem:$0x4A0] =	vst v62  }
0x262: {  	[tilespmem:$0x4B0] =	vst v59;
	v60 =	vadd.s32 s25, v58  }
0x263: {  	v62 =	vadd.s32 s25, v55;
	[tilespmem:$0x4C0] =	vst v60  }
0x264: {  	[tilespmem:$0x4E0] =	vst v62;
	v61 =	vadd.s32 s25, v54  }
0x265: {  	v63 =	vadd.s32 s25, v63;
	[tilespmem:$0x4D0] =	vst v61  }
0x266: {  	s25 =	spop (v2sf);
	[tilespmem:$0x4F0] =	vst v63  }
0x267: {  	[tilespmem:s14], [sflag:$0x1] =	stream.indirect.gather [hbm4b:s3+s12], $0x80, s13, s12, $0xb8;
	[tilespmem:$0x4880] =	vst v63  }
0x268: {  	_ =	swait.ge [sflag:s15], $0x4000  }
0x269: {  	[sflag:s15] =	ssyncset.done $0x0  }
0x26a: {  	[sflag:s15] =	ssyncadd.s32 $0xFFFFC000  }
0x26b: {  	v53 =	vimm.s32 $0x0;
	[tilespmem:$0x4500] =	vst v51  }
0x26c: {  	[tilespmem:$0x4600] =	vst v53  }
0x26d: {  	[tilespmem:$0x4510] =	vst v51  }
0x26e: {  	[tilespmem:$0x4610] =	vst v53  }
0x26f: {  	[tilespmem:$0x4520] =	vst v51  }
0x270: {  	[tilespmem:$0x4620] =	vst v53  }
0x271: {  	[tilespmem:$0x4530] =	vst v51  }
0x272: {  	[tilespmem:$0x4630] =	vst v53  }
0x273: {  	[tilespmem:$0x4540] =	vst v51  }
0x274: {  	[tilespmem:$0x4640] =	vst v53  }
0x275: {  	[tilespmem:$0x4550] =	vst v51  }
0x276: {  	[tilespmem:$0x4650] =	vst v53  }
0x277: {  	[tilespmem:$0x4560] =	vst v51  }
0x278: {  	[tilespmem:$0x4660] =	vst v53  }
0x279: {  	[tilespmem:$0x4570] =	vst v51  }
0x27a: {  	[tilespmem:$0x4670] =	vst v53  }
0x27b: {  	[tilespmem:$0x4580] =	vst v51  }
0x27c: {  	[tilespmem:$0x4680] =	vst v53  }
0x27d: {  	[tilespmem:$0x4590] =	vst v51  }
0x27e: {  	[tilespmem:$0x4690] =	vst v53  }
0x27f: {  	[tilespmem:$0x45A0] =	vst v51  }
0x280: {  	[tilespmem:$0x46A0] =	vst v53  }
0x281: {  	[tilespmem:$0x45B0] =	vst v51  }
0x282: {  	[tilespmem:$0x46B0] =	vst v53  }
0x283: {  	[tilespmem:$0x45C0] =	vst v51  }
0x284: {  	[tilespmem:$0x46C0] =	vst v53  }
0x285: {  	p0 =	slt.s32 s25, $0x1;
	[tilespmem:$0x45D0] =	vst v51  }
.Ltmp4:
0x286: {  	[tilespmem:$0x46D0] =	vst v53;
	(pc) =	sbr.rel @p0 .LBB2_5-.Ltmp4, $4  }
0x287: {  	[tilespmem:$0x45E0] =	vst v51  }
0x288: {  	[tilespmem:$0x46E0] =	vst v53  }
0x289: {  	[tilespmem:$0x45F0] =	vst v51  }
0x28a: {  	[tilespmem:$0x46F0] =	vst v53  }
0x28b: {  	p0 =	slt.s32 s25, $0x80  }
0x28c: {  	s26 =	simm.s32 $0x540;
	s25 =	simm.s32 @!p0 $0x80  }
.LBB2_4:
0x28d: {  	v54 =	vld [tilespmem:s24+$0x0]  }
0x28e: {  	v55 =	vld [tilespmem:s26+$0xFFFFFFC0];
	_ =	sdelay $0x4  }
0x28f: {  	(v2sf) =	vpush v54, $0x0;
	vm0 =	vge.f32 v55, v52  }
0x290: {  	(xrf0) =	vadd.scan.msk.s32 vm0, v2;
	_ =	sdelay $0x5  }
0x291: {  	v61, _, _ =	vpop (xrf0)  }
0x292: {  	v54 =	vadd.s32 v61, v53  }
0x293: {  	v54 =	vadd.s32 $0xFFFFFFFF, v54  }
0x294: {  	vm1 =	vgt.s32 v54, $0x0  }
0x295: {  	v54 =	vnsel vm1, $0x0, v54  }
0x296: {  	v54 =	vmin.u32 v54, $0xFF;
	_ =	sdelay $0x2  }
0x297: {  	s28 =	spop (v2sf)  }
0x298: {  	s28 =	sshll.u32 s28, $0x7  }
0x299: {  	v56 =	vor.u32 s28, v0;
	[tilespmem:v54+s16+$0x0] =	vst.idx.msk vm0, v55  }
0x29a: {  	[tilespmem:v54+s17+$0x0] =	vst.idx.msk vm0, v56  }
0x29b: {  	v54 =	vld [tilespmem:s26+$0xFFFFFFD0];
	_ =	sdelay $0x4  }
0x29c: {  	vm14 =	vge.f32 v54, v52  }
0x29d: {  	(xrf0) =	vadd.scan.msk.s32 vm14, v2;
	_ =	sdelay $0x3  }
0x29e: {  	v62 =	vmpcnt.ones.xlane vm0;
	_ =	sdelay $0x1  }
0x29f: {  	v63 =	vadd.s32 v53, v62;
	v59, _, _ =	vpop (xrf0)  }
0x2a0: {  	v55 =	vadd.s32 v59, v63  }
0x2a1: {  	v55 =	vadd.s32 $0xFFFFFFFF, v55  }
0x2a2: {  	vm15 =	vgt.s32 v55, $0x0  }
0x2a3: {  	v55 =	vnsel vm15, $0x0, v55  }
0x2a4: {  	v55 =	vmin.u32 v55, $0xFF;
	_ =	sdelay $0x4  }
0x2a5: {  	v60 =	vor.u32 s28, v3;
	[tilespmem:v55+s16+$0x0] =	vst.idx.msk vm14, v54  }
0x2a6: {  	[tilespmem:v55+s17+$0x0] =	vst.idx.msk vm14, v60  }
0x2a7: {  	v54 =	vld [tilespmem:s26+$0xFFFFFFE0];
	_ =	sdelay $0x4  }
0x2a8: {  	vm4 =	vge.f32 v54, v52  }
0x2a9: {  	(xrf0) =	vadd.scan.msk.s32 vm4, v2;
	_ =	sdelay $0x3  }
0x2aa: {  	v61 =	vmpcnt.ones.xlane vm14;
	_ =	sdelay $0x1  }
0x2ab: {  	v53 =	vadd.s32 v63, v61;
	v62, _, _ =	vpop (xrf0)  }
0x2ac: {  	v55 =	vadd.s32 v62, v53  }
0x2ad: {  	v55 =	vadd.s32 $0xFFFFFFFF, v55  }
0x2ae: {  	vm5 =	vgt.s32 v55, $0x0  }
0x2af: {  	v55 =	vnsel vm5, $0x0, v55  }
0x2b0: {  	v55 =	vmin.u32 v55, $0xFF;
	_ =	sdelay $0x4  }
0x2b1: {  	v63 =	vor.u32 s28, v4;
	[tilespmem:v55+s16+$0x0] =	vst.idx.msk vm4, v54  }
0x2b2: {  	[tilespmem:v55+s17+$0x0] =	vst.idx.msk vm4, v63  }
0x2b3: {  	v54 =	vld [tilespmem:s26+$0xFFFFFFF0];
	_ =	sdelay $0x4  }
0x2b4: {  	vm6 =	vge.f32 v54, v52  }
0x2b5: {  	(xrf0) =	vadd.scan.msk.s32 vm6, v2;
	_ =	sdelay $0x3  }
0x2b6: {  	v58 =	vmpcnt.ones.xlane vm4;
	_ =	sdelay $0x1  }
0x2b7: {  	v53 =	vadd.s32 v53, v58;
	v59, _, _ =	vpop (xrf0)  }
0x2b8: {  	v55 =	vadd.s32 v59, v53  }
0x2b9: {  	v55 =	vadd.s32 $0xFFFFFFFF, v55  }
0x2ba: {  	vm7 =	vgt.s32 v55, $0x0  }
0x2bb: {  	v55 =	vnsel vm7, $0x0, v55  }
0x2bc: {  	v55 =	vmin.u32 v55, $0xFF;
	_ =	sdelay $0x4  }
0x2bd: {  	v60 =	vor.u32 s28, v5;
	[tilespmem:v55+s16+$0x0] =	vst.idx.msk vm6, v54  }
0x2be: {  	[tilespmem:v55+s17+$0x0] =	vst.idx.msk vm6, v60  }
0x2bf: {  	v54 =	vld [tilespmem:s26+$0x0];
	_ =	sdelay $0x4  }
0x2c0: {  	vm8 =	vge.f32 v54, v52  }
0x2c1: {  	(xrf0) =	vadd.scan.msk.s32 vm8, v2;
	_ =	sdelay $0x3  }
0x2c2: {  	v61 =	vmpcnt.ones.xlane vm6;
	_ =	sdelay $0x1  }
0x2c3: {  	v53 =	vadd.s32 v53, v61;
	v62, _, _ =	vpop (xrf0)  }
0x2c4: {  	v55 =	vadd.s32 v62, v53  }
0x2c5: {  	v55 =	vadd.s32 $0xFFFFFFFF, v55  }
0x2c6: {  	vm9 =	vgt.s32 v55, $0x0  }
0x2c7: {  	v55 =	vnsel vm9, $0x0, v55  }
0x2c8: {  	v55 =	vmin.u32 v55, $0xFF;
	_ =	sdelay $0x4  }
0x2c9: {  	v63 =	vor.u32 s28, v6;
	[tilespmem:v55+s16+$0x0] =	vst.idx.msk vm8, v54  }
0x2ca: {  	[tilespmem:v55+s17+$0x0] =	vst.idx.msk vm8, v63  }
0x2cb: {  	v54 =	vld [tilespmem:s26+$0x10];
	_ =	sdelay $0x4  }
0x2cc: {  	vm10 =	vge.f32 v54, v52  }
0x2cd: {  	(xrf0) =	vadd.scan.msk.s32 vm10, v2;
	_ =	sdelay $0x3  }
0x2ce: {  	v58 =	vmpcnt.ones.xlane vm8;
	_ =	sdelay $0x1  }
0x2cf: {  	v53 =	vadd.s32 v53, v58;
	v59, _, _ =	vpop (xrf0)  }
0x2d0: {  	v55 =	vadd.s32 v59, v53  }
0x2d1: {  	v55 =	vadd.s32 $0xFFFFFFFF, v55  }
0x2d2: {  	vm11 =	vgt.s32 v55, $0x0  }
0x2d3: {  	v55 =	vnsel vm11, $0x0, v55  }
0x2d4: {  	v55 =	vmin.u32 v55, $0xFF;
	_ =	sdelay $0x4  }
0x2d5: {  	v60 =	vor.u32 s28, v7;
	[tilespmem:v55+s16+$0x0] =	vst.idx.msk vm10, v54  }
0x2d6: {  	[tilespmem:v55+s17+$0x0] =	vst.idx.msk vm10, v60  }
0x2d7: {  	v54 =	vld [tilespmem:s26+$0x20];
	_ =	sdelay $0x4  }
0x2d8: {  	vm12 =	vge.f32 v54, v52  }
0x2d9: {  	(xrf0) =	vadd.scan.msk.s32 vm12, v2;
	_ =	sdelay $0x3  }
0x2da: {  	v61 =	vmpcnt.ones.xlane vm10;
	_ =	sdelay $0x1  }
0x2db: {  	v53 =	vadd.s32 v53, v61;
	v62, _, _ =	vpop (xrf0)  }
0x2dc: {  	v55 =	vadd.s32 v62, v53  }
0x2dd: {  	v55 =	vadd.s32 $0xFFFFFFFF, v55  }
0x2de: {  	vm13 =	vgt.s32 v55, $0x0  }
0x2df: {  	v55 =	vnsel vm13, $0x0, v55  }
0x2e0: {  	v55 =	vmin.u32 v55, $0xFF;
	_ =	sdelay $0x4  }
0x2e1: {  	v63 =	vor.u32 s28, v8;
	[tilespmem:v55+s16+$0x0] =	vst.idx.msk vm12, v54  }
0x2e2: {  	[tilespmem:v55+s17+$0x0] =	vst.idx.msk vm12, v63  }
0x2e3: {  	v54 =	vld [tilespmem:s26+$0x30];
	_ =	sdelay $0x4  }
0x2e4: {  	vm14 =	vge.f32 v54, v52  }
0x2e5: {  	(xrf0) =	vadd.scan.msk.s32 vm14, v2;
	_ =	sdelay $0x3  }
0x2e6: {  	v60 =	vmpcnt.ones.xlane vm12;
	_ =	sdelay $0x1  }
0x2e7: {  	v53 =	vadd.s32 v53, v60;
	v61, _, _ =	vpop (xrf0)  }
0x2e8: {  	v55 =	vadd.s32 v61, v53  }
0x2e9: {  	v55 =	vadd.s32 $0xFFFFFFFF, v55  }
0x2ea: {  	vm15 =	vgt.s32 v55, $0x0  }
0x2eb: {  	v55 =	vnsel vm15, $0x0, v55  }
0x2ec: {  	v55 =	vmin.u32 v55, $0xFF  }
0x2ed: {  	p0 =	sne.s32 s25, $0x1  }
.Ltmp5:
0x2ee: {  	_ = 	snop;
	(pc) =	sbr.rel @p0 .LBB2_4-.Ltmp5, $4  }
0x2ef: {  	_ = 	snop  }
0x2f0: {  	v62 =	vmpcnt.ones.xlane vm14  }
0x2f1: {  	v63 =	vor.u32 s28, v9;
	[tilespmem:v55+s16+$0x0] =	vst.idx.msk vm14, v54  }
0x2f2: {  	s24 =	sadd.s32 $0x1, s24;
	s25 =	sadd.s32 $0xFFFFFFFF, s25;
	s26 =	sadd.s32 $0x80, s26;
	v53 =	vadd.s32 v53, v62;
	[tilespmem:v55+s17+$0x0] =	vst.idx.msk vm14, v63  }
.Ltmp6:
0x2f3: {  	_ = 	snop;
	(pc) =	sbr.rel .LBB2_5-.Ltmp6, $1  }
0x2f4: {  	_ =	sdelay $0x3  }
.LBB2_7:
0x2f5: {  	_ =	sfence.sel $0x180000  }
0x2f6: {  	[bflag:$0x0] =	sbarrier.arrive $0xFFFF  }
0x2f7: {  	p0 =	sne.s32 s6, $0x0;
	_ =	strace $0x90000047  }
0x2f8: {  	s0 =	sadd.s32 @!p0 $0x100000, s0;
	[bflag:$0x2] =	sbarrier.arrive $0xFFFF  }
0x2f9: {  	[sflag:s0] =	ssyncadd.tile.s32 @!p0 $0x1;
	_ =	shalt  }
.Lfunc_end2:
_tile_overlayer_lowered:
.L_overlay_start_2:
0x2fa: {  	(tag) =	ssettag $0x2  }
0x2fb: {  	s0 =	rddreg [dreg:$0x0];
	s2 =	stileid.u32  }
0x2fc: {  	s1 =	rddreg [dreg:$0x1];
	p0 =	sne.s32 s2, $0x0  }
0x2fd: {  	s3 =	rddreg [dreg:$0x2];
	[bflag:$0x3] =	sbarrier.arrive $0xFFFF;
	s2 =	simm.s32 @!p0 $0x1C02  }
0x2fe: {  	[timem:s3], [sflag:s2] =	dma.local @!p0 [hbm:s0], s1  }
0x2ff: {  	s0 =	simm.s32 @!p0 $0x2  }
0x300: {  	_ =	swait.ge @!p0 [sflag:s0], s1  }
0x301: {  	s1 =	ssub.s32 @!p0 $0x0, s1;
	[sflag:s0] =	ssyncset.done @!p0 $0x0  }
0x302: {  	[sflag:s0] =	ssyncadd.s32 @!p0 s1  }
0x303: {  	[bflag:$0x3] =	sbarrier.arrive $0xFFFF  }
0x304: {  	_ =	shalt  }

</sc_bundles>
